<compile_context>
chip_gen: v7x
topology: tpu7x:2x2x1
jax: 0.10.2.dev20260603
libtpu: 0.0.44.dev20260713+nightly
codegen_flags: <defaults>
</compile_context>

<pallas_src>
import functools

import jax
import jax.numpy as jnp
import numpy as np
from jax import lax
from jax.experimental import pallas as pl
from jax.experimental.pallas import tpu as pltpu
from jax.experimental.pallas import tpu_sc as plsc

_NC = 2
_NS = 16


def _node_precompute(x, w_src, Wp, Wq, cf):
    n, d = x.shape

    def bf16_bits(f):
        ui = lax.bitcast_convert_type(f, jnp.int32)
        rnd = ui + 0x7FFF + (lax.shift_right_logical(ui, 16) & 1)
        return lax.shift_right_logical(rnd, 16)

    def pack_halves(t):
        lo = bf16_bits(t[:, :d // 2])
        hi = bf16_bits(t[:, d // 2:])
        return lo | lax.shift_left(hi, 16)

    def body(x_ref, w_ref, wp_ref, wq_ref, cf_ref, tpq_ref, u_ref):
        xv = x_ref[...]
        a = jnp.dot(xv, w_ref[...], preferred_element_type=jnp.float32)
        u = jnp.exp(a - jnp.max(a))
        alpha = jax.nn.sigmoid(cf_ref[...])
        xb = xv.astype(jnp.bfloat16)
        p = jnp.dot(xb, wp_ref[...].astype(jnp.bfloat16),
                    preferred_element_type=jnp.float32)
        q = jnp.dot(xb, wq_ref[...].astype(jnp.bfloat16),
                    preferred_element_type=jnp.float32)
        tpq_ref[:, :d // 2] = pack_halves((alpha * u) * p)
        tpq_ref[:, d // 2:] = pack_halves(((1.0 - alpha) * u) * q)
        u_ref[...] = u

    return pl.pallas_call(
        body,
        out_shape=[
            jax.ShapeDtypeStruct((n, d), jnp.int32),
            jax.ShapeDtypeStruct((n, 1), jnp.float32),
        ],
    )(x, w_src, Wp, Wq, cf)


def _edge_pass(tpq, u, src, dst, rf, zrows, zs):
    n, d = tpq.shape
    e = src.shape[0]
    nt = _NC * _NS
    ept = e // nt
    ch = 64
    npairs = ept // (2 * ch)
    main = npairs * 2 * ch
    tail = ept - main
    hg = d // 16
    rpt = (n // _NS) & ~7
    rrem = n - _NS * rpt

    mesh = plsc.VectorSubcoreMesh(
        core_axis_name="c", subcore_axis_name="s",
        num_cores=_NC, num_subcores=_NS)

    @functools.partial(
        pl.kernel,
        mesh=mesh,
        compiler_params=pltpu.CompilerParams(needs_layout_passes=False),
        out_type=[
            jax.ShapeDtypeStruct((_NC, n, d), jnp.float32),
            jax.ShapeDtypeStruct((nt, 5, 1, n // 5), jnp.float32),
        ],
        scratch_types=[
            pltpu.VMEM((n,), jnp.float32),
            pltpu.VMEM((n,), jnp.float32),
            pltpu.VMEM((ch,), jnp.int32),
            pltpu.VMEM((ch,), jnp.int32),
            pltpu.VMEM((ch,), jnp.float32),
            pltpu.VMEM((ch,), jnp.int32),
            pltpu.VMEM((ch,), jnp.float32),
            pltpu.VMEM((ch,), jnp.int32),
            pltpu.VMEM((ch,), jnp.int32),
            pltpu.VMEM((ch,), jnp.float32),
            pltpu.VMEM((ch,), jnp.int32),
            pltpu.VMEM((ch,), jnp.float32),
            pltpu.VMEM((ch, d), jnp.int32),
            pltpu.VMEM((ch, d), jnp.int32),
            pltpu.VMEM((ch, d), jnp.float32),
            pltpu.VMEM((16,), jnp.int32),
            pltpu.VMEM((16,), jnp.int32),
            pltpu.VMEM((16,), jnp.float32),
            pltpu.VMEM_SHARED((n, d), jnp.float32),
            pltpu.SemaphoreType.DMA,
            pltpu.SemaphoreType.DMA,
            pltpu.SemaphoreType.DMA,
            pltpu.SemaphoreType.DMA,
            pltpu.SemaphoreType.DMA,
        ],
    )
    def k(tpq_hbm, u_hbm, src_hbm, dst_hbm, rf_hbm, zrows_hbm, zs_hbm,
          acc_out, s_out,
          u_v, s_v,
          src_a, dst_a, rf_a, dsts_a, rfs_a,
          src_b, dst_b, rf_b, dsts_b, rfs_b,
          pq_a, pq_b, m,
          src_t, dst_t, rf_t,
          acc_sh,
          sem_ia, sem_ib, sem_pga, sem_pgb, sem_ps):
        c = lax.axis_index("c")
        s = lax.axis_index("s")
        wid = c * _NS + s
        tb = wid * ept

        @pl.when(s == 0)
        def _():
            pltpu.sync_copy(zrows_hbm, acc_sh)
        pltpu.sync_copy(zs_hbm, s_v)
        pltpu.sync_copy(u_hbm, u_v)
        plsc.subcore_barrier()

        zero16 = jnp.zeros((16,), jnp.int32)

        def s_channel(src_x, dst_x, nvec):
            for g in range(nvec):
                srcv = src_x[pl.ds(g * 16, 16)]
                dstv = dst_x[pl.ds(g * 16, 16)]
                uv = plsc.load_gather(u_v, [srcv])
                plsc.addupdate_scatter(s_v, [dstv], uv)

        def snapshot(from_x, to_x, nvec):
            for g in range(nvec):
                to_x[pl.ds(g * 16, 16)] = from_x[pl.ds(g * 16, 16)]

        himask = jnp.full((16,), -65536, jnp.int32)

        def scale(pq_x, m_x, rf_x, count):
            @plsc.parallel_loop(0, count, unroll=2)
            def _(ee):
                rfb = plsc.load_gather(rf_x, [zero16 + ee])
                for h in range(hg // 2):
                    pw = pq_x[ee, pl.ds(h * 16, 16)]
                    qw = pq_x[ee, pl.ds(d // 2 + h * 16, 16)]
                    plo = plsc.bitcast(lax.shift_left(pw, 16), jnp.float32)
                    phi = plsc.bitcast(pw & himask, jnp.float32)
                    qlo = plsc.bitcast(lax.shift_left(qw, 16), jnp.float32)
                    qhi = plsc.bitcast(qw & himask, jnp.float32)
                    m_x[ee, pl.ds(h * 32, 16)] = rfb * plo + qlo
                    m_x[ee, pl.ds(h * 32 + 16, 16)] = rfb * phi + qhi

        pltpu.sync_copy(src_hbm.at[pl.ds(tb + main, tail)], src_t)
        pltpu.sync_copy(dst_hbm.at[pl.ds(tb + main, tail)], dst_t)
        pltpu.sync_copy(rf_hbm.at[pl.ds(tb + main, tail)], rf_t)
        tg_cp = pltpu.async_copy(tpq_hbm.at[src_t], pq_a.at[pl.ds(0, tail)],
                                 sem_pga)
        s_channel(src_t, dst_t, tail // 16)
        tg_cp.wait()
        scale(pq_a, m, rf_t, tail)
        pltpu.sync_copy(m.at[pl.ds(0, tail)], acc_sh.at[dst_t], add=True)

        pltpu.sync_copy(src_hbm.at[pl.ds(tb, ch)], src_a)
        pltpu.sync_copy(dst_hbm.at[pl.ds(tb, ch)], dst_a)
        pltpu.sync_copy(rf_hbm.at[pl.ds(tb, ch)], rf_a)
        pltpu.async_copy(tpq_hbm.at[src_a], pq_a, sem_pga)
        pltpu.async_copy(src_hbm.at[pl.ds(tb + ch, ch)], src_b, sem_ib)
        pltpu.async_copy(dst_hbm.at[pl.ds(tb + ch, ch)], dst_b, sem_ib)
        pltpu.async_copy(rf_hbm.at[pl.ds(tb + ch, ch)], rf_b, sem_ib)

        def pair_body(j, carry):
            base = tb + j * (2 * ch)

            pltpu.make_async_copy(
                src_hbm.at[pl.ds(base + ch, ch)], src_b, sem_ib).wait()
            pltpu.make_async_copy(
                dst_hbm.at[pl.ds(base + ch, ch)], dst_b, sem_ib).wait()
            pltpu.make_async_copy(
                rf_hbm.at[pl.ds(base + ch, ch)], rf_b, sem_ib).wait()

            pltpu.async_copy(tpq_hbm.at[src_b], pq_b, sem_pgb)

            s_channel(src_a, dst_a, ch // 16)
            pltpu.make_async_copy(tpq_hbm.at[src_a], pq_a, sem_pga).wait()
            snapshot(dst_a, dsts_a, ch // 16)
            snapshot(rf_a, rfs_a, ch // 16)

            @pl.when(j < npairs - 1)
            def _():
                nbase = base + 2 * ch
                pltpu.async_copy(src_hbm.at[pl.ds(nbase, ch)], src_a, sem_ia)
                pltpu.async_copy(dst_hbm.at[pl.ds(nbase, ch)], dst_a, sem_ia)
                pltpu.async_copy(rf_hbm.at[pl.ds(nbase, ch)], rf_a, sem_ia)

            @pl.when(j > 0)
            def _():
                pltpu.make_async_copy(m, acc_sh.at[dsts_b], sem_ps).wait()

            scale(pq_a, m, rfs_a, ch)
            pltpu.async_copy(m, acc_sh.at[dsts_a], sem_ps, add=True)

            @pl.when(j < npairs - 1)
            def _():
                nbase = base + 2 * ch
                pltpu.make_async_copy(
                    src_hbm.at[pl.ds(nbase, ch)], src_a, sem_ia).wait()
                pltpu.make_async_copy(
                    dst_hbm.at[pl.ds(nbase, ch)], dst_a, sem_ia).wait()
                pltpu.make_async_copy(
                    rf_hbm.at[pl.ds(nbase, ch)], rf_a, sem_ia).wait()
                pltpu.async_copy(tpq_hbm.at[src_a], pq_a, sem_pga)

            s_channel(src_b, dst_b, ch // 16)
            pltpu.make_async_copy(tpq_hbm.at[src_b], pq_b, sem_pgb).wait()
            snapshot(dst_b, dsts_b, ch // 16)
            snapshot(rf_b, rfs_b, ch // 16)

            @pl.when(j < npairs - 1)
            def _():
                nb2 = base + 3 * ch
                pltpu.async_copy(src_hbm.at[pl.ds(nb2, ch)], src_b, sem_ib)
                pltpu.async_copy(dst_hbm.at[pl.ds(nb2, ch)], dst_b, sem_ib)
                pltpu.async_copy(rf_hbm.at[pl.ds(nb2, ch)], rf_b, sem_ib)

            pltpu.make_async_copy(m, acc_sh.at[dsts_a], sem_ps).wait()
            scale(pq_b, m, rfs_b, ch)
            pltpu.async_copy(m, acc_sh.at[dsts_b], sem_ps, add=True)
            return carry

        lax.fori_loop(0, npairs, pair_body, 0)

        pltpu.make_async_copy(m, acc_sh.at[dsts_b], sem_ps).wait()
        plsc.subcore_barrier()

        r0 = s * rpt
        pltpu.sync_copy(acc_sh.at[pl.ds(r0, rpt)],
                        acc_out.at[c, pl.ds(r0, rpt)])

        @pl.when(s == _NS - 1)
        def _():
            pltpu.sync_copy(acc_sh.at[pl.ds(_NS * rpt, rrem)],
                            acc_out.at[c, pl.ds(_NS * rpt, rrem)])

        for i in range(5):
            pltpu.sync_copy(s_v.at[pl.ds(i * (n // 5), n // 5)],
                            s_out.at[wid, i, 0])

    return k(tpq, u, src, dst, rf, zrows, zs)


def _gelu(v):
    return 0.5 * v * (1.0 + lax.erf(v * 0.7071067811865476))


def _ln(v, g, b, eps=1e-5):
    mu = jnp.mean(v, axis=-1, keepdims=True)
    var = jnp.mean((v - mu) ** 2, axis=-1, keepdims=True)
    return (v - mu) / jnp.sqrt(var + eps) * g + b


def _finish(acc2, s32, x, W1, b1, W2, b2, g1, beta1, g2, beta2):
    n, d = x.shape
    dh = W1.shape[1]
    nt = s32.shape[0]
    br = n // 5
    grid = n // br

    def body(acc_ref, s_ref, x_ref, w1_ref, b1_ref, w2_ref, b2_ref,
             g1_ref, be1_ref, g2_ref, be2_ref, o_ref):
        ssum = jnp.sum(s_ref[...].reshape(nt, br), axis=0)
        acc = acc_ref[0] + acc_ref[1]
        recip = jnp.where(ssum > 0, 1.0 / ssum, 0.0)
        msg = acc * recip[:, None]
        y = _gelu(msg) + x_ref[...]
        o1 = _ln(y, g1_ref[...], be1_ref[...])
        h1 = _gelu(jnp.dot(o1, w1_ref[...],
                           preferred_element_type=jnp.float32) + b1_ref[...])
        h = jnp.dot(h1, w2_ref[...],
                    preferred_element_type=jnp.float32) + b2_ref[...]
        o_ref[...] = _ln(h + o1, g2_ref[...], be2_ref[...])

    return pl.pallas_call(
        body,
        grid=(grid,),
        in_specs=[
            pl.BlockSpec((2, br, d), lambda i: (0, i, 0)),
            pl.BlockSpec((nt, 1, 1, br), lambda i: (0, i, 0, 0)),
            pl.BlockSpec((br, d), lambda i: (i, 0)),
            pl.BlockSpec((d, dh), lambda i: (0, 0)),
            pl.BlockSpec((dh,), lambda i: (0,)),
            pl.BlockSpec((dh, d), lambda i: (0, 0)),
            pl.BlockSpec((d,), lambda i: (0,)),
            pl.BlockSpec((d,), lambda i: (0,)),
            pl.BlockSpec((d,), lambda i: (0,)),
            pl.BlockSpec((d,), lambda i: (0,)),
            pl.BlockSpec((d,), lambda i: (0,)),
        ],
        out_specs=pl.BlockSpec((br, d), lambda i: (i, 0)),
        out_shape=jax.ShapeDtypeStruct((n, d), jnp.float32),
    )(acc2, s32, x, W1, b1, W2, b2, g1, beta1, g2, beta2)


def kernel(x, edge_index, W_phys, W_neur, att_w, channel_fusion, routing_factor,
           W1, b1, W2, b2, g1, beta1, g2, beta2):
    n, d = x.shape
    w_src = att_w[:d].reshape(d, 1)
    cf = jnp.asarray(channel_fusion, jnp.float32).reshape(1, 1)
    perm = np.empty((d,), np.int32)
    for p_ in range(d // 2):
        h2, i = divmod(p_, 16)
        perm[p_] = h2 * 32 + i
        perm[d // 2 + p_] = h2 * 32 + 16 + i
    tpq, u = _node_precompute(x, w_src, W_phys[:, perm], W_neur[:, perm], cf)
    src = edge_index[0]
    dst = edge_index[1]
    zrows = jnp.zeros((n, d), jnp.float32)
    zs = jnp.zeros((n,), jnp.float32)
    acc2, s32 = _edge_pass(tpq, u.reshape(n), src, dst, routing_factor,
                           zrows, zs)
    return _finish(acc2, s32, x, W1, b1, W2, b2, g1, beta1, g2, beta2)

# --- scband reference (transcript-rebuilt; emitter-appended) ---
"""Pipeline reference for scband-graph-routing-layer-40767829573724 (READ-ONLY COPY).

The authoritative reference and input builder live on the scoring server;
editing this copy changes nothing except your own understanding.
"""

import jax, jax.numpy as jnp
import numpy as np

N = 10000
E = 320000
D = 128


def layer_norm(x, g, b, eps=1e-5):
    mu = jnp.mean(x, axis=-1, keepdims=True)
    var = jnp.mean((x - mu) ** 2, axis=-1, keepdims=True)
    return (x - mu) / jnp.sqrt(var + eps) * g + b


def setup_inputs(seed: int = 0) -> dict:
    key = jax.random.key(seed)
    ks = jax.random.split(key, 16)
    x = jax.random.normal(ks[0], (N, D), dtype=jnp.float32)
    edge_index = jax.random.randint(ks[1], (2, E), 0, N, dtype=jnp.int32)
    W_phys = jax.random.normal(ks[2], (D, D), dtype=jnp.float32) / np.sqrt(D)
    W_neur = jax.random.normal(ks[3], (D, D), dtype=jnp.float32) / np.sqrt(D)
    att_w = jax.random.normal(ks[4], (2 * D,), dtype=jnp.float32) / np.sqrt(2 * D)
    channel_fusion = jnp.array(0.5, dtype=jnp.float32)
    # MuskingumRouting.routing_factor(): per-edge routing factor in (0,1)
    routing_factor = jax.nn.sigmoid(jax.random.normal(ks[5], (E,), dtype=jnp.float32))
    W1 = jax.random.normal(ks[6], (D, 2 * D), dtype=jnp.float32) / np.sqrt(D)
    b1 = jnp.zeros((2 * D,), dtype=jnp.float32)
    W2 = jax.random.normal(ks[7], (2 * D, D), dtype=jnp.float32) / np.sqrt(2 * D)
    b2 = jnp.zeros((D,), dtype=jnp.float32)
    g1 = jnp.ones((D,), dtype=jnp.float32)
    beta1 = jnp.zeros((D,), dtype=jnp.float32)
    g2 = jnp.ones((D,), dtype=jnp.float32)
    beta2 = jnp.zeros((D,), dtype=jnp.float32)
    return {
        "x": x, "edge_index": edge_index, "W_phys": W_phys, "W_neur": W_neur,
        "att_w": att_w, "channel_fusion": channel_fusion, "routing_factor": routing_factor,
        "W1": W1, "b1": b1, "W2": W2, "b2": b2,
        "g1": g1, "beta1": beta1, "g2": g2, "beta2": beta2,
    }


def reference(x, edge_index, W_phys, W_neur, att_w, channel_fusion, routing_factor,
              W1, b1, W2, b2, g1, beta1, g2, beta2):
    src = edge_index[0]
    dst = edge_index[1]
    x_src = x[src]
    x_dst = x[dst]
    att_scores = jnp.concatenate([x_src, x_dst], axis=-1) @ att_w  # [E]
    # per-dst-node softmax over incoming edges (equivalent to the torch per-node loop)
    m = jax.ops.segment_max(att_scores, dst, num_segments=N)
    e = jnp.exp(att_scores - m[dst])
    s = jax.ops.segment_sum(e, dst, num_segments=N)
    att_weights = e / s[dst]
    physics_msg = routing_factor[:, None] * att_weights[:, None] * (x_src @ W_phys)
    neural_msg = att_weights[:, None] * (x_src @ W_neur)
    alpha = jax.nn.sigmoid(channel_fusion)
    messages = alpha * physics_msg + (1.0 - alpha) * neural_msg
    out = jnp.zeros_like(x).at[dst].add(messages)
    out = layer_norm(jax.nn.gelu(out, approximate=False) + x, g1, beta1)
    h = jax.nn.gelu(out @ W1 + b1, approximate=False) @ W2 + b2  # dropout = eval no-op
    out = layer_norm(h + out, g2, beta2)
    return out

if __name__ == "__main__":
    import jax
    _d = setup_inputs()
    print(jax.jit(kernel)(*tuple(_d.values())))

</pallas_src>

<mosaic_0001>
#map = affine_map<(d0, d1) -> (0, 0)>
#map1 = affine_map<(d0, d1) -> (0)>
#map2 = affine_map<(d0, d1) -> (0, 0, 0)>
#map3 = affine_map<(d0, d1) -> (0, 0, 0, 0)>
module attributes {stable_mosaic.version = 14 : i64} {
  func.func @k(%arg0: i32, %arg1: i32, %arg2: memref<10000x128xi32, #tpu.memory_space<hbm>>, %arg3: memref<10000xf32, #tpu.memory_space<hbm>>, %arg4: memref<320000xi32, #tpu.memory_space<hbm>>, %arg5: memref<320000xi32, #tpu.memory_space<hbm>>, %arg6: memref<320000xf32, #tpu.memory_space<hbm>>, %arg7: memref<10000x128xf32, #tpu.memory_space<hbm>>, %arg8: memref<10000xf32, #tpu.memory_space<hbm>>, %arg9: memref<2x10000x128xf32, #tpu.memory_space<hbm>>, %arg10: memref<32x5x1x2000xf32, #tpu.memory_space<hbm>>, %arg11: memref<10000xf32, #tpu.memory_space<vmem>>, %arg12: memref<10000xf32, #tpu.memory_space<vmem>>, %arg13: memref<64xi32, #tpu.memory_space<vmem>>, %arg14: memref<64xi32, #tpu.memory_space<vmem>>, %arg15: memref<64xf32, #tpu.memory_space<vmem>>, %arg16: memref<64xi32, #tpu.memory_space<vmem>>, %arg17: memref<64xf32, #tpu.memory_space<vmem>>, %arg18: memref<64xi32, #tpu.memory_space<vmem>>, %arg19: memref<64xi32, #tpu.memory_space<vmem>>, %arg20: memref<64xf32, #tpu.memory_space<vmem>>, %arg21: memref<64xi32, #tpu.memory_space<vmem>>, %arg22: memref<64xf32, #tpu.memory_space<vmem>>, %arg23: memref<64x128xi32, #tpu.memory_space<vmem>>, %arg24: memref<64x128xi32, #tpu.memory_space<vmem>>, %arg25: memref<64x128xf32, #tpu.memory_space<vmem>>, %arg26: memref<16xi32, #tpu.memory_space<vmem>>, %arg27: memref<16xi32, #tpu.memory_space<vmem>>, %arg28: memref<16xf32, #tpu.memory_space<vmem>>, %arg29: memref<10000x128xf32, #tpu.memory_space<vmem_shared>>, %arg30: memref<!tpu.dma_semaphore, #tpu.memory_space<semaphore_mem>>, %arg31: memref<!tpu.dma_semaphore, #tpu.memory_space<semaphore_mem>>, %arg32: memref<!tpu.dma_semaphore, #tpu.memory_space<semaphore_mem>>, %arg33: memref<!tpu.dma_semaphore, #tpu.memory_space<semaphore_mem>>, %arg34: memref<!tpu.dma_semaphore, #tpu.memory_space<semaphore_mem>>) attributes {dimension_semantics = [#tpu.dimension_semantics<core_parallel>, #tpu.dimension_semantics<subcore_parallel>], iteration_bounds = array<i64: 2, 16>, scalar_prefetch = 0 : i64, scratch_operands = 24 : i64, tpu.core_type = #tpu.core_type<sc_vector_subcore>, window_params = [{transform_indices = #map}, {transform_indices = #map1}, {transform_indices = #map1}, {transform_indices = #map1}, {transform_indices = #map1}, {transform_indices = #map}, {transform_indices = #map1}, {transform_indices = #map2}, {transform_indices = #map3}]} {
    %mul3A = arith.constant 16 : i32
    %mul3A_0 = arith.muli %arg0, %mul3A : i32
    %add3A = arith.addi %mul3A_0, %arg1 : i32
    %mul3A_1 = arith.constant 10000 : i32
    %mul3A_2 = arith.muli %add3A, %mul3A_1 : i32
    %eq3A = arith.constant 0 : i32
    %eq3A_3 = arith.cmpi eq, %arg1, %eq3A : i32
    %convert_element_type3A = arith.extui %eq3A_3 : i1 to i32
    %cond3A = arith.constant 0 : i32
    %cond3A_4 = arith.cmpi ne, %convert_element_type3A, %cond3A : i32
    scf.if %cond3A_4 {
      "tpu.region"() ({
        %run_scoped3A_69 = tpu.sem_alloc : memref<!tpu.dma_semaphore, #tpu.memory_space<semaphore_mem>>
        tpu.enqueue_dma source(%arg7 : memref<10000x128xf32, #tpu.memory_space<hbm>>) target(%arg29 : memref<10000x128xf32, #tpu.memory_space<vmem_shared>>) target_semaphore(%run_scoped3A_69 : memref<!tpu.dma_semaphore, #tpu.memory_space<semaphore_mem>>)
        tpu.wait_dma2 semaphore(%run_scoped3A_69 : memref<!tpu.dma_semaphore, #tpu.memory_space<semaphore_mem>>) src(%arg7 : memref<10000x128xf32, #tpu.memory_space<hbm>>) dst(%arg29 : memref<10000x128xf32, #tpu.memory_space<vmem_shared>>)
        tpu.yield
      }) : () -> ()
    } else {
    }
    "tpu.region"() ({
      %run_scoped3A_69 = tpu.sem_alloc : memref<!tpu.dma_semaphore, #tpu.memory_space<semaphore_mem>>
      tpu.enqueue_dma source(%arg8 : memref<10000xf32, #tpu.memory_space<hbm>>) target(%arg12 : memref<10000xf32, #tpu.memory_space<vmem>>) target_semaphore(%run_scoped3A_69 : memref<!tpu.dma_semaphore, #tpu.memory_space<semaphore_mem>>)
      tpu.wait_dma2 semaphore(%run_scoped3A_69 : memref<!tpu.dma_semaphore, #tpu.memory_space<semaphore_mem>>) src(%arg8 : memref<10000xf32, #tpu.memory_space<hbm>>) dst(%arg12 : memref<10000xf32, #tpu.memory_space<vmem>>)
      tpu.yield
    }) : () -> ()
    "tpu.region"() ({
      %run_scoped3A_69 = tpu.sem_alloc : memref<!tpu.dma_semaphore, #tpu.memory_space<semaphore_mem>>
      tpu.enqueue_dma source(%arg3 : memref<10000xf32, #tpu.memory_space<hbm>>) target(%arg11 : memref<10000xf32, #tpu.memory_space<vmem>>) target_semaphore(%run_scoped3A_69 : memref<!tpu.dma_semaphore, #tpu.memory_space<semaphore_mem>>)
      tpu.wait_dma2 semaphore(%run_scoped3A_69 : memref<!tpu.dma_semaphore, #tpu.memory_space<semaphore_mem>>) src(%arg3 : memref<10000xf32, #tpu.memory_space<hbm>>) dst(%arg11 : memref<10000xf32, #tpu.memory_space<vmem>>)
      tpu.yield
    }) : () -> ()
    %barrier3A = arith.constant 0 : index
    tpu.barrier barrier_id(%barrier3A)
    %broadcast_in_dim3A = arith.constant 0 : i32
    %broadcast_in_dim3A_5 = vector.broadcast %broadcast_in_dim3A : i32 to vector<16xi32>
    %broadcast_in_dim3A_6 = arith.constant -65536 : i32
    %broadcast_in_dim3A_7 = vector.broadcast %broadcast_in_dim3A_6 : i32 to vector<16xi32>
    %add3A_8 = arith.constant 9984 : i32
    %add3A_9 = arith.addi %mul3A_2, %add3A_8 : i32
    "tpu.region"() ({
      %run_scoped3A_69 = tpu.sem_alloc : memref<!tpu.dma_semaphore, #tpu.memory_space<semaphore_mem>>
      %dma_start3A_70 = tpu.memref_slice %arg4[%add3A_9] : memref<320000xi32, #tpu.memory_space<hbm>> -> memref<16xi32, #tpu.memory_space<hbm>>
      %dma_start3A_71 = tpu.memref_slice %arg4[%add3A_9] : memref<320000xi32, #tpu.memory_space<hbm>> -> memref<16xi32, #tpu.memory_space<hbm>>
      tpu.enqueue_dma source(%dma_start3A_71 : memref<16xi32, #tpu.memory_space<hbm>>) target(%arg26 : memref<16xi32, #tpu.memory_space<vmem>>) target_semaphore(%run_scoped3A_69 : memref<!tpu.dma_semaphore, #tpu.memory_space<semaphore_mem>>)
      %dma_wait3A_72 = tpu.memref_slice %arg4[%add3A_9] : memref<320000xi32, #tpu.memory_space<hbm>> -> memref<16xi32, #tpu.memory_space<hbm>>
      %dma_wait3A_73 = tpu.memref_slice %arg4[%add3A_9] : memref<320000xi32, #tpu.memory_space<hbm>> -> memref<16xi32, #tpu.memory_space<hbm>>
      tpu.wait_dma2 semaphore(%run_scoped3A_69 : memref<!tpu.dma_semaphore, #tpu.memory_space<semaphore_mem>>) src(%dma_wait3A_73 : memref<16xi32, #tpu.memory_space<hbm>>) dst(%arg26 : memref<16xi32, #tpu.memory_space<vmem>>)
      tpu.yield
    }) : () -> ()
    %add3A_10 = arith.constant 9984 : i32
    %add3A_11 = arith.addi %mul3A_2, %add3A_10 : i32
    "tpu.region"() ({
      %run_scoped3A_69 = tpu.sem_alloc : memref<!tpu.dma_semaphore, #tpu.memory_space<semaphore_mem>>
      %dma_start3A_70 = tpu.memref_slice %arg5[%add3A_11] : memref<320000xi32, #tpu.memory_space<hbm>> -> memref<16xi32, #tpu.memory_space<hbm>>
      %dma_start3A_71 = tpu.memref_slice %arg5[%add3A_11] : memref<320000xi32, #tpu.memory_space<hbm>> -> memref<16xi32, #tpu.memory_space<hbm>>
      tpu.enqueue_dma source(%dma_start3A_71 : memref<16xi32, #tpu.memory_space<hbm>>) target(%arg27 : memref<16xi32, #tpu.memory_space<vmem>>) target_semaphore(%run_scoped3A_69 : memref<!tpu.dma_semaphore, #tpu.memory_space<semaphore_mem>>)
      %dma_wait3A_72 = tpu.memref_slice %arg5[%add3A_11] : memref<320000xi32, #tpu.memory_space<hbm>> -> memref<16xi32, #tpu.memory_space<hbm>>
      %dma_wait3A_73 = tpu.memref_slice %arg5[%add3A_11] : memref<320000xi32, #tpu.memory_space<hbm>> -> memref<16xi32, #tpu.memory_space<hbm>>
      tpu.wait_dma2 semaphore(%run_scoped3A_69 : memref<!tpu.dma_semaphore, #tpu.memory_space<semaphore_mem>>) src(%dma_wait3A_73 : memref<16xi32, #tpu.memory_space<hbm>>) dst(%arg27 : memref<16xi32, #tpu.memory_space<vmem>>)
      tpu.yield
    }) : () -> ()
    %add3A_12 = arith.constant 9984 : i32
    %add3A_13 = arith.addi %mul3A_2, %add3A_12 : i32
    "tpu.region"() ({
      %run_scoped3A_69 = tpu.sem_alloc : memref<!tpu.dma_semaphore, #tpu.memory_space<semaphore_mem>>
      %dma_start3A_70 = tpu.memref_slice %arg6[%add3A_13] : memref<320000xf32, #tpu.memory_space<hbm>> -> memref<16xf32, #tpu.memory_space<hbm>>
      %dma_start3A_71 = tpu.memref_slice %arg6[%add3A_13] : memref<320000xf32, #tpu.memory_space<hbm>> -> memref<16xf32, #tpu.memory_space<hbm>>
      tpu.enqueue_dma source(%dma_start3A_71 : memref<16xf32, #tpu.memory_space<hbm>>) target(%arg28 : memref<16xf32, #tpu.memory_space<vmem>>) target_semaphore(%run_scoped3A_69 : memref<!tpu.dma_semaphore, #tpu.memory_space<semaphore_mem>>)
      %dma_wait3A_72 = tpu.memref_slice %arg6[%add3A_13] : memref<320000xf32, #tpu.memory_space<hbm>> -> memref<16xf32, #tpu.memory_space<hbm>>
      %dma_wait3A_73 = tpu.memref_slice %arg6[%add3A_13] : memref<320000xf32, #tpu.memory_space<hbm>> -> memref<16xf32, #tpu.memory_space<hbm>>
      tpu.wait_dma2 semaphore(%run_scoped3A_69 : memref<!tpu.dma_semaphore, #tpu.memory_space<semaphore_mem>>) src(%dma_wait3A_73 : memref<16xf32, #tpu.memory_space<hbm>>) dst(%arg28 : memref<16xf32, #tpu.memory_space<vmem>>)
      tpu.yield
    }) : () -> ()
    %dma_start3A = arith.constant 0 : i32
    %dma_start3A_14 = arith.constant 0 : i32
    %dma_start3A_15 = tpu.memref_slice %arg23[%dma_start3A, %dma_start3A_14] : memref<64x128xi32, #tpu.memory_space<vmem>> -> memref<16x128xi32, #tpu.memory_space<vmem>>
    %dma_start3A_16 = arith.constant 0 : i32
    %dma_start3A_17 = arith.constant 0 : i32
    %dma_start3A_18 = tpu.memref_slice %arg2[%dma_start3A_16, %dma_start3A_17] : memref<10000x128xi32, #tpu.memory_space<hbm>> -> memref<10000x128xi32, #tpu.memory_space<hbm>>
    tpu.enqueue_indirect_dma source(%dma_start3A_18 : memref<10000x128xi32, #tpu.memory_space<hbm>>) target(%dma_start3A_15 : memref<16x128xi32, #tpu.memory_space<vmem>>) offsets(%arg26 : memref<16xi32, #tpu.memory_space<vmem>>) semaphore(%arg32 : memref<!tpu.dma_semaphore, #tpu.memory_space<semaphore_mem>>)
    %get3A = arith.constant 0 : index
    %get3A_19 = tpu.vector_load %arg26[%get3A] {strides = array<i32>} : memref<16xi32, #tpu.memory_space<vmem>>, vector<16xi32>,
    %get3A_20 = arith.constant 0 : index
    %get3A_21 = tpu.vector_load %arg27[%get3A_20] {strides = array<i32>} : memref<16xi32, #tpu.memory_space<vmem>>, vector<16xi32>,
    %gather3A = tpu.vector_load_idx %arg11[%get3A_19] : memref<10000xf32, #tpu.memory_space<vmem>>[vector<16xi32>], vector<16xf32>,
    tpu.vector_store_idx %arg12[%get3A_21], %gather3A {add = true} : memref<10000xf32, #tpu.memory_space<vmem>>[vector<16xi32>], vector<16xf32>,
    %dma_wait3A = arith.constant 0 : i32
    %dma_wait3A_22 = arith.constant 0 : i32
    %dma_wait3A_23 = tpu.memref_slice %arg23[%dma_wait3A, %dma_wait3A_22] : memref<64x128xi32, #tpu.memory_space<vmem>> -> memref<16x128xi32, #tpu.memory_space<vmem>>
    %dma_wait3A_24 = arith.constant 0 : i32
    %dma_wait3A_25 = arith.constant 0 : i32
    %dma_wait3A_26 = tpu.memref_slice %arg2[%dma_wait3A_24, %dma_wait3A_25] : memref<10000x128xi32, #tpu.memory_space<hbm>> -> memref<10000x128xi32, #tpu.memory_space<hbm>>
    tpu.wait_indirect_dma semaphore(%arg32 : memref<!tpu.dma_semaphore, #tpu.memory_space<semaphore_mem>>) src(%dma_wait3A_26 : memref<10000x128xi32, #tpu.memory_space<hbm>>) dst(%dma_wait3A_23 : memref<16x128xi32, #tpu.memory_space<vmem>>)
    %parallel_loop3A = arith.constant 0 : i32
    %parallel_loop3A_27 = arith.constant 16 : i32
    %parallel_loop3A_28 = arith.constant 1 : i32
    scf.for %parallel_loop3A_69 = %parallel_loop3A to %parallel_loop3A_27 step %parallel_loop3A_28  : i32 {
      %parallel_loop3A_70 = vector.broadcast %parallel_loop3A_69 : i32 to vector<16xi32>
      %parallel_loop3A_71 = arith.addi %broadcast_in_dim3A_5, %parallel_loop3A_70 : vector<16xi32>
      %parallel_loop3A_72 = tpu.vector_load_idx %arg28[%parallel_loop3A_71] : memref<16xf32, #tpu.memory_space<vmem>>[vector<16xi32>], vector<16xf32>,
      %parallel_loop3A_73 = arith.index_cast %parallel_loop3A_69 : i32 to index
      %parallel_loop3A_74 = arith.constant 0 : index
      %parallel_loop3A_75 = tpu.vector_load %arg23[%parallel_loop3A_73, %parallel_loop3A_74] {strides = array<i32>} : memref<64x128xi32, #tpu.memory_space<vmem>>, vector<16xi32>,
      %parallel_loop3A_76 = arith.index_cast %parallel_loop3A_69 : i32 to index
      %parallel_loop3A_77 = arith.constant 64 : index
      %parallel_loop3A_78 = tpu.vector_load %arg23[%parallel_loop3A_76, %parallel_loop3A_77] {strides = array<i32>} : memref<64x128xi32, #tpu.memory_space<vmem>>, vector<16xi32>,
      %parallel_loop3A_79 = arith.constant 16 : i32
      %parallel_loop3A_80 = vector.broadcast %parallel_loop3A_79 : i32 to vector<16xi32>
      %parallel_loop3A_81 = arith.shli %parallel_loop3A_75, %parallel_loop3A_80 : vector<16xi32>
      %parallel_loop3A_82 = vector.bitcast %parallel_loop3A_81 : vector<16xi32> to vector<16xf32>
      %parallel_loop3A_83 = arith.andi %parallel_loop3A_75, %broadcast_in_dim3A_7 : vector<16xi32>
      %parallel_loop3A_84 = vector.bitcast %parallel_loop3A_83 : vector<16xi32> to vector<16xf32>
      %parallel_loop3A_85 = arith.constant 16 : i32
      %parallel_loop3A_86 = vector.broadcast %parallel_loop3A_85 : i32 to vector<16xi32>
      %parallel_loop3A_87 = arith.shli %parallel_loop3A_78, %parallel_loop3A_86 : vector<16xi32>
      %parallel_loop3A_88 = vector.bitcast %parallel_loop3A_87 : vector<16xi32> to vector<16xf32>
      %parallel_loop3A_89 = arith.andi %parallel_loop3A_78, %broadcast_in_dim3A_7 : vector<16xi32>
      %parallel_loop3A_90 = vector.bitcast %parallel_loop3A_89 : vector<16xi32> to vector<16xf32>
      %parallel_loop3A_91 = arith.mulf %parallel_loop3A_72, %parallel_loop3A_82 : vector<16xf32>
      %parallel_loop3A_92 = arith.addf %parallel_loop3A_91, %parallel_loop3A_88 : vector<16xf32>
      %parallel_loop3A_93 = arith.index_cast %parallel_loop3A_69 : i32 to index
      %parallel_loop3A_94 = arith.constant 0 : index
      %parallel_loop3A_95 = tpu.vector_load %arg25[%parallel_loop3A_93, %parallel_loop3A_94] {strides = array<i32>} : memref<64x128xf32, #tpu.memory_space<vmem>>, vector<16xf32>,
      tpu.vector_store %arg25[%parallel_loop3A_93, %parallel_loop3A_94], %parallel_loop3A_92 {strides = array<i32>} : memref<64x128xf32, #tpu.memory_space<vmem>>, vector<16xf32>,
      %parallel_loop3A_96 = arith.mulf %parallel_loop3A_72, %parallel_loop3A_84 : vector<16xf32>
      %parallel_loop3A_97 = arith.addf %parallel_loop3A_96, %parallel_loop3A_90 : vector<16xf32>
      %parallel_loop3A_98 = arith.index_cast %parallel_loop3A_69 : i32 to index
      %parallel_loop3A_99 = arith.constant 16 : index
      %parallel_loop3A_100 = tpu.vector_load %arg25[%parallel_loop3A_98, %parallel_loop3A_99] {strides = array<i32>} : memref<64x128xf32, #tpu.memory_space<vmem>>, vector<16xf32>,
      tpu.vector_store %arg25[%parallel_loop3A_98, %parallel_loop3A_99], %parallel_loop3A_97 {strides = array<i32>} : memref<64x128xf32, #tpu.memory_space<vmem>>, vector<16xf32>,
      %parallel_loop3A_101 = arith.index_cast %parallel_loop3A_69 : i32 to index
      %parallel_loop3A_102 = arith.constant 16 : index
      %parallel_loop3A_103 = tpu.vector_load %arg23[%parallel_loop3A_101, %parallel_loop3A_102] {strides = array<i32>} : memref<64x128xi32, #tpu.memory_space<vmem>>, vector<16xi32>,
      %parallel_loop3A_104 = arith.index_cast %parallel_loop3A_69 : i32 to index
      %parallel_loop3A_105 = arith.constant 80 : index
      %parallel_loop3A_106 = tpu.vector_load %arg23[%parallel_loop3A_104, %parallel_loop3A_105] {strides = array<i32>} : memref<64x128xi32, #tpu.memory_space<vmem>>, vector<16xi32>,
      %parallel_loop3A_107 = arith.constant 16 : i32
      %parallel_loop3A_108 = vector.broadcast %parallel_loop3A_107 : i32 to vector<16xi32>
      %parallel_loop3A_109 = arith.shli %parallel_loop3A_103, %parallel_loop3A_108 : vector<16xi32>
      %parallel_loop3A_110 = vector.bitcast %parallel_loop3A_109 : vector<16xi32> to vector<16xf32>
      %parallel_loop3A_111 = arith.andi %parallel_loop3A_103, %broadcast_in_dim3A_7 : vector<16xi32>
      %parallel_loop3A_112 = vector.bitcast %parallel_loop3A_111 : vector<16xi32> to vector<16xf32>
      %parallel_loop3A_113 = arith.constant 16 : i32
      %parallel_loop3A_114 = vector.broadcast %parallel_loop3A_113 : i32 to vector<16xi32>
      %parallel_loop3A_115 = arith.shli %parallel_loop3A_106, %parallel_loop3A_114 : vector<16xi32>
      %parallel_loop3A_116 = vector.bitcast %parallel_loop3A_115 : vector<16xi32> to vector<16xf32>
      %parallel_loop3A_117 = arith.andi %parallel_loop3A_106, %broadcast_in_dim3A_7 : vector<16xi32>
      %parallel_loop3A_118 = vector.bitcast %parallel_loop3A_117 : vector<16xi32> to vector<16xf32>
      %parallel_loop3A_119 = arith.mulf %parallel_loop3A_72, %parallel_loop3A_110 : vector<16xf32>
      %parallel_loop3A_120 = arith.addf %parallel_loop3A_119, %parallel_loop3A_116 : vector<16xf32>
      %parallel_loop3A_121 = arith.index_cast %parallel_loop3A_69 : i32 to index
      %parallel_loop3A_122 = arith.constant 32 : index
      %parallel_loop3A_123 = tpu.vector_load %arg25[%parallel_loop3A_121, %parallel_loop3A_122] {strides = array<i32>} : memref<64x128xf32, #tpu.memory_space<vmem>>, vector<16xf32>,
      tpu.vector_store %arg25[%parallel_loop3A_121, %parallel_loop3A_122], %parallel_loop3A_120 {strides = array<i32>} : memref<64x128xf32, #tpu.memory_space<vmem>>, vector<16xf32>,
      %parallel_loop3A_124 = arith.mulf %parallel_loop3A_72, %parallel_loop3A_112 : vector<16xf32>
      %parallel_loop3A_125 = arith.addf %parallel_loop3A_124, %parallel_loop3A_118 : vector<16xf32>
      %parallel_loop3A_126 = arith.index_cast %parallel_loop3A_69 : i32 to index
      %parallel_loop3A_127 = arith.constant 48 : index
      %parallel_loop3A_128 = tpu.vector_load %arg25[%parallel_loop3A_126, %parallel_loop3A_127] {strides = array<i32>} : memref<64x128xf32, #tpu.memory_space<vmem>>, vector<16xf32>,
      tpu.vector_store %arg25[%parallel_loop3A_126, %parallel_loop3A_127], %parallel_loop3A_125 {strides = array<i32>} : memref<64x128xf32, #tpu.memory_space<vmem>>, vector<16xf32>,
      %parallel_loop3A_129 = arith.index_cast %parallel_loop3A_69 : i32 to index
      %parallel_loop3A_130 = arith.constant 32 : index
      %parallel_loop3A_131 = tpu.vector_load %arg23[%parallel_loop3A_129, %parallel_loop3A_130] {strides = array<i32>} : memref<64x128xi32, #tpu.memory_space<vmem>>, vector<16xi32>,
      %parallel_loop3A_132 = arith.index_cast %parallel_loop3A_69 : i32 to index
      %parallel_loop3A_133 = arith.constant 96 : index
      %parallel_loop3A_134 = tpu.vector_load %arg23[%parallel_loop3A_132, %parallel_loop3A_133] {strides = array<i32>} : memref<64x128xi32, #tpu.memory_space<vmem>>, vector<16xi32>,
      %parallel_loop3A_135 = arith.constant 16 : i32
      %parallel_loop3A_136 = vector.broadcast %parallel_loop3A_135 : i32 to vector<16xi32>
      %parallel_loop3A_137 = arith.shli %parallel_loop3A_131, %parallel_loop3A_136 : vector<16xi32>
      %parallel_loop3A_138 = vector.bitcast %parallel_loop3A_137 : vector<16xi32> to vector<16xf32>
      %parallel_loop3A_139 = arith.andi %parallel_loop3A_131, %broadcast_in_dim3A_7 : vector<16xi32>
      %parallel_loop3A_140 = vector.bitcast %parallel_loop3A_139 : vector<16xi32> to vector<16xf32>
      %parallel_loop3A_141 = arith.constant 16 : i32
      %parallel_loop3A_142 = vector.broadcast %parallel_loop3A_141 : i32 to vector<16xi32>
      %parallel_loop3A_143 = arith.shli %parallel_loop3A_134, %parallel_loop3A_142 : vector<16xi32>
      %parallel_loop3A_144 = vector.bitcast %parallel_loop3A_143 : vector<16xi32> to vector<16xf32>
      %parallel_loop3A_145 = arith.andi %parallel_loop3A_134, %broadcast_in_dim3A_7 : vector<16xi32>
      %parallel_loop3A_146 = vector.bitcast %parallel_loop3A_145 : vector<16xi32> to vector<16xf32>
      %parallel_loop3A_147 = arith.mulf %parallel_loop3A_72, %parallel_loop3A_138 : vector<16xf32>
      %parallel_loop3A_148 = arith.addf %parallel_loop3A_147, %parallel_loop3A_144 : vector<16xf32>
      %parallel_loop3A_149 = arith.index_cast %parallel_loop3A_69 : i32 to index
      %parallel_loop3A_150 = arith.constant 64 : index
      %parallel_loop3A_151 = tpu.vector_load %arg25[%parallel_loop3A_149, %parallel_loop3A_150] {strides = array<i32>} : memref<64x128xf32, #tpu.memory_space<vmem>>, vector<16xf32>,
      tpu.vector_store %arg25[%parallel_loop3A_149, %parallel_loop3A_150], %parallel_loop3A_148 {strides = array<i32>} : memref<64x128xf32, #tpu.memory_space<vmem>>, vector<16xf32>,
      %parallel_loop3A_152 = arith.mulf %parallel_loop3A_72, %parallel_loop3A_140 : vector<16xf32>
      %parallel_loop3A_153 = arith.addf %parallel_loop3A_152, %parallel_loop3A_146 : vector<16xf32>
      %parallel_loop3A_154 = arith.index_cast %parallel_loop3A_69 : i32 to index
      %parallel_loop3A_155 = arith.constant 80 : index
      %parallel_loop3A_156 = tpu.vector_load %arg25[%parallel_loop3A_154, %parallel_loop3A_155] {strides = array<i32>} : memref<64x128xf32, #tpu.memory_space<vmem>>, vector<16xf32>,
      tpu.vector_store %arg25[%parallel_loop3A_154, %parallel_loop3A_155], %parallel_loop3A_153 {strides = array<i32>} : memref<64x128xf32, #tpu.memory_space<vmem>>, vector<16xf32>,
      %parallel_loop3A_157 = arith.index_cast %parallel_loop3A_69 : i32 to index
      %parallel_loop3A_158 = arith.constant 48 : index
      %parallel_loop3A_159 = tpu.vector_load %arg23[%parallel_loop3A_157, %parallel_loop3A_158] {strides = array<i32>} : memref<64x128xi32, #tpu.memory_space<vmem>>, vector<16xi32>,
      %parallel_loop3A_160 = arith.index_cast %parallel_loop3A_69 : i32 to index
      %parallel_loop3A_161 = arith.constant 112 : index
      %parallel_loop3A_162 = tpu.vector_load %arg23[%parallel_loop3A_160, %parallel_loop3A_161] {strides = array<i32>} : memref<64x128xi32, #tpu.memory_space<vmem>>, vector<16xi32>,
      %parallel_loop3A_163 = arith.constant 16 : i32
      %parallel_loop3A_164 = vector.broadcast %parallel_loop3A_163 : i32 to vector<16xi32>
      %parallel_loop3A_165 = arith.shli %parallel_loop3A_159, %parallel_loop3A_164 : vector<16xi32>
      %parallel_loop3A_166 = vector.bitcast %parallel_loop3A_165 : vector<16xi32> to vector<16xf32>
      %parallel_loop3A_167 = arith.andi %parallel_loop3A_159, %broadcast_in_dim3A_7 : vector<16xi32>
      %parallel_loop3A_168 = vector.bitcast %parallel_loop3A_167 : vector<16xi32> to vector<16xf32>
      %parallel_loop3A_169 = arith.constant 16 : i32
      %parallel_loop3A_170 = vector.broadcast %parallel_loop3A_169 : i32 to vector<16xi32>
      %parallel_loop3A_171 = arith.shli %parallel_loop3A_162, %parallel_loop3A_170 : vector<16xi32>
      %parallel_loop3A_172 = vector.bitcast %parallel_loop3A_171 : vector<16xi32> to vector<16xf32>
      %parallel_loop3A_173 = arith.andi %parallel_loop3A_162, %broadcast_in_dim3A_7 : vector<16xi32>
      %parallel_loop3A_174 = vector.bitcast %parallel_loop3A_173 : vector<16xi32> to vector<16xf32>
      %parallel_loop3A_175 = arith.mulf %parallel_loop3A_72, %parallel_loop3A_166 : vector<16xf32>
      %parallel_loop3A_176 = arith.addf %parallel_loop3A_175, %parallel_loop3A_172 : vector<16xf32>
      %parallel_loop3A_177 = arith.index_cast %parallel_loop3A_69 : i32 to index
      %parallel_loop3A_178 = arith.constant 96 : index
      %parallel_loop3A_179 = tpu.vector_load %arg25[%parallel_loop3A_177, %parallel_loop3A_178] {strides = array<i32>} : memref<64x128xf32, #tpu.memory_space<vmem>>, vector<16xf32>,
      tpu.vector_store %arg25[%parallel_loop3A_177, %parallel_loop3A_178], %parallel_loop3A_176 {strides = array<i32>} : memref<64x128xf32, #tpu.memory_space<vmem>>, vector<16xf32>,
      %parallel_loop3A_180 = arith.mulf %parallel_loop3A_72, %parallel_loop3A_168 : vector<16xf32>
      %parallel_loop3A_181 = arith.addf %parallel_loop3A_180, %parallel_loop3A_174 : vector<16xf32>
      %parallel_loop3A_182 = arith.index_cast %parallel_loop3A_69 : i32 to index
      %parallel_loop3A_183 = arith.constant 112 : index
      %parallel_loop3A_184 = tpu.vector_load %arg25[%parallel_loop3A_182, %parallel_loop3A_183] {strides = array<i32>} : memref<64x128xf32, #tpu.memory_space<vmem>>, vector<16xf32>,
      tpu.vector_store %arg25[%parallel_loop3A_182, %parallel_loop3A_183], %parallel_loop3A_181 {strides = array<i32>} : memref<64x128xf32, #tpu.memory_space<vmem>>, vector<16xf32>,
    } {sc.loop_unroll_factor = 2 : i64, sc.parallel_access}
    "tpu.region"() ({
      %run_scoped3A_69 = tpu.sem_alloc : memref<!tpu.dma_semaphore, #tpu.memory_space<semaphore_mem>>
      %dma_start3A_70 = arith.constant 0 : i32
      %dma_start3A_71 = arith.constant 0 : i32
      %dma_start3A_72 = tpu.memref_slice %arg25[%dma_start3A_70, %dma_start3A_71] : memref<64x128xf32, #tpu.memory_space<vmem>> -> memref<16x128xf32, #tpu.memory_space<vmem>>
      %dma_start3A_73 = arith.constant 0 : i32
      %dma_start3A_74 = arith.constant 0 : i32
      %dma_start3A_75 = tpu.memref_slice %arg29[%dma_start3A_73, %dma_start3A_74] : memref<10000x128xf32, #tpu.memory_space<vmem_shared>> -> memref<10000x128xf32, #tpu.memory_space<vmem_shared>>
      tpu.enqueue_indirect_dma source(%dma_start3A_72 : memref<16x128xf32, #tpu.memory_space<vmem>>) target(%dma_start3A_75 : memref<10000x128xf32, #tpu.memory_space<vmem_shared>>) offsets(%arg27 : memref<16xi32, #tpu.memory_space<vmem>>) semaphore(%run_scoped3A_69 : memref<!tpu.dma_semaphore, #tpu.memory_space<semaphore_mem>>) {add = true}
      %dma_wait3A_76 = arith.constant 0 : i32
      %dma_wait3A_77 = arith.constant 0 : i32
      %dma_wait3A_78 = tpu.memref_slice %arg25[%dma_wait3A_76, %dma_wait3A_77] : memref<64x128xf32, #tpu.memory_space<vmem>> -> memref<16x128xf32, #tpu.memory_space<vmem>>
      %dma_wait3A_79 = arith.constant 0 : i32
      %dma_wait3A_80 = arith.constant 0 : i32
      %dma_wait3A_81 = tpu.memref_slice %arg29[%dma_wait3A_79, %dma_wait3A_80] : memref<10000x128xf32, #tpu.memory_space<vmem_shared>> -> memref<10000x128xf32, #tpu.memory_space<vmem_shared>>
      tpu.wait_indirect_dma semaphore(%run_scoped3A_69 : memref<!tpu.dma_semaphore, #tpu.memory_space<semaphore_mem>>) src(%dma_wait3A_78 : memref<16x128xf32, #tpu.memory_space<vmem>>) dst(%dma_wait3A_81 : memref<10000x128xf32, #tpu.memory_space<vmem_shared>>)
      tpu.yield
    }) : () -> ()
    "tpu.region"() ({
      %run_scoped3A_69 = tpu.sem_alloc : memref<!tpu.dma_semaphore, #tpu.memory_space<semaphore_mem>>
      %dma_start3A_70 = tpu.memref_slice %arg4[%mul3A_2] : memref<320000xi32, #tpu.memory_space<hbm>> -> memref<64xi32, #tpu.memory_space<hbm>>
      %dma_start3A_71 = tpu.memref_slice %arg4[%mul3A_2] : memref<320000xi32, #tpu.memory_space<hbm>> -> memref<64xi32, #tpu.memory_space<hbm>>
      tpu.enqueue_dma source(%dma_start3A_71 : memref<64xi32, #tpu.memory_space<hbm>>) target(%arg13 : memref<64xi32, #tpu.memory_space<vmem>>) target_semaphore(%run_scoped3A_69 : memref<!tpu.dma_semaphore, #tpu.memory_space<semaphore_mem>>)
      %dma_wait3A_72 = tpu.memref_slice %arg4[%mul3A_2] : memref<320000xi32, #tpu.memory_space<hbm>> -> memref<64xi32, #tpu.memory_space<hbm>>
      %dma_wait3A_73 = tpu.memref_slice %arg4[%mul3A_2] : memref<320000xi32, #tpu.memory_space<hbm>> -> memref<64xi32, #tpu.memory_space<hbm>>
      tpu.wait_dma2 semaphore(%run_scoped3A_69 : memref<!tpu.dma_semaphore, #tpu.memory_space<semaphore_mem>>) src(%dma_wait3A_73 : memref<64xi32, #tpu.memory_space<hbm>>) dst(%arg13 : memref<64xi32, #tpu.memory_space<vmem>>)
      tpu.yield
    }) : () -> ()
    "tpu.region"() ({
      %run_scoped3A_69 = tpu.sem_alloc : memref<!tpu.dma_semaphore, #tpu.memory_space<semaphore_mem>>
      %dma_start3A_70 = tpu.memref_slice %arg5[%mul3A_2] : memref<320000xi32, #tpu.memory_space<hbm>> -> memref<64xi32, #tpu.memory_space<hbm>>
      %dma_start3A_71 = tpu.memref_slice %arg5[%mul3A_2] : memref<320000xi32, #tpu.memory_space<hbm>> -> memref<64xi32, #tpu.memory_space<hbm>>
      tpu.enqueue_dma source(%dma_start3A_71 : memref<64xi32, #tpu.memory_space<hbm>>) target(%arg14 : memref<64xi32, #tpu.memory_space<vmem>>) target_semaphore(%run_scoped3A_69 : memref<!tpu.dma_semaphore, #tpu.memory_space<semaphore_mem>>)
      %dma_wait3A_72 = tpu.memref_slice %arg5[%mul3A_2] : memref<320000xi32, #tpu.memory_space<hbm>> -> memref<64xi32, #tpu.memory_space<hbm>>
      %dma_wait3A_73 = tpu.memref_slice %arg5[%mul3A_2] : memref<320000xi32, #tpu.memory_space<hbm>> -> memref<64xi32, #tpu.memory_space<hbm>>
      tpu.wait_dma2 semaphore(%run_scoped3A_69 : memref<!tpu.dma_semaphore, #tpu.memory_space<semaphore_mem>>) src(%dma_wait3A_73 : memref<64xi32, #tpu.memory_space<hbm>>) dst(%arg14 : memref<64xi32, #tpu.memory_space<vmem>>)
      tpu.yield
    }) : () -> ()
    "tpu.region"() ({
      %run_scoped3A_69 = tpu.sem_alloc : memref<!tpu.dma_semaphore, #tpu.memory_space<semaphore_mem>>
      %dma_start3A_70 = tpu.memref_slice %arg6[%mul3A_2] : memref<320000xf32, #tpu.memory_space<hbm>> -> memref<64xf32, #tpu.memory_space<hbm>>
      %dma_start3A_71 = tpu.memref_slice %arg6[%mul3A_2] : memref<320000xf32, #tpu.memory_space<hbm>> -> memref<64xf32, #tpu.memory_space<hbm>>
      tpu.enqueue_dma source(%dma_start3A_71 : memref<64xf32, #tpu.memory_space<hbm>>) target(%arg15 : memref<64xf32, #tpu.memory_space<vmem>>) target_semaphore(%run_scoped3A_69 : memref<!tpu.dma_semaphore, #tpu.memory_space<semaphore_mem>>)
      %dma_wait3A_72 = tpu.memref_slice %arg6[%mul3A_2] : memref<320000xf32, #tpu.memory_space<hbm>> -> memref<64xf32, #tpu.memory_space<hbm>>
      %dma_wait3A_73 = tpu.memref_slice %arg6[%mul3A_2] : memref<320000xf32, #tpu.memory_space<hbm>> -> memref<64xf32, #tpu.memory_space<hbm>>
      tpu.wait_dma2 semaphore(%run_scoped3A_69 : memref<!tpu.dma_semaphore, #tpu.memory_space<semaphore_mem>>) src(%dma_wait3A_73 : memref<64xf32, #tpu.memory_space<hbm>>) dst(%arg15 : memref<64xf32, #tpu.memory_space<vmem>>)
      tpu.yield
    }) : () -> ()
    %dma_start3A_29 = arith.constant 0 : i32
    %dma_start3A_30 = arith.constant 0 : i32
    %dma_start3A_31 = tpu.memref_slice %arg2[%dma_start3A_29, %dma_start3A_30] : memref<10000x128xi32, #tpu.memory_space<hbm>> -> memref<10000x128xi32, #tpu.memory_space<hbm>>
    tpu.enqueue_indirect_dma source(%dma_start3A_31 : memref<10000x128xi32, #tpu.memory_space<hbm>>) target(%arg23 : memref<64x128xi32, #tpu.memory_space<vmem>>) offsets(%arg13 : memref<64xi32, #tpu.memory_space<vmem>>) semaphore(%arg32 : memref<!tpu.dma_semaphore, #tpu.memory_space<semaphore_mem>>)
    %add3A_32 = arith.constant 64 : i32
    %add3A_33 = arith.addi %mul3A_2, %add3A_32 : i32
    %dma_start3A_34 = tpu.memref_slice %arg4[%add3A_33] : memref<320000xi32, #tpu.memory_space<hbm>> -> memref<64xi32, #tpu.memory_space<hbm>>
    %dma_start3A_35 = tpu.memref_slice %arg4[%add3A_33] : memref<320000xi32, #tpu.memory_space<hbm>> -> memref<64xi32, #tpu.memory_space<hbm>>
    tpu.enqueue_dma source(%dma_start3A_35 : memref<64xi32, #tpu.memory_space<hbm>>) target(%arg18 : memref<64xi32, #tpu.memory_space<vmem>>) target_semaphore(%arg31 : memref<!tpu.dma_semaphore, #tpu.memory_space<semaphore_mem>>)
    %add3A_36 = arith.constant 64 : i32
    %add3A_37 = arith.addi %mul3A_2, %add3A_36 : i32
    %dma_start3A_38 = tpu.memref_slice %arg5[%add3A_37] : memref<320000xi32, #tpu.memory_space<hbm>> -> memref<64xi32, #tpu.memory_space<hbm>>
    %dma_start3A_39 = tpu.memref_slice %arg5[%add3A_37] : memref<320000xi32, #tpu.memory_space<hbm>> -> memref<64xi32, #tpu.memory_space<hbm>>
    tpu.enqueue_dma source(%dma_start3A_39 : memref<64xi32, #tpu.memory_space<hbm>>) target(%arg19 : memref<64xi32, #tpu.memory_space<vmem>>) target_semaphore(%arg31 : memref<!tpu.dma_semaphore, #tpu.memory_space<semaphore_mem>>)
    %add3A_40 = arith.constant 64 : i32
    %add3A_41 = arith.addi %mul3A_2, %add3A_40 : i32
    %dma_start3A_42 = tpu.memref_slice %arg6[%add3A_41] : memref<320000xf32, #tpu.memory_space<hbm>> -> memref<64xf32, #tpu.memory_space<hbm>>
    %dma_start3A_43 = tpu.memref_slice %arg6[%add3A_41] : memref<320000xf32, #tpu.memory_space<hbm>> -> memref<64xf32, #tpu.memory_space<hbm>>
    tpu.enqueue_dma source(%dma_start3A_43 : memref<64xf32, #tpu.memory_space<hbm>>) target(%arg20 : memref<64xf32, #tpu.memory_space<vmem>>) target_semaphore(%arg31 : memref<!tpu.dma_semaphore, #tpu.memory_space<semaphore_mem>>)
    %scan3A = arith.constant 0 : i32
    %scan3A_44 = arith.constant 0 : i32
    %scan3A_45 = arith.constant 78 : i32
    %scan3A_46 = arith.addi %scan3A_44, %scan3A_45 : i32
    %scan3A_47 = arith.constant 1 : i32
    scf.for %scan3A_69 = %scan3A_44 to %scan3A_46 step %scan3A_47  : i32 {
      %mul3A_70 = arith.constant 128 : i32
      %mul3A_71 = arith.muli %scan3A_69, %mul3A_70 : i32
      %add3A_72 = arith.addi %mul3A_2, %mul3A_71 : i32
      %add3A_73 = arith.constant 64 : i32
      %add3A_74 = arith.addi %add3A_72, %add3A_73 : i32
      %dma_wait3A_75 = tpu.memref_slice %arg4[%add3A_74] : memref<320000xi32, #tpu.memory_space<hbm>> -> memref<64xi32, #tpu.memory_space<hbm>>
      %dma_wait3A_76 = tpu.memref_slice %arg4[%add3A_74] : memref<320000xi32, #tpu.memory_space<hbm>> -> memref<64xi32, #tpu.memory_space<hbm>>
      tpu.wait_dma2 semaphore(%arg31 : memref<!tpu.dma_semaphore, #tpu.memory_space<semaphore_mem>>) src(%dma_wait3A_76 : memref<64xi32, #tpu.memory_space<hbm>>) dst(%arg18 : memref<64xi32, #tpu.memory_space<vmem>>)
      %add3A_77 = arith.constant 64 : i32
      %add3A_78 = arith.addi %add3A_72, %add3A_77 : i32
      %dma_wait3A_79 = tpu.memref_slice %arg5[%add3A_78] : memref<320000xi32, #tpu.memory_space<hbm>> -> memref<64xi32, #tpu.memory_space<hbm>>
      %dma_wait3A_80 = tpu.memref_slice %arg5[%add3A_78] : memref<320000xi32, #tpu.memory_space<hbm>> -> memref<64xi32, #tpu.memory_space<hbm>>
      tpu.wait_dma2 semaphore(%arg31 : memref<!tpu.dma_semaphore, #tpu.memory_space<semaphore_mem>>) src(%dma_wait3A_80 : memref<64xi32, #tpu.memory_space<hbm>>) dst(%arg19 : memref<64xi32, #tpu.memory_space<vmem>>)
      %add3A_81 = arith.constant 64 : i32
      %add3A_82 = arith.addi %add3A_72, %add3A_81 : i32
      %dma_wait3A_83 = tpu.memref_slice %arg6[%add3A_82] : memref<320000xf32, #tpu.memory_space<hbm>> -> memref<64xf32, #tpu.memory_space<hbm>>
      %dma_wait3A_84 = tpu.memref_slice %arg6[%add3A_82] : memref<320000xf32, #tpu.memory_space<hbm>> -> memref<64xf32, #tpu.memory_space<hbm>>
      tpu.wait_dma2 semaphore(%arg31 : memref<!tpu.dma_semaphore, #tpu.memory_space<semaphore_mem>>) src(%dma_wait3A_84 : memref<64xf32, #tpu.memory_space<hbm>>) dst(%arg20 : memref<64xf32, #tpu.memory_space<vmem>>)
      %dma_start3A_85 = arith.constant 0 : i32
      %dma_start3A_86 = arith.constant 0 : i32
      %dma_start3A_87 = tpu.memref_slice %arg2[%dma_start3A_85, %dma_start3A_86] : memref<10000x128xi32, #tpu.memory_space<hbm>> -> memref<10000x128xi32, #tpu.memory_space<hbm>>
      tpu.enqueue_indirect_dma source(%dma_start3A_87 : memref<10000x128xi32, #tpu.memory_space<hbm>>) target(%arg24 : memref<64x128xi32, #tpu.memory_space<vmem>>) offsets(%arg18 : memref<64xi32, #tpu.memory_space<vmem>>) semaphore(%arg33 : memref<!tpu.dma_semaphore, #tpu.memory_space<semaphore_mem>>)
      %get3A_88 = arith.constant 0 : index
      %get3A_89 = tpu.vector_load %arg13[%get3A_88] {strides = array<i32>} : memref<64xi32, #tpu.memory_space<vmem>>, vector<16xi32>,
      %get3A_90 = arith.constant 0 : index
      %get3A_91 = tpu.vector_load %arg14[%get3A_90] {strides = array<i32>} : memref<64xi32, #tpu.memory_space<vmem>>, vector<16xi32>,
      %gather3A_92 = tpu.vector_load_idx %arg11[%get3A_89] : memref<10000xf32, #tpu.memory_space<vmem>>[vector<16xi32>], vector<16xf32>,
      tpu.vector_store_idx %arg12[%get3A_91], %gather3A_92 {add = true} : memref<10000xf32, #tpu.memory_space<vmem>>[vector<16xi32>], vector<16xf32>,
      %get3A_93 = arith.constant 16 : index
      %get3A_94 = tpu.vector_load %arg13[%get3A_93] {strides = array<i32>} : memref<64xi32, #tpu.memory_space<vmem>>, vector<16xi32>,
      %get3A_95 = arith.constant 16 : index
      %get3A_96 = tpu.vector_load %arg14[%get3A_95] {strides = array<i32>} : memref<64xi32, #tpu.memory_space<vmem>>, vector<16xi32>,
      %gather3A_97 = tpu.vector_load_idx %arg11[%get3A_94] : memref<10000xf32, #tpu.memory_space<vmem>>[vector<16xi32>], vector<16xf32>,
      tpu.vector_store_idx %arg12[%get3A_96], %gather3A_97 {add = true} : memref<10000xf32, #tpu.memory_space<vmem>>[vector<16xi32>], vector<16xf32>,
      %get3A_98 = arith.constant 32 : index
      %get3A_99 = tpu.vector_load %arg13[%get3A_98] {strides = array<i32>} : memref<64xi32, #tpu.memory_space<vmem>>, vector<16xi32>,
      %get3A_100 = arith.constant 32 : index
      %get3A_101 = tpu.vector_load %arg14[%get3A_100] {strides = array<i32>} : memref<64xi32, #tpu.memory_space<vmem>>, vector<16xi32>,
      %gather3A_102 = tpu.vector_load_idx %arg11[%get3A_99] : memref<10000xf32, #tpu.memory_space<vmem>>[vector<16xi32>], vector<16xf32>,
      tpu.vector_store_idx %arg12[%get3A_101], %gather3A_102 {add = true} : memref<10000xf32, #tpu.memory_space<vmem>>[vector<16xi32>], vector<16xf32>,
      %get3A_103 = arith.constant 48 : index
      %get3A_104 = tpu.vector_load %arg13[%get3A_103] {strides = array<i32>} : memref<64xi32, #tpu.memory_space<vmem>>, vector<16xi32>,
      %get3A_105 = arith.constant 48 : index
      %get3A_106 = tpu.vector_load %arg14[%get3A_105] {strides = array<i32>} : memref<64xi32, #tpu.memory_space<vmem>>, vector<16xi32>,
      %gather3A_107 = tpu.vector_load_idx %arg11[%get3A_104] : memref<10000xf32, #tpu.memory_space<vmem>>[vector<16xi32>], vector<16xf32>,
      tpu.vector_store_idx %arg12[%get3A_106], %gather3A_107 {add = true} : memref<10000xf32, #tpu.memory_space<vmem>>[vector<16xi32>], vector<16xf32>,
      %dma_wait3A_108 = arith.constant 0 : i32
      %dma_wait3A_109 = arith.constant 0 : i32
      %dma_wait3A_110 = tpu.memref_slice %arg2[%dma_wait3A_108, %dma_wait3A_109] : memref<10000x128xi32, #tpu.memory_space<hbm>> -> memref<10000x128xi32, #tpu.memory_space<hbm>>
      tpu.wait_indirect_dma semaphore(%arg32 : memref<!tpu.dma_semaphore, #tpu.memory_space<semaphore_mem>>) src(%dma_wait3A_110 : memref<10000x128xi32, #tpu.memory_space<hbm>>) dst(%arg23 : memref<64x128xi32, #tpu.memory_space<vmem>>)
      %get3A_111 = arith.constant 0 : index
      %get3A_112 = tpu.vector_load %arg14[%get3A_111] {strides = array<i32>} : memref<64xi32, #tpu.memory_space<vmem>>, vector<16xi32>,
      %swap3A = arith.constant 0 : index
      %swap3A_113 = tpu.vector_load %arg16[%swap3A] {strides = array<i32>} : memref<64xi32, #tpu.memory_space<vmem>>, vector<16xi32>,
      tpu.vector_store %arg16[%swap3A], %get3A_112 {strides = array<i32>} : memref<64xi32, #tpu.memory_space<vmem>>, vector<16xi32>,
      %get3A_114 = arith.constant 16 : index
      %get3A_115 = tpu.vector_load %arg14[%get3A_114] {strides = array<i32>} : memref<64xi32, #tpu.memory_space<vmem>>, vector<16xi32>,
      %swap3A_116 = arith.constant 16 : index
      %swap3A_117 = tpu.vector_load %arg16[%swap3A_116] {strides = array<i32>} : memref<64xi32, #tpu.memory_space<vmem>>, vector<16xi32>,
      tpu.vector_store %arg16[%swap3A_116], %get3A_115 {strides = array<i32>} : memref<64xi32, #tpu.memory_space<vmem>>, vector<16xi32>,
      %get3A_118 = arith.constant 32 : index
      %get3A_119 = tpu.vector_load %arg14[%get3A_118] {strides = array<i32>} : memref<64xi32, #tpu.memory_space<vmem>>, vector<16xi32>,
      %swap3A_120 = arith.constant 32 : index
      %swap3A_121 = tpu.vector_load %arg16[%swap3A_120] {strides = array<i32>} : memref<64xi32, #tpu.memory_space<vmem>>, vector<16xi32>,
      tpu.vector_store %arg16[%swap3A_120], %get3A_119 {strides = array<i32>} : memref<64xi32, #tpu.memory_space<vmem>>, vector<16xi32>,
      %get3A_122 = arith.constant 48 : index
      %get3A_123 = tpu.vector_load %arg14[%get3A_122] {strides = array<i32>} : memref<64xi32, #tpu.memory_space<vmem>>, vector<16xi32>,
      %swap3A_124 = arith.constant 48 : index
      %swap3A_125 = tpu.vector_load %arg16[%swap3A_124] {strides = array<i32>} : memref<64xi32, #tpu.memory_space<vmem>>, vector<16xi32>,
      tpu.vector_store %arg16[%swap3A_124], %get3A_123 {strides = array<i32>} : memref<64xi32, #tpu.memory_space<vmem>>, vector<16xi32>,
      %get3A_126 = arith.constant 0 : index
      %get3A_127 = tpu.vector_load %arg15[%get3A_126] {strides = array<i32>} : memref<64xf32, #tpu.memory_space<vmem>>, vector<16xf32>,
      %swap3A_128 = arith.constant 0 : index
      %swap3A_129 = tpu.vector_load %arg17[%swap3A_128] {strides = array<i32>} : memref<64xf32, #tpu.memory_space<vmem>>, vector<16xf32>,
      tpu.vector_store %arg17[%swap3A_128], %get3A_127 {strides = array<i32>} : memref<64xf32, #tpu.memory_space<vmem>>, vector<16xf32>,
      %get3A_130 = arith.constant 16 : index
      %get3A_131 = tpu.vector_load %arg15[%get3A_130] {strides = array<i32>} : memref<64xf32, #tpu.memory_space<vmem>>, vector<16xf32>,
      %swap3A_132 = arith.constant 16 : index
      %swap3A_133 = tpu.vector_load %arg17[%swap3A_132] {strides = array<i32>} : memref<64xf32, #tpu.memory_space<vmem>>, vector<16xf32>,
      tpu.vector_store %arg17[%swap3A_132], %get3A_131 {strides = array<i32>} : memref<64xf32, #tpu.memory_space<vmem>>, vector<16xf32>,
      %get3A_134 = arith.constant 32 : index
      %get3A_135 = tpu.vector_load %arg15[%get3A_134] {strides = array<i32>} : memref<64xf32, #tpu.memory_space<vmem>>, vector<16xf32>,
      %swap3A_136 = arith.constant 32 : index
      %swap3A_137 = tpu.vector_load %arg17[%swap3A_136] {strides = array<i32>} : memref<64xf32, #tpu.memory_space<vmem>>, vector<16xf32>,
      tpu.vector_store %arg17[%swap3A_136], %get3A_135 {strides = array<i32>} : memref<64xf32, #tpu.memory_space<vmem>>, vector<16xf32>,
      %get3A_138 = arith.constant 48 : index
      %get3A_139 = tpu.vector_load %arg15[%get3A_138] {strides = array<i32>} : memref<64xf32, #tpu.memory_space<vmem>>, vector<16xf32>,
      %swap3A_140 = arith.constant 48 : index
      %swap3A_141 = tpu.vector_load %arg17[%swap3A_140] {strides = array<i32>} : memref<64xf32, #tpu.memory_space<vmem>>, vector<16xf32>,
      tpu.vector_store %arg17[%swap3A_140], %get3A_139 {strides = array<i32>} : memref<64xf32, #tpu.memory_space<vmem>>, vector<16xf32>,
      %lt3A = arith.constant 77 : i32
      %lt3A_142 = arith.cmpi slt, %scan3A_69, %lt3A : i32
      %convert_element_type3A_143 = arith.extui %lt3A_142 : i1 to i32
      %cond3A_144 = arith.constant 0 : i32
      %cond3A_145 = arith.cmpi ne, %convert_element_type3A_143, %cond3A_144 : i32
      scf.if %cond3A_145 {
        %add3A_230 = arith.constant 128 : i32
        %add3A_231 = arith.addi %add3A_72, %add3A_230 : i32
        %dma_start3A_232 = tpu.memref_slice %arg4[%add3A_231] : memref<320000xi32, #tpu.memory_space<hbm>> -> memref<64xi32, #tpu.memory_space<hbm>>
        %dma_start3A_233 = tpu.memref_slice %arg4[%add3A_231] : memref<320000xi32, #tpu.memory_space<hbm>> -> memref<64xi32, #tpu.memory_space<hbm>>
        tpu.enqueue_dma source(%dma_start3A_233 : memref<64xi32, #tpu.memory_space<hbm>>) target(%arg13 : memref<64xi32, #tpu.memory_space<vmem>>) target_semaphore(%arg30 : memref<!tpu.dma_semaphore, #tpu.memory_space<semaphore_mem>>)
        %dma_start3A_234 = tpu.memref_slice %arg5[%add3A_231] : memref<320000xi32, #tpu.memory_space<hbm>> -> memref<64xi32, #tpu.memory_space<hbm>>
        %dma_start3A_235 = tpu.memref_slice %arg5[%add3A_231] : memref<320000xi32, #tpu.memory_space<hbm>> -> memref<64xi32, #tpu.memory_space<hbm>>
        tpu.enqueue_dma source(%dma_start3A_235 : memref<64xi32, #tpu.memory_space<hbm>>) target(%arg14 : memref<64xi32, #tpu.memory_space<vmem>>) target_semaphore(%arg30 : memref<!tpu.dma_semaphore, #tpu.memory_space<semaphore_mem>>)
        %dma_start3A_236 = tpu.memref_slice %arg6[%add3A_231] : memref<320000xf32, #tpu.memory_space<hbm>> -> memref<64xf32, #tpu.memory_space<hbm>>
        %dma_start3A_237 = tpu.memref_slice %arg6[%add3A_231] : memref<320000xf32, #tpu.memory_space<hbm>> -> memref<64xf32, #tpu.memory_space<hbm>>
        tpu.enqueue_dma source(%dma_start3A_237 : memref<64xf32, #tpu.memory_space<hbm>>) target(%arg15 : memref<64xf32, #tpu.memory_space<vmem>>) target_semaphore(%arg30 : memref<!tpu.dma_semaphore, #tpu.memory_space<semaphore_mem>>)
      } else {
      }
      %gt3A = arith.constant 0 : i32
      %gt3A_146 = arith.cmpi sgt, %scan3A_69, %gt3A : i32
      %convert_element_type3A_147 = arith.extui %gt3A_146 : i1 to i32
      %cond3A_148 = arith.constant 0 : i32
      %cond3A_149 = arith.cmpi ne, %convert_element_type3A_147, %cond3A_148 : i32
      scf.if %cond3A_149 {
        %dma_wait3A_230 = arith.constant 0 : i32
        %dma_wait3A_231 = arith.constant 0 : i32
        %dma_wait3A_232 = tpu.memref_slice %arg29[%dma_wait3A_230, %dma_wait3A_231] : memref<10000x128xf32, #tpu.memory_space<vmem_shared>> -> memref<10000x128xf32, #tpu.memory_space<vmem_shared>>
        tpu.wait_indirect_dma semaphore(%arg34 : memref<!tpu.dma_semaphore, #tpu.memory_space<semaphore_mem>>) src(%arg25 : memref<64x128xf32, #tpu.memory_space<vmem>>) dst(%dma_wait3A_232 : memref<10000x128xf32, #tpu.memory_space<vmem_shared>>)
      } else {
      }
      %parallel_loop3A_150 = arith.constant 0 : i32
      %parallel_loop3A_151 = arith.constant 64 : i32
      %parallel_loop3A_152 = arith.constant 1 : i32
      scf.for %parallel_loop3A_230 = %parallel_loop3A_150 to %parallel_loop3A_151 step %parallel_loop3A_152  : i32 {
        %parallel_loop3A_231 = vector.broadcast %parallel_loop3A_230 : i32 to vector<16xi32>
        %parallel_loop3A_232 = arith.addi %broadcast_in_dim3A_5, %parallel_loop3A_231 : vector<16xi32>
        %parallel_loop3A_233 = tpu.vector_load_idx %arg17[%parallel_loop3A_232] : memref<64xf32, #tpu.memory_space<vmem>>[vector<16xi32>], vector<16xf32>,
        %parallel_loop3A_234 = arith.index_cast %parallel_loop3A_230 : i32 to index
        %parallel_loop3A_235 = arith.constant 0 : index
        %parallel_loop3A_236 = tpu.vector_load %arg23[%parallel_loop3A_234, %parallel_loop3A_235] {strides = array<i32>} : memref<64x128xi32, #tpu.memory_space<vmem>>, vector<16xi32>,
        %parallel_loop3A_237 = arith.index_cast %parallel_loop3A_230 : i32 to index
        %parallel_loop3A_238 = arith.constant 64 : index
        %parallel_loop3A_239 = tpu.vector_load %arg23[%parallel_loop3A_237, %parallel_loop3A_238] {strides = array<i32>} : memref<64x128xi32, #tpu.memory_space<vmem>>, vector<16xi32>,
        %parallel_loop3A_240 = arith.constant 16 : i32
        %parallel_loop3A_241 = vector.broadcast %parallel_loop3A_240 : i32 to vector<16xi32>
        %parallel_loop3A_242 = arith.shli %parallel_loop3A_236, %parallel_loop3A_241 : vector<16xi32>
        %parallel_loop3A_243 = vector.bitcast %parallel_loop3A_242 : vector<16xi32> to vector<16xf32>
        %parallel_loop3A_244 = arith.andi %parallel_loop3A_236, %broadcast_in_dim3A_7 : vector<16xi32>
        %parallel_loop3A_245 = vector.bitcast %parallel_loop3A_244 : vector<16xi32> to vector<16xf32>
        %parallel_loop3A_246 = arith.constant 16 : i32
        %parallel_loop3A_247 = vector.broadcast %parallel_loop3A_246 : i32 to vector<16xi32>
        %parallel_loop3A_248 = arith.shli %parallel_loop3A_239, %parallel_loop3A_247 : vector<16xi32>
        %parallel_loop3A_249 = vector.bitcast %parallel_loop3A_248 : vector<16xi32> to vector<16xf32>
        %parallel_loop3A_250 = arith.andi %parallel_loop3A_239, %broadcast_in_dim3A_7 : vector<16xi32>
        %parallel_loop3A_251 = vector.bitcast %parallel_loop3A_250 : vector<16xi32> to vector<16xf32>
        %parallel_loop3A_252 = arith.mulf %parallel_loop3A_233, %parallel_loop3A_243 : vector<16xf32>
        %parallel_loop3A_253 = arith.addf %parallel_loop3A_252, %parallel_loop3A_249 : vector<16xf32>
        %parallel_loop3A_254 = arith.index_cast %parallel_loop3A_230 : i32 to index
        %parallel_loop3A_255 = arith.constant 0 : index
        %parallel_loop3A_256 = tpu.vector_load %arg25[%parallel_loop3A_254, %parallel_loop3A_255] {strides = array<i32>} : memref<64x128xf32, #tpu.memory_space<vmem>>, vector<16xf32>,
        tpu.vector_store %arg25[%parallel_loop3A_254, %parallel_loop3A_255], %parallel_loop3A_253 {strides = array<i32>} : memref<64x128xf32, #tpu.memory_space<vmem>>, vector<16xf32>,
        %parallel_loop3A_257 = arith.mulf %parallel_loop3A_233, %parallel_loop3A_245 : vector<16xf32>
        %parallel_loop3A_258 = arith.addf %parallel_loop3A_257, %parallel_loop3A_251 : vector<16xf32>
        %parallel_loop3A_259 = arith.index_cast %parallel_loop3A_230 : i32 to index
        %parallel_loop3A_260 = arith.constant 16 : index
        %parallel_loop3A_261 = tpu.vector_load %arg25[%parallel_loop3A_259, %parallel_loop3A_260] {strides = array<i32>} : memref<64x128xf32, #tpu.memory_space<vmem>>, vector<16xf32>,
        tpu.vector_store %arg25[%parallel_loop3A_259, %parallel_loop3A_260], %parallel_loop3A_258 {strides = array<i32>} : memref<64x128xf32, #tpu.memory_space<vmem>>, vector<16xf32>,
        %parallel_loop3A_262 = arith.index_cast %parallel_loop3A_230 : i32 to index
        %parallel_loop3A_263 = arith.constant 16 : index
        %parallel_loop3A_264 = tpu.vector_load %arg23[%parallel_loop3A_262, %parallel_loop3A_263] {strides = array<i32>} : memref<64x128xi32, #tpu.memory_space<vmem>>, vector<16xi32>,
        %parallel_loop3A_265 = arith.index_cast %parallel_loop3A_230 : i32 to index
        %parallel_loop3A_266 = arith.constant 80 : index
        %parallel_loop3A_267 = tpu.vector_load %arg23[%parallel_loop3A_265, %parallel_loop3A_266] {strides = array<i32>} : memref<64x128xi32, #tpu.memory_space<vmem>>, vector<16xi32>,
        %parallel_loop3A_268 = arith.constant 16 : i32
        %parallel_loop3A_269 = vector.broadcast %parallel_loop3A_268 : i32 to vector<16xi32>
        %parallel_loop3A_270 = arith.shli %parallel_loop3A_264, %parallel_loop3A_269 : vector<16xi32>
        %parallel_loop3A_271 = vector.bitcast %parallel_loop3A_270 : vector<16xi32> to vector<16xf32>
        %parallel_loop3A_272 = arith.andi %parallel_loop3A_264, %broadcast_in_dim3A_7 : vector<16xi32>
        %parallel_loop3A_273 = vector.bitcast %parallel_loop3A_272 : vector<16xi32> to vector<16xf32>
        %parallel_loop3A_274 = arith.constant 16 : i32
        %parallel_loop3A_275 = vector.broadcast %parallel_loop3A_274 : i32 to vector<16xi32>
        %parallel_loop3A_276 = arith.shli %parallel_loop3A_267, %parallel_loop3A_275 : vector<16xi32>
        %parallel_loop3A_277 = vector.bitcast %parallel_loop3A_276 : vector<16xi32> to vector<16xf32>
        %parallel_loop3A_278 = arith.andi %parallel_loop3A_267, %broadcast_in_dim3A_7 : vector<16xi32>
        %parallel_loop3A_279 = vector.bitcast %parallel_loop3A_278 : vector<16xi32> to vector<16xf32>
        %parallel_loop3A_280 = arith.mulf %parallel_loop3A_233, %parallel_loop3A_271 : vector<16xf32>
        %parallel_loop3A_281 = arith.addf %parallel_loop3A_280, %parallel_loop3A_277 : vector<16xf32>
        %parallel_loop3A_282 = arith.index_cast %parallel_loop3A_230 : i32 to index
        %parallel_loop3A_283 = arith.constant 32 : index
        %parallel_loop3A_284 = tpu.vector_load %arg25[%parallel_loop3A_282, %parallel_loop3A_283] {strides = array<i32>} : memref<64x128xf32, #tpu.memory_space<vmem>>, vector<16xf32>,
        tpu.vector_store %arg25[%parallel_loop3A_282, %parallel_loop3A_283], %parallel_loop3A_281 {strides = array<i32>} : memref<64x128xf32, #tpu.memory_space<vmem>>, vector<16xf32>,
        %parallel_loop3A_285 = arith.mulf %parallel_loop3A_233, %parallel_loop3A_273 : vector<16xf32>
        %parallel_loop3A_286 = arith.addf %parallel_loop3A_285, %parallel_loop3A_279 : vector<16xf32>
        %parallel_loop3A_287 = arith.index_cast %parallel_loop3A_230 : i32 to index
        %parallel_loop3A_288 = arith.constant 48 : index
        %parallel_loop3A_289 = tpu.vector_load %arg25[%parallel_loop3A_287, %parallel_loop3A_288] {strides = array<i32>} : memref<64x128xf32, #tpu.memory_space<vmem>>, vector<16xf32>,
        tpu.vector_store %arg25[%parallel_loop3A_287, %parallel_loop3A_288], %parallel_loop3A_286 {strides = array<i32>} : memref<64x128xf32, #tpu.memory_space<vmem>>, vector<16xf32>,
        %parallel_loop3A_290 = arith.index_cast %parallel_loop3A_230 : i32 to index
        %parallel_loop3A_291 = arith.constant 32 : index
        %parallel_loop3A_292 = tpu.vector_load %arg23[%parallel_loop3A_290, %parallel_loop3A_291] {strides = array<i32>} : memref<64x128xi32, #tpu.memory_space<vmem>>, vector<16xi32>,
        %parallel_loop3A_293 = arith.index_cast %parallel_loop3A_230 : i32 to index
        %parallel_loop3A_294 = arith.constant 96 : index
        %parallel_loop3A_295 = tpu.vector_load %arg23[%parallel_loop3A_293, %parallel_loop3A_294] {strides = array<i32>} : memref<64x128xi32, #tpu.memory_space<vmem>>, vector<16xi32>,
        %parallel_loop3A_296 = arith.constant 16 : i32
        %parallel_loop3A_297 = vector.broadcast %parallel_loop3A_296 : i32 to vector<16xi32>
        %parallel_loop3A_298 = arith.shli %parallel_loop3A_292, %parallel_loop3A_297 : vector<16xi32>
        %parallel_loop3A_299 = vector.bitcast %parallel_loop3A_298 : vector<16xi32> to vector<16xf32>
        %parallel_loop3A_300 = arith.andi %parallel_loop3A_292, %broadcast_in_dim3A_7 : vector<16xi32>
        %parallel_loop3A_301 = vector.bitcast %parallel_loop3A_300 : vector<16xi32> to vector<16xf32>
        %parallel_loop3A_302 = arith.constant 16 : i32
        %parallel_loop3A_303 = vector.broadcast %parallel_loop3A_302 : i32 to vector<16xi32>
        %parallel_loop3A_304 = arith.shli %parallel_loop3A_295, %parallel_loop3A_303 : vector<16xi32>
        %parallel_loop3A_305 = vector.bitcast %parallel_loop3A_304 : vector<16xi32> to vector<16xf32>
        %parallel_loop3A_306 = arith.andi %parallel_loop3A_295, %broadcast_in_dim3A_7 : vector<16xi32>
        %parallel_loop3A_307 = vector.bitcast %parallel_loop3A_306 : vector<16xi32> to vector<16xf32>
        %parallel_loop3A_308 = arith.mulf %parallel_loop3A_233, %parallel_loop3A_299 : vector<16xf32>
        %parallel_loop3A_309 = arith.addf %parallel_loop3A_308, %parallel_loop3A_305 : vector<16xf32>
        %parallel_loop3A_310 = arith.index_cast %parallel_loop3A_230 : i32 to index
        %parallel_loop3A_311 = arith.constant 64 : index
        %parallel_loop3A_312 = tpu.vector_load %arg25[%parallel_loop3A_310, %parallel_loop3A_311] {strides = array<i32>} : memref<64x128xf32, #tpu.memory_space<vmem>>, vector<16xf32>,
        tpu.vector_store %arg25[%parallel_loop3A_310, %parallel_loop3A_311], %parallel_loop3A_309 {strides = array<i32>} : memref<64x128xf32, #tpu.memory_space<vmem>>, vector<16xf32>,
        %parallel_loop3A_313 = arith.mulf %parallel_loop3A_233, %parallel_loop3A_301 : vector<16xf32>
        %parallel_loop3A_314 = arith.addf %parallel_loop3A_313, %parallel_loop3A_307 : vector<16xf32>
        %parallel_loop3A_315 = arith.index_cast %parallel_loop3A_230 : i32 to index
        %parallel_loop3A_316 = arith.constant 80 : index
        %parallel_loop3A_317 = tpu.vector_load %arg25[%parallel_loop3A_315, %parallel_loop3A_316] {strides = array<i32>} : memref<64x128xf32, #tpu.memory_space<vmem>>, vector<16xf32>,
        tpu.vector_store %arg25[%parallel_loop3A_315, %parallel_loop3A_316], %parallel_loop3A_314 {strides = array<i32>} : memref<64x128xf32, #tpu.memory_space<vmem>>, vector<16xf32>,
        %parallel_loop3A_318 = arith.index_cast %parallel_loop3A_230 : i32 to index
        %parallel_loop3A_319 = arith.constant 48 : index
        %parallel_loop3A_320 = tpu.vector_load %arg23[%parallel_loop3A_318, %parallel_loop3A_319] {strides = array<i32>} : memref<64x128xi32, #tpu.memory_space<vmem>>, vector<16xi32>,
        %parallel_loop3A_321 = arith.index_cast %parallel_loop3A_230 : i32 to index
        %parallel_loop3A_322 = arith.constant 112 : index
        %parallel_loop3A_323 = tpu.vector_load %arg23[%parallel_loop3A_321, %parallel_loop3A_322] {strides = array<i32>} : memref<64x128xi32, #tpu.memory_space<vmem>>, vector<16xi32>,
        %parallel_loop3A_324 = arith.constant 16 : i32
        %parallel_loop3A_325 = vector.broadcast %parallel_loop3A_324 : i32 to vector<16xi32>
        %parallel_loop3A_326 = arith.shli %parallel_loop3A_320, %parallel_loop3A_325 : vector<16xi32>
        %parallel_loop3A_327 = vector.bitcast %parallel_loop3A_326 : vector<16xi32> to vector<16xf32>
        %parallel_loop3A_328 = arith.andi %parallel_loop3A_320, %broadcast_in_dim3A_7 : vector<16xi32>
        %parallel_loop3A_329 = vector.bitcast %parallel_loop3A_328 : vector<16xi32> to vector<16xf32>
        %parallel_loop3A_330 = arith.constant 16 : i32
        %parallel_loop3A_331 = vector.broadcast %parallel_loop3A_330 : i32 to vector<16xi32>
        %parallel_loop3A_332 = arith.shli %parallel_loop3A_323, %parallel_loop3A_331 : vector<16xi32>
        %parallel_loop3A_333 = vector.bitcast %parallel_loop3A_332 : vector<16xi32> to vector<16xf32>
        %parallel_loop3A_334 = arith.andi %parallel_loop3A_323, %broadcast_in_dim3A_7 : vector<16xi32>
        %parallel_loop3A_335 = vector.bitcast %parallel_loop3A_334 : vector<16xi32> to vector<16xf32>
        %parallel_loop3A_336 = arith.mulf %parallel_loop3A_233, %parallel_loop3A_327 : vector<16xf32>
        %parallel_loop3A_337 = arith.addf %parallel_loop3A_336, %parallel_loop3A_333 : vector<16xf32>
        %parallel_loop3A_338 = arith.index_cast %parallel_loop3A_230 : i32 to index
        %parallel_loop3A_339 = arith.constant 96 : index
        %parallel_loop3A_340 = tpu.vector_load %arg25[%parallel_loop3A_338, %parallel_loop3A_339] {strides = array<i32>} : memref<64x128xf32, #tpu.memory_space<vmem>>, vector<16xf32>,
        tpu.vector_store %arg25[%parallel_loop3A_338, %parallel_loop3A_339], %parallel_loop3A_337 {strides = array<i32>} : memref<64x128xf32, #tpu.memory_space<vmem>>, vector<16xf32>,
        %parallel_loop3A_341 = arith.mulf %parallel_loop3A_233, %parallel_loop3A_329 : vector<16xf32>
        %parallel_loop3A_342 = arith.addf %parallel_loop3A_341, %parallel_loop3A_335 : vector<16xf32>
        %parallel_loop3A_343 = arith.index_cast %parallel_loop3A_230 : i32 to index
        %parallel_loop3A_344 = arith.constant 112 : index
        %parallel_loop3A_345 = tpu.vector_load %arg25[%parallel_loop3A_343, %parallel_loop3A_344] {strides = array<i32>} : memref<64x128xf32, #tpu.memory_space<vmem>>, vector<16xf32>,
        tpu.vector_store %arg25[%parallel_loop3A_343, %parallel_loop3A_344], %parallel_loop3A_342 {strides = array<i32>} : memref<64x128xf32, #tpu.memory_space<vmem>>, vector<16xf32>,
      } {sc.loop_unroll_factor = 2 : i64, sc.parallel_access}
      %dma_start3A_153 = arith.constant 0 : i32
      %dma_start3A_154 = arith.constant 0 : i32
      %dma_start3A_155 = tpu.memref_slice %arg29[%dma_start3A_153, %dma_start3A_154] : memref<10000x128xf32, #tpu.memory_space<vmem_shared>> -> memref<10000x128xf32, #tpu.memory_space<vmem_shared>>
      tpu.enqueue_indirect_dma source(%arg25 : memref<64x128xf32, #tpu.memory_space<vmem>>) target(%dma_start3A_155 : memref<10000x128xf32, #tpu.memory_space<vmem_shared>>) offsets(%arg16 : memref<64xi32, #tpu.memory_space<vmem>>) semaphore(%arg34 : memref<!tpu.dma_semaphore, #tpu.memory_space<semaphore_mem>>) {add = true}
      %lt3A_156 = arith.constant 77 : i32
      %lt3A_157 = arith.cmpi slt, %scan3A_69, %lt3A_156 : i32
      %convert_element_type3A_158 = arith.extui %lt3A_157 : i1 to i32
      %cond3A_159 = arith.constant 0 : i32
      %cond3A_160 = arith.cmpi ne, %convert_element_type3A_158, %cond3A_159 : i32
      scf.if %cond3A_160 {
        %add3A_230 = arith.constant 128 : i32
        %add3A_231 = arith.addi %add3A_72, %add3A_230 : i32
        %dma_wait3A_232 = tpu.memref_slice %arg4[%add3A_231] : memref<320000xi32, #tpu.memory_space<hbm>> -> memref<64xi32, #tpu.memory_space<hbm>>
        %dma_wait3A_233 = tpu.memref_slice %arg4[%add3A_231] : memref<320000xi32, #tpu.memory_space<hbm>> -> memref<64xi32, #tpu.memory_space<hbm>>
        tpu.wait_dma2 semaphore(%arg30 : memref<!tpu.dma_semaphore, #tpu.memory_space<semaphore_mem>>) src(%dma_wait3A_233 : memref<64xi32, #tpu.memory_space<hbm>>) dst(%arg13 : memref<64xi32, #tpu.memory_space<vmem>>)
        %dma_wait3A_234 = tpu.memref_slice %arg5[%add3A_231] : memref<320000xi32, #tpu.memory_space<hbm>> -> memref<64xi32, #tpu.memory_space<hbm>>
        %dma_wait3A_235 = tpu.memref_slice %arg5[%add3A_231] : memref<320000xi32, #tpu.memory_space<hbm>> -> memref<64xi32, #tpu.memory_space<hbm>>
        tpu.wait_dma2 semaphore(%arg30 : memref<!tpu.dma_semaphore, #tpu.memory_space<semaphore_mem>>) src(%dma_wait3A_235 : memref<64xi32, #tpu.memory_space<hbm>>) dst(%arg14 : memref<64xi32, #tpu.memory_space<vmem>>)
        %dma_wait3A_236 = tpu.memref_slice %arg6[%add3A_231] : memref<320000xf32, #tpu.memory_space<hbm>> -> memref<64xf32, #tpu.memory_space<hbm>>
        %dma_wait3A_237 = tpu.memref_slice %arg6[%add3A_231] : memref<320000xf32, #tpu.memory_space<hbm>> -> memref<64xf32, #tpu.memory_space<hbm>>
        tpu.wait_dma2 semaphore(%arg30 : memref<!tpu.dma_semaphore, #tpu.memory_space<semaphore_mem>>) src(%dma_wait3A_237 : memref<64xf32, #tpu.memory_space<hbm>>) dst(%arg15 : memref<64xf32, #tpu.memory_space<vmem>>)
        %dma_start3A_238 = arith.constant 0 : i32
        %dma_start3A_239 = arith.constant 0 : i32
        %dma_start3A_240 = tpu.memref_slice %arg2[%dma_start3A_238, %dma_start3A_239] : memref<10000x128xi32, #tpu.memory_space<hbm>> -> memref<10000x128xi32, #tpu.memory_space<hbm>>
        tpu.enqueue_indirect_dma source(%dma_start3A_240 : memref<10000x128xi32, #tpu.memory_space<hbm>>) target(%arg23 : memref<64x128xi32, #tpu.memory_space<vmem>>) offsets(%arg13 : memref<64xi32, #tpu.memory_space<vmem>>) semaphore(%arg32 : memref<!tpu.dma_semaphore, #tpu.memory_space<semaphore_mem>>)
      } else {
      }
      %get3A_161 = arith.constant 0 : index
      %get3A_162 = tpu.vector_load %arg18[%get3A_161] {strides = array<i32>} : memref<64xi32, #tpu.memory_space<vmem>>, vector<16xi32>,
      %get3A_163 = arith.constant 0 : index
      %get3A_164 = tpu.vector_load %arg19[%get3A_163] {strides = array<i32>} : memref<64xi32, #tpu.memory_space<vmem>>, vector<16xi32>,
      %gather3A_165 = tpu.vector_load_idx %arg11[%get3A_162] : memref<10000xf32, #tpu.memory_space<vmem>>[vector<16xi32>], vector<16xf32>,
      tpu.vector_store_idx %arg12[%get3A_164], %gather3A_165 {add = true} : memref<10000xf32, #tpu.memory_space<vmem>>[vector<16xi32>], vector<16xf32>,
      %get3A_166 = arith.constant 16 : index
      %get3A_167 = tpu.vector_load %arg18[%get3A_166] {strides = array<i32>} : memref<64xi32, #tpu.memory_space<vmem>>, vector<16xi32>,
      %get3A_168 = arith.constant 16 : index
      %get3A_169 = tpu.vector_load %arg19[%get3A_168] {strides = array<i32>} : memref<64xi32, #tpu.memory_space<vmem>>, vector<16xi32>,
      %gather3A_170 = tpu.vector_load_idx %arg11[%get3A_167] : memref<10000xf32, #tpu.memory_space<vmem>>[vector<16xi32>], vector<16xf32>,
      tpu.vector_store_idx %arg12[%get3A_169], %gather3A_170 {add = true} : memref<10000xf32, #tpu.memory_space<vmem>>[vector<16xi32>], vector<16xf32>,
      %get3A_171 = arith.constant 32 : index
      %get3A_172 = tpu.vector_load %arg18[%get3A_171] {strides = array<i32>} : memref<64xi32, #tpu.memory_space<vmem>>, vector<16xi32>,
      %get3A_173 = arith.constant 32 : index
      %get3A_174 = tpu.vector_load %arg19[%get3A_173] {strides = array<i32>} : memref<64xi32, #tpu.memory_space<vmem>>, vector<16xi32>,
      %gather3A_175 = tpu.vector_load_idx %arg11[%get3A_172] : memref<10000xf32, #tpu.memory_space<vmem>>[vector<16xi32>], vector<16xf32>,
      tpu.vector_store_idx %arg12[%get3A_174], %gather3A_175 {add = true} : memref<10000xf32, #tpu.memory_space<vmem>>[vector<16xi32>], vector<16xf32>,
      %get3A_176 = arith.constant 48 : index
      %get3A_177 = tpu.vector_load %arg18[%get3A_176] {strides = array<i32>} : memref<64xi32, #tpu.memory_space<vmem>>, vector<16xi32>,
      %get3A_178 = arith.constant 48 : index
      %get3A_179 = tpu.vector_load %arg19[%get3A_178] {strides = array<i32>} : memref<64xi32, #tpu.memory_space<vmem>>, vector<16xi32>,
      %gather3A_180 = tpu.vector_load_idx %arg11[%get3A_177] : memref<10000xf32, #tpu.memory_space<vmem>>[vector<16xi32>], vector<16xf32>,
      tpu.vector_store_idx %arg12[%get3A_179], %gather3A_180 {add = true} : memref<10000xf32, #tpu.memory_space<vmem>>[vector<16xi32>], vector<16xf32>,
      %dma_wait3A_181 = arith.constant 0 : i32
      %dma_wait3A_182 = arith.constant 0 : i32
      %dma_wait3A_183 = tpu.memref_slice %arg2[%dma_wait3A_181, %dma_wait3A_182] : memref<10000x128xi32, #tpu.memory_space<hbm>> -> memref<10000x128xi32, #tpu.memory_space<hbm>>
      tpu.wait_indirect_dma semaphore(%arg33 : memref<!tpu.dma_semaphore, #tpu.memory_space<semaphore_mem>>) src(%dma_wait3A_183 : memref<10000x128xi32, #tpu.memory_space<hbm>>) dst(%arg24 : memref<64x128xi32, #tpu.memory_space<vmem>>)
      %get3A_184 = arith.constant 0 : index
      %get3A_185 = tpu.vector_load %arg19[%get3A_184] {strides = array<i32>} : memref<64xi32, #tpu.memory_space<vmem>>, vector<16xi32>,
      %swap3A_186 = arith.constant 0 : index
      %swap3A_187 = tpu.vector_load %arg21[%swap3A_186] {strides = array<i32>} : memref<64xi32, #tpu.memory_space<vmem>>, vector<16xi32>,
      tpu.vector_store %arg21[%swap3A_186], %get3A_185 {strides = array<i32>} : memref<64xi32, #tpu.memory_space<vmem>>, vector<16xi32>,
      %get3A_188 = arith.constant 16 : index
      %get3A_189 = tpu.vector_load %arg19[%get3A_188] {strides = array<i32>} : memref<64xi32, #tpu.memory_space<vmem>>, vector<16xi32>,
      %swap3A_190 = arith.constant 16 : index
      %swap3A_191 = tpu.vector_load %arg21[%swap3A_190] {strides = array<i32>} : memref<64xi32, #tpu.memory_space<vmem>>, vector<16xi32>,
      tpu.vector_store %arg21[%swap3A_190], %get3A_189 {strides = array<i32>} : memref<64xi32, #tpu.memory_space<vmem>>, vector<16xi32>,
      %get3A_192 = arith.constant 32 : index
      %get3A_193 = tpu.vector_load %arg19[%get3A_192] {strides = array<i32>} : memref<64xi32, #tpu.memory_space<vmem>>, vector<16xi32>,
      %swap3A_194 = arith.constant 32 : index
      %swap3A_195 = tpu.vector_load %arg21[%swap3A_194] {strides = array<i32>} : memref<64xi32, #tpu.memory_space<vmem>>, vector<16xi32>,
      tpu.vector_store %arg21[%swap3A_194], %get3A_193 {strides = array<i32>} : memref<64xi32, #tpu.memory_space<vmem>>, vector<16xi32>,
      %get3A_196 = arith.constant 48 : index
      %get3A_197 = tpu.vector_load %arg19[%get3A_196] {strides = array<i32>} : memref<64xi32, #tpu.memory_space<vmem>>, vector<16xi32>,
      %swap3A_198 = arith.constant 48 : index
      %swap3A_199 = tpu.vector_load %arg21[%swap3A_198] {strides = array<i32>} : memref<64xi32, #tpu.memory_space<vmem>>, vector<16xi32>,
      tpu.vector_store %arg21[%swap3A_198], %get3A_197 {strides = array<i32>} : memref<64xi32, #tpu.memory_space<vmem>>, vector<16xi32>,
      %get3A_200 = arith.constant 0 : index
      %get3A_201 = tpu.vector_load %arg20[%get3A_200] {strides = array<i32>} : memref<64xf32, #tpu.memory_space<vmem>>, vector<16xf32>,
      %swap3A_202 = arith.constant 0 : index
      %swap3A_203 = tpu.vector_load %arg22[%swap3A_202] {strides = array<i32>} : memref<64xf32, #tpu.memory_space<vmem>>, vector<16xf32>,
      tpu.vector_store %arg22[%swap3A_202], %get3A_201 {strides = array<i32>} : memref<64xf32, #tpu.memory_space<vmem>>, vector<16xf32>,
      %get3A_204 = arith.constant 16 : index
      %get3A_205 = tpu.vector_load %arg20[%get3A_204] {strides = array<i32>} : memref<64xf32, #tpu.memory_space<vmem>>, vector<16xf32>,
      %swap3A_206 = arith.constant 16 : index
      %swap3A_207 = tpu.vector_load %arg22[%swap3A_206] {strides = array<i32>} : memref<64xf32, #tpu.memory_space<vmem>>, vector<16xf32>,
      tpu.vector_store %arg22[%swap3A_206], %get3A_205 {strides = array<i32>} : memref<64xf32, #tpu.memory_space<vmem>>, vector<16xf32>,
      %get3A_208 = arith.constant 32 : index
      %get3A_209 = tpu.vector_load %arg20[%get3A_208] {strides = array<i32>} : memref<64xf32, #tpu.memory_space<vmem>>, vector<16xf32>,
      %swap3A_210 = arith.constant 32 : index
      %swap3A_211 = tpu.vector_load %arg22[%swap3A_210] {strides = array<i32>} : memref<64xf32, #tpu.memory_space<vmem>>, vector<16xf32>,
      tpu.vector_store %arg22[%swap3A_210], %get3A_209 {strides = array<i32>} : memref<64xf32, #tpu.memory_space<vmem>>, vector<16xf32>,
      %get3A_212 = arith.constant 48 : index
      %get3A_213 = tpu.vector_load %arg20[%get3A_212] {strides = array<i32>} : memref<64xf32, #tpu.memory_space<vmem>>, vector<16xf32>,
      %swap3A_214 = arith.constant 48 : index
      %swap3A_215 = tpu.vector_load %arg22[%swap3A_214] {strides = array<i32>} : memref<64xf32, #tpu.memory_space<vmem>>, vector<16xf32>,
      tpu.vector_store %arg22[%swap3A_214], %get3A_213 {strides = array<i32>} : memref<64xf32, #tpu.memory_space<vmem>>, vector<16xf32>,
      %lt3A_216 = arith.constant 77 : i32
      %lt3A_217 = arith.cmpi slt, %scan3A_69, %lt3A_216 : i32
      %convert_element_type3A_218 = arith.extui %lt3A_217 : i1 to i32
      %cond3A_219 = arith.constant 0 : i32
      %cond3A_220 = arith.cmpi ne, %convert_element_type3A_218, %cond3A_219 : i32
      scf.if %cond3A_220 {
        %add3A_230 = arith.constant 192 : i32
        %add3A_231 = arith.addi %add3A_72, %add3A_230 : i32
        %dma_start3A_232 = tpu.memref_slice %arg4[%add3A_231] : memref<320000xi32, #tpu.memory_space<hbm>> -> memref<64xi32, #tpu.memory_space<hbm>>
        %dma_start3A_233 = tpu.memref_slice %arg4[%add3A_231] : memref<320000xi32, #tpu.memory_space<hbm>> -> memref<64xi32, #tpu.memory_space<hbm>>
        tpu.enqueue_dma source(%dma_start3A_233 : memref<64xi32, #tpu.memory_space<hbm>>) target(%arg18 : memref<64xi32, #tpu.memory_space<vmem>>) target_semaphore(%arg31 : memref<!tpu.dma_semaphore, #tpu.memory_space<semaphore_mem>>)
        %dma_start3A_234 = tpu.memref_slice %arg5[%add3A_231] : memref<320000xi32, #tpu.memory_space<hbm>> -> memref<64xi32, #tpu.memory_space<hbm>>
        %dma_start3A_235 = tpu.memref_slice %arg5[%add3A_231] : memref<320000xi32, #tpu.memory_space<hbm>> -> memref<64xi32, #tpu.memory_space<hbm>>
        tpu.enqueue_dma source(%dma_start3A_235 : memref<64xi32, #tpu.memory_space<hbm>>) target(%arg19 : memref<64xi32, #tpu.memory_space<vmem>>) target_semaphore(%arg31 : memref<!tpu.dma_semaphore, #tpu.memory_space<semaphore_mem>>)
        %dma_start3A_236 = tpu.memref_slice %arg6[%add3A_231] : memref<320000xf32, #tpu.memory_space<hbm>> -> memref<64xf32, #tpu.memory_space<hbm>>
        %dma_start3A_237 = tpu.memref_slice %arg6[%add3A_231] : memref<320000xf32, #tpu.memory_space<hbm>> -> memref<64xf32, #tpu.memory_space<hbm>>
        tpu.enqueue_dma source(%dma_start3A_237 : memref<64xf32, #tpu.memory_space<hbm>>) target(%arg20 : memref<64xf32, #tpu.memory_space<vmem>>) target_semaphore(%arg31 : memref<!tpu.dma_semaphore, #tpu.memory_space<semaphore_mem>>)
      } else {
      }
      %dma_wait3A_221 = arith.constant 0 : i32
      %dma_wait3A_222 = arith.constant 0 : i32
      %dma_wait3A_223 = tpu.memref_slice %arg29[%dma_wait3A_221, %dma_wait3A_222] : memref<10000x128xf32, #tpu.memory_space<vmem_shared>> -> memref<10000x128xf32, #tpu.memory_space<vmem_shared>>
      tpu.wait_indirect_dma semaphore(%arg34 : memref<!tpu.dma_semaphore, #tpu.memory_space<semaphore_mem>>) src(%arg25 : memref<64x128xf32, #tpu.memory_space<vmem>>) dst(%dma_wait3A_223 : memref<10000x128xf32, #tpu.memory_space<vmem_shared>>)
      %parallel_loop3A_224 = arith.constant 0 : i32
      %parallel_loop3A_225 = arith.constant 64 : i32
      %parallel_loop3A_226 = arith.constant 1 : i32
      scf.for %parallel_loop3A_230 = %parallel_loop3A_224 to %parallel_loop3A_225 step %parallel_loop3A_226  : i32 {
        %parallel_loop3A_231 = vector.broadcast %parallel_loop3A_230 : i32 to vector<16xi32>
        %parallel_loop3A_232 = arith.addi %broadcast_in_dim3A_5, %parallel_loop3A_231 : vector<16xi32>
        %parallel_loop3A_233 = tpu.vector_load_idx %arg22[%parallel_loop3A_232] : memref<64xf32, #tpu.memory_space<vmem>>[vector<16xi32>], vector<16xf32>,
        %parallel_loop3A_234 = arith.index_cast %parallel_loop3A_230 : i32 to index
        %parallel_loop3A_235 = arith.constant 0 : index
        %parallel_loop3A_236 = tpu.vector_load %arg24[%parallel_loop3A_234, %parallel_loop3A_235] {strides = array<i32>} : memref<64x128xi32, #tpu.memory_space<vmem>>, vector<16xi32>,
        %parallel_loop3A_237 = arith.index_cast %parallel_loop3A_230 : i32 to index
        %parallel_loop3A_238 = arith.constant 64 : index
        %parallel_loop3A_239 = tpu.vector_load %arg24[%parallel_loop3A_237, %parallel_loop3A_238] {strides = array<i32>} : memref<64x128xi32, #tpu.memory_space<vmem>>, vector<16xi32>,
        %parallel_loop3A_240 = arith.constant 16 : i32
        %parallel_loop3A_241 = vector.broadcast %parallel_loop3A_240 : i32 to vector<16xi32>
        %parallel_loop3A_242 = arith.shli %parallel_loop3A_236, %parallel_loop3A_241 : vector<16xi32>
        %parallel_loop3A_243 = vector.bitcast %parallel_loop3A_242 : vector<16xi32> to vector<16xf32>
        %parallel_loop3A_244 = arith.andi %parallel_loop3A_236, %broadcast_in_dim3A_7 : vector<16xi32>
        %parallel_loop3A_245 = vector.bitcast %parallel_loop3A_244 : vector<16xi32> to vector<16xf32>
        %parallel_loop3A_246 = arith.constant 16 : i32
        %parallel_loop3A_247 = vector.broadcast %parallel_loop3A_246 : i32 to vector<16xi32>
        %parallel_loop3A_248 = arith.shli %parallel_loop3A_239, %parallel_loop3A_247 : vector<16xi32>
        %parallel_loop3A_249 = vector.bitcast %parallel_loop3A_248 : vector<16xi32> to vector<16xf32>
        %parallel_loop3A_250 = arith.andi %parallel_loop3A_239, %broadcast_in_dim3A_7 : vector<16xi32>
        %parallel_loop3A_251 = vector.bitcast %parallel_loop3A_250 : vector<16xi32> to vector<16xf32>
        %parallel_loop3A_252 = arith.mulf %parallel_loop3A_233, %parallel_loop3A_243 : vector<16xf32>
        %parallel_loop3A_253 = arith.addf %parallel_loop3A_252, %parallel_loop3A_249 : vector<16xf32>
        %parallel_loop3A_254 = arith.index_cast %parallel_loop3A_230 : i32 to index
        %parallel_loop3A_255 = arith.constant 0 : index
        %parallel_loop3A_256 = tpu.vector_load %arg25[%parallel_loop3A_254, %parallel_loop3A_255] {strides = array<i32>} : memref<64x128xf32, #tpu.memory_space<vmem>>, vector<16xf32>,
        tpu.vector_store %arg25[%parallel_loop3A_254, %parallel_loop3A_255], %parallel_loop3A_253 {strides = array<i32>} : memref<64x128xf32, #tpu.memory_space<vmem>>, vector<16xf32>,
        %parallel_loop3A_257 = arith.mulf %parallel_loop3A_233, %parallel_loop3A_245 : vector<16xf32>
        %parallel_loop3A_258 = arith.addf %parallel_loop3A_257, %parallel_loop3A_251 : vector<16xf32>
        %parallel_loop3A_259 = arith.index_cast %parallel_loop3A_230 : i32 to index
        %parallel_loop3A_260 = arith.constant 16 : index
        %parallel_loop3A_261 = tpu.vector_load %arg25[%parallel_loop3A_259, %parallel_loop3A_260] {strides = array<i32>} : memref<64x128xf32, #tpu.memory_space<vmem>>, vector<16xf32>,
        tpu.vector_store %arg25[%parallel_loop3A_259, %parallel_loop3A_260], %parallel_loop3A_258 {strides = array<i32>} : memref<64x128xf32, #tpu.memory_space<vmem>>, vector<16xf32>,
        %parallel_loop3A_262 = arith.index_cast %parallel_loop3A_230 : i32 to index
        %parallel_loop3A_263 = arith.constant 16 : index
        %parallel_loop3A_264 = tpu.vector_load %arg24[%parallel_loop3A_262, %parallel_loop3A_263] {strides = array<i32>} : memref<64x128xi32, #tpu.memory_space<vmem>>, vector<16xi32>,
        %parallel_loop3A_265 = arith.index_cast %parallel_loop3A_230 : i32 to index
        %parallel_loop3A_266 = arith.constant 80 : index
        %parallel_loop3A_267 = tpu.vector_load %arg24[%parallel_loop3A_265, %parallel_loop3A_266] {strides = array<i32>} : memref<64x128xi32, #tpu.memory_space<vmem>>, vector<16xi32>,
        %parallel_loop3A_268 = arith.constant 16 : i32
        %parallel_loop3A_269 = vector.broadcast %parallel_loop3A_268 : i32 to vector<16xi32>
        %parallel_loop3A_270 = arith.shli %parallel_loop3A_264, %parallel_loop3A_269 : vector<16xi32>
        %parallel_loop3A_271 = vector.bitcast %parallel_loop3A_270 : vector<16xi32> to vector<16xf32>
        %parallel_loop3A_272 = arith.andi %parallel_loop3A_264, %broadcast_in_dim3A_7 : vector<16xi32>
        %parallel_loop3A_273 = vector.bitcast %parallel_loop3A_272 : vector<16xi32> to vector<16xf32>
        %parallel_loop3A_274 = arith.constant 16 : i32
        %parallel_loop3A_275 = vector.broadcast %parallel_loop3A_274 : i32 to vector<16xi32>
        %parallel_loop3A_276 = arith.shli %parallel_loop3A_267, %parallel_loop3A_275 : vector<16xi32>
        %parallel_loop3A_277 = vector.bitcast %parallel_loop3A_276 : vector<16xi32> to vector<16xf32>
        %parallel_loop3A_278 = arith.andi %parallel_loop3A_267, %broadcast_in_dim3A_7 : vector<16xi32>
        %parallel_loop3A_279 = vector.bitcast %parallel_loop3A_278 : vector<16xi32> to vector<16xf32>
        %parallel_loop3A_280 = arith.mulf %parallel_loop3A_233, %parallel_loop3A_271 : vector<16xf32>
        %parallel_loop3A_281 = arith.addf %parallel_loop3A_280, %parallel_loop3A_277 : vector<16xf32>
        %parallel_loop3A_282 = arith.index_cast %parallel_loop3A_230 : i32 to index
        %parallel_loop3A_283 = arith.constant 32 : index
        %parallel_loop3A_284 = tpu.vector_load %arg25[%parallel_loop3A_282, %parallel_loop3A_283] {strides = array<i32>} : memref<64x128xf32, #tpu.memory_space<vmem>>, vector<16xf32>,
        tpu.vector_store %arg25[%parallel_loop3A_282, %parallel_loop3A_283], %parallel_loop3A_281 {strides = array<i32>} : memref<64x128xf32, #tpu.memory_space<vmem>>, vector<16xf32>,
        %parallel_loop3A_285 = arith.mulf %parallel_loop3A_233, %parallel_loop3A_273 : vector<16xf32>
        %parallel_loop3A_286 = arith.addf %parallel_loop3A_285, %parallel_loop3A_279 : vector<16xf32>
        %parallel_loop3A_287 = arith.index_cast %parallel_loop3A_230 : i32 to index
        %parallel_loop3A_288 = arith.constant 48 : index
        %parallel_loop3A_289 = tpu.vector_load %arg25[%parallel_loop3A_287, %parallel_loop3A_288] {strides = array<i32>} : memref<64x128xf32, #tpu.memory_space<vmem>>, vector<16xf32>,
        tpu.vector_store %arg25[%parallel_loop3A_287, %parallel_loop3A_288], %parallel_loop3A_286 {strides = array<i32>} : memref<64x128xf32, #tpu.memory_space<vmem>>, vector<16xf32>,
        %parallel_loop3A_290 = arith.index_cast %parallel_loop3A_230 : i32 to index
        %parallel_loop3A_291 = arith.constant 32 : index
        %parallel_loop3A_292 = tpu.vector_load %arg24[%parallel_loop3A_290, %parallel_loop3A_291] {strides = array<i32>} : memref<64x128xi32, #tpu.memory_space<vmem>>, vector<16xi32>,
        %parallel_loop3A_293 = arith.index_cast %parallel_loop3A_230 : i32 to index
        %parallel_loop3A_294 = arith.constant 96 : index
        %parallel_loop3A_295 = tpu.vector_load %arg24[%parallel_loop3A_293, %parallel_loop3A_294] {strides = array<i32>} : memref<64x128xi32, #tpu.memory_space<vmem>>, vector<16xi32>,
        %parallel_loop3A_296 = arith.constant 16 : i32
        %parallel_loop3A_297 = vector.broadcast %parallel_loop3A_296 : i32 to vector<16xi32>
        %parallel_loop3A_298 = arith.shli %parallel_loop3A_292, %parallel_loop3A_297 : vector<16xi32>
        %parallel_loop3A_299 = vector.bitcast %parallel_loop3A_298 : vector<16xi32> to vector<16xf32>
        %parallel_loop3A_300 = arith.andi %parallel_loop3A_292, %broadcast_in_dim3A_7 : vector<16xi32>
        %parallel_loop3A_301 = vector.bitcast %parallel_loop3A_300 : vector<16xi32> to vector<16xf32>
        %parallel_loop3A_302 = arith.constant 16 : i32
        %parallel_loop3A_303 = vector.broadcast %parallel_loop3A_302 : i32 to vector<16xi32>
        %parallel_loop3A_304 = arith.shli %parallel_loop3A_295, %parallel_loop3A_303 : vector<16xi32>
        %parallel_loop3A_305 = vector.bitcast %parallel_loop3A_304 : vector<16xi32> to vector<16xf32>
        %parallel_loop3A_306 = arith.andi %parallel_loop3A_295, %broadcast_in_dim3A_7 : vector<16xi32>
        %parallel_loop3A_307 = vector.bitcast %parallel_loop3A_306 : vector<16xi32> to vector<16xf32>
        %parallel_loop3A_308 = arith.mulf %parallel_loop3A_233, %parallel_loop3A_299 : vector<16xf32>
        %parallel_loop3A_309 = arith.addf %parallel_loop3A_308, %parallel_loop3A_305 : vector<16xf32>
        %parallel_loop3A_310 = arith.index_cast %parallel_loop3A_230 : i32 to index
        %parallel_loop3A_311 = arith.constant 64 : index
        %parallel_loop3A_312 = tpu.vector_load %arg25[%parallel_loop3A_310, %parallel_loop3A_311] {strides = array<i32>} : memref<64x128xf32, #tpu.memory_space<vmem>>, vector<16xf32>,
        tpu.vector_store %arg25[%parallel_loop3A_310, %parallel_loop3A_311], %parallel_loop3A_309 {strides = array<i32>} : memref<64x128xf32, #tpu.memory_space<vmem>>, vector<16xf32>,
        %parallel_loop3A_313 = arith.mulf %parallel_loop3A_233, %parallel_loop3A_301 : vector<16xf32>
        %parallel_loop3A_314 = arith.addf %parallel_loop3A_313, %parallel_loop3A_307 : vector<16xf32>
        %parallel_loop3A_315 = arith.index_cast %parallel_loop3A_230 : i32 to index
        %parallel_loop3A_316 = arith.constant 80 : index
        %parallel_loop3A_317 = tpu.vector_load %arg25[%parallel_loop3A_315, %parallel_loop3A_316] {strides = array<i32>} : memref<64x128xf32, #tpu.memory_space<vmem>>, vector<16xf32>,
        tpu.vector_store %arg25[%parallel_loop3A_315, %parallel_loop3A_316], %parallel_loop3A_314 {strides = array<i32>} : memref<64x128xf32, #tpu.memory_space<vmem>>, vector<16xf32>,
        %parallel_loop3A_318 = arith.index_cast %parallel_loop3A_230 : i32 to index
        %parallel_loop3A_319 = arith.constant 48 : index
        %parallel_loop3A_320 = tpu.vector_load %arg24[%parallel_loop3A_318, %parallel_loop3A_319] {strides = array<i32>} : memref<64x128xi32, #tpu.memory_space<vmem>>, vector<16xi32>,
        %parallel_loop3A_321 = arith.index_cast %parallel_loop3A_230 : i32 to index
        %parallel_loop3A_322 = arith.constant 112 : index
        %parallel_loop3A_323 = tpu.vector_load %arg24[%parallel_loop3A_321, %parallel_loop3A_322] {strides = array<i32>} : memref<64x128xi32, #tpu.memory_space<vmem>>, vector<16xi32>,
        %parallel_loop3A_324 = arith.constant 16 : i32
        %parallel_loop3A_325 = vector.broadcast %parallel_loop3A_324 : i32 to vector<16xi32>
        %parallel_loop3A_326 = arith.shli %parallel_loop3A_320, %parallel_loop3A_325 : vector<16xi32>
        %parallel_loop3A_327 = vector.bitcast %parallel_loop3A_326 : vector<16xi32> to vector<16xf32>
        %parallel_loop3A_328 = arith.andi %parallel_loop3A_320, %broadcast_in_dim3A_7 : vector<16xi32>
        %parallel_loop3A_329 = vector.bitcast %parallel_loop3A_328 : vector<16xi32> to vector<16xf32>
        %parallel_loop3A_330 = arith.constant 16 : i32
        %parallel_loop3A_331 = vector.broadcast %parallel_loop3A_330 : i32 to vector<16xi32>
        %parallel_loop3A_332 = arith.shli %parallel_loop3A_323, %parallel_loop3A_331 : vector<16xi32>
        %parallel_loop3A_333 = vector.bitcast %parallel_loop3A_332 : vector<16xi32> to vector<16xf32>
        %parallel_loop3A_334 = arith.andi %parallel_loop3A_323, %broadcast_in_dim3A_7 : vector<16xi32>
        %parallel_loop3A_335 = vector.bitcast %parallel_loop3A_334 : vector<16xi32> to vector<16xf32>
        %parallel_loop3A_336 = arith.mulf %parallel_loop3A_233, %parallel_loop3A_327 : vector<16xf32>
        %parallel_loop3A_337 = arith.addf %parallel_loop3A_336, %parallel_loop3A_333 : vector<16xf32>
        %parallel_loop3A_338 = arith.index_cast %parallel_loop3A_230 : i32 to index
        %parallel_loop3A_339 = arith.constant 96 : index
        %parallel_loop3A_340 = tpu.vector_load %arg25[%parallel_loop3A_338, %parallel_loop3A_339] {strides = array<i32>} : memref<64x128xf32, #tpu.memory_space<vmem>>, vector<16xf32>,
        tpu.vector_store %arg25[%parallel_loop3A_338, %parallel_loop3A_339], %parallel_loop3A_337 {strides = array<i32>} : memref<64x128xf32, #tpu.memory_space<vmem>>, vector<16xf32>,
        %parallel_loop3A_341 = arith.mulf %parallel_loop3A_233, %parallel_loop3A_329 : vector<16xf32>
        %parallel_loop3A_342 = arith.addf %parallel_loop3A_341, %parallel_loop3A_335 : vector<16xf32>
        %parallel_loop3A_343 = arith.index_cast %parallel_loop3A_230 : i32 to index
        %parallel_loop3A_344 = arith.constant 112 : index
        %parallel_loop3A_345 = tpu.vector_load %arg25[%parallel_loop3A_343, %parallel_loop3A_344] {strides = array<i32>} : memref<64x128xf32, #tpu.memory_space<vmem>>, vector<16xf32>,
        tpu.vector_store %arg25[%parallel_loop3A_343, %parallel_loop3A_344], %parallel_loop3A_342 {strides = array<i32>} : memref<64x128xf32, #tpu.memory_space<vmem>>, vector<16xf32>,
      } {sc.loop_unroll_factor = 2 : i64, sc.parallel_access}
      %dma_start3A_227 = arith.constant 0 : i32
      %dma_start3A_228 = arith.constant 0 : i32
      %dma_start3A_229 = tpu.memref_slice %arg29[%dma_start3A_227, %dma_start3A_228] : memref<10000x128xf32, #tpu.memory_space<vmem_shared>> -> memref<10000x128xf32, #tpu.memory_space<vmem_shared>>
      tpu.enqueue_indirect_dma source(%arg25 : memref<64x128xf32, #tpu.memory_space<vmem>>) target(%dma_start3A_229 : memref<10000x128xf32, #tpu.memory_space<vmem_shared>>) offsets(%arg21 : memref<64xi32, #tpu.memory_space<vmem>>) semaphore(%arg34 : memref<!tpu.dma_semaphore, #tpu.memory_space<semaphore_mem>>) {add = true}
    }
    %scan3A_48 = arith.constant 78 : i32
    %dma_wait3A_49 = arith.constant 0 : i32
    %dma_wait3A_50 = arith.constant 0 : i32
    %dma_wait3A_51 = tpu.memref_slice %arg29[%dma_wait3A_49, %dma_wait3A_50] : memref<10000x128xf32, #tpu.memory_space<vmem_shared>> -> memref<10000x128xf32, #tpu.memory_space<vmem_shared>>
    tpu.wait_indirect_dma semaphore(%arg34 : memref<!tpu.dma_semaphore, #tpu.memory_space<semaphore_mem>>) src(%arg25 : memref<64x128xf32, #tpu.memory_space<vmem>>) dst(%dma_wait3A_51 : memref<10000x128xf32, #tpu.memory_space<vmem_shared>>)
    %barrier3A_52 = arith.constant 0 : index
    tpu.barrier barrier_id(%barrier3A_52)
    %mul3A_53 = arith.constant 624 : i32
    %mul3A_54 = arith.muli %arg1, %mul3A_53 : i32
    "tpu.region"() ({
      %run_scoped3A_69 = tpu.sem_alloc : memref<!tpu.dma_semaphore, #tpu.memory_space<semaphore_mem>>
      %dma_start3A_70 = arith.constant 0 : i32
      %dma_start3A_71 = tpu.memref_slice %arg9[%arg0, %mul3A_54, %dma_start3A_70] : memref<2x10000x128xf32, #tpu.memory_space<hbm>> -> memref<1x624x128xf32, #tpu.memory_space<hbm>>
      %dma_start3A_72 = tpu.memref_squeeze %dma_start3A_71 : memref<1x624x128xf32, #tpu.memory_space<hbm>> -> memref<624x128xf32, #tpu.memory_space<hbm>>
      %dma_start3A_73 = arith.constant 0 : i32
      %dma_start3A_74 = tpu.memref_slice %arg29[%mul3A_54, %dma_start3A_73] : memref<10000x128xf32, #tpu.memory_space<vmem_shared>> -> memref<624x128xf32, #tpu.memory_space<vmem_shared>>
      tpu.enqueue_dma source(%dma_start3A_74 : memref<624x128xf32, #tpu.memory_space<vmem_shared>>) target(%dma_start3A_72 : memref<624x128xf32, #tpu.memory_space<hbm>>) target_semaphore(%run_scoped3A_69 : memref<!tpu.dma_semaphore, #tpu.memory_space<semaphore_mem>>)
      %dma_wait3A_75 = arith.constant 0 : i32
      %dma_wait3A_76 = tpu.memref_slice %arg9[%arg0, %mul3A_54, %dma_wait3A_75] : memref<2x10000x128xf32, #tpu.memory_space<hbm>> -> memref<1x624x128xf32, #tpu.memory_space<hbm>>
      %dma_wait3A_77 = tpu.memref_squeeze %dma_wait3A_76 : memref<1x624x128xf32, #tpu.memory_space<hbm>> -> memref<624x128xf32, #tpu.memory_space<hbm>>
      %dma_wait3A_78 = arith.constant 0 : i32
      %dma_wait3A_79 = tpu.memref_slice %arg29[%mul3A_54, %dma_wait3A_78] : memref<10000x128xf32, #tpu.memory_space<vmem_shared>> -> memref<624x128xf32, #tpu.memory_space<vmem_shared>>
      tpu.wait_dma2 semaphore(%run_scoped3A_69 : memref<!tpu.dma_semaphore, #tpu.memory_space<semaphore_mem>>) src(%dma_wait3A_79 : memref<624x128xf32, #tpu.memory_space<vmem_shared>>) dst(%dma_wait3A_77 : memref<624x128xf32, #tpu.memory_space<hbm>>)
      tpu.yield
    }) : () -> ()
    %eq3A_55 = arith.constant 15 : i32
    %eq3A_56 = arith.cmpi eq, %arg1, %eq3A_55 : i32
    %convert_element_type3A_57 = arith.extui %eq3A_56 : i1 to i32
    %cond3A_58 = arith.constant 0 : i32
    %cond3A_59 = arith.cmpi ne, %convert_element_type3A_57, %cond3A_58 : i32
    scf.if %cond3A_59 {
      "tpu.region"() ({
        %run_scoped3A_69 = tpu.sem_alloc : memref<!tpu.dma_semaphore, #tpu.memory_space<semaphore_mem>>
        %dma_start3A_70 = arith.constant 9984 : i32
        %dma_start3A_71 = arith.constant 0 : i32
        %dma_start3A_72 = tpu.memref_slice %arg9[%arg0, %dma_start3A_70, %dma_start3A_71] : memref<2x10000x128xf32, #tpu.memory_space<hbm>> -> memref<1x16x128xf32, #tpu.memory_space<hbm>>
        %dma_start3A_73 = tpu.memref_squeeze %dma_start3A_72 : memref<1x16x128xf32, #tpu.memory_space<hbm>> -> memref<16x128xf32, #tpu.memory_space<hbm>>
        %dma_start3A_74 = arith.constant 9984 : i32
        %dma_start3A_75 = arith.constant 0 : i32
        %dma_start3A_76 = tpu.memref_slice %arg29[%dma_start3A_74, %dma_start3A_75] : memref<10000x128xf32, #tpu.memory_space<vmem_shared>> -> memref<16x128xf32, #tpu.memory_space<vmem_shared>>
        tpu.enqueue_dma source(%dma_start3A_76 : memref<16x128xf32, #tpu.memory_space<vmem_shared>>) target(%dma_start3A_73 : memref<16x128xf32, #tpu.memory_space<hbm>>) target_semaphore(%run_scoped3A_69 : memref<!tpu.dma_semaphore, #tpu.memory_space<semaphore_mem>>)
        %dma_wait3A_77 = arith.constant 9984 : i32
        %dma_wait3A_78 = arith.constant 0 : i32
        %dma_wait3A_79 = tpu.memref_slice %arg9[%arg0, %dma_wait3A_77, %dma_wait3A_78] : memref<2x10000x128xf32, #tpu.memory_space<hbm>> -> memref<1x16x128xf32, #tpu.memory_space<hbm>>
        %dma_wait3A_80 = tpu.memref_squeeze %dma_wait3A_79 : memref<1x16x128xf32, #tpu.memory_space<hbm>> -> memref<16x128xf32, #tpu.memory_space<hbm>>
        %dma_wait3A_81 = arith.constant 9984 : i32
        %dma_wait3A_82 = arith.constant 0 : i32
        %dma_wait3A_83 = tpu.memref_slice %arg29[%dma_wait3A_81, %dma_wait3A_82] : memref<10000x128xf32, #tpu.memory_space<vmem_shared>> -> memref<16x128xf32, #tpu.memory_space<vmem_shared>>
        tpu.wait_dma2 semaphore(%run_scoped3A_69 : memref<!tpu.dma_semaphore, #tpu.memory_space<semaphore_mem>>) src(%dma_wait3A_83 : memref<16x128xf32, #tpu.memory_space<vmem_shared>>) dst(%dma_wait3A_80 : memref<16x128xf32, #tpu.memory_space<hbm>>)
        tpu.yield
      }) : () -> ()
    } else {
    }
    %run_scoped3A = arith.constant 0 : i32
    %run_scoped3A_60 = arith.constant 0 : i32
    "tpu.region"() ({
      %run_scoped3A_69 = tpu.sem_alloc : memref<!tpu.dma_semaphore, #tpu.memory_space<semaphore_mem>>
      %dma_start3A_70 = arith.constant 0 : i32
      %dma_start3A_71 = tpu.memref_slice %arg12[%dma_start3A_70] : memref<10000xf32, #tpu.memory_space<vmem>> -> memref<2000xf32, #tpu.memory_space<vmem>>
      %dma_start3A_72 = arith.constant 0 : i32
      %dma_start3A_73 = tpu.memref_slice %arg10[%add3A, %run_scoped3A, %run_scoped3A_60, %dma_start3A_72] : memref<32x5x1x2000xf32, #tpu.memory_space<hbm>> -> memref<1x1x1x2000xf32, #tpu.memory_space<hbm>>
      %dma_start3A_74 = tpu.memref_squeeze %dma_start3A_73 : memref<1x1x1x2000xf32, #tpu.memory_space<hbm>> -> memref<2000xf32, #tpu.memory_space<hbm>>
      %dma_start3A_75 = arith.constant 0 : i32
      %dma_start3A_76 = tpu.memref_slice %arg10[%add3A, %run_scoped3A, %run_scoped3A_60, %dma_start3A_75] : memref<32x5x1x2000xf32, #tpu.memory_space<hbm>> -> memref<1x1x1x2000xf32, #tpu.memory_space<hbm>>
      %dma_start3A_77 = tpu.memref_squeeze %dma_start3A_76 : memref<1x1x1x2000xf32, #tpu.memory_space<hbm>> -> memref<2000xf32, #tpu.memory_space<hbm>>
      %dma_start3A_78 = arith.constant 0 : i32
      %dma_start3A_79 = tpu.memref_slice %arg12[%dma_start3A_78] : memref<10000xf32, #tpu.memory_space<vmem>> -> memref<2000xf32, #tpu.memory_space<vmem>>
      tpu.enqueue_dma source(%dma_start3A_79 : memref<2000xf32, #tpu.memory_space<vmem>>) target(%dma_start3A_77 : memref<2000xf32, #tpu.memory_space<hbm>>) target_semaphore(%run_scoped3A_69 : memref<!tpu.dma_semaphore, #tpu.memory_space<semaphore_mem>>)
      %dma_wait3A_80 = arith.constant 0 : i32
      %dma_wait3A_81 = tpu.memref_slice %arg12[%dma_wait3A_80] : memref<10000xf32, #tpu.memory_space<vmem>> -> memref<2000xf32, #tpu.memory_space<vmem>>
      %dma_wait3A_82 = arith.constant 0 : i32
      %dma_wait3A_83 = tpu.memref_slice %arg10[%add3A, %run_scoped3A, %run_scoped3A_60, %dma_wait3A_82] : memref<32x5x1x2000xf32, #tpu.memory_space<hbm>> -> memref<1x1x1x2000xf32, #tpu.memory_space<hbm>>
      %dma_wait3A_84 = tpu.memref_squeeze %dma_wait3A_83 : memref<1x1x1x2000xf32, #tpu.memory_space<hbm>> -> memref<2000xf32, #tpu.memory_space<hbm>>
      %dma_wait3A_85 = arith.constant 0 : i32
      %dma_wait3A_86 = tpu.memref_slice %arg10[%add3A, %run_scoped3A, %run_scoped3A_60, %dma_wait3A_85] : memref<32x5x1x2000xf32, #tpu.memory_space<hbm>> -> memref<1x1x1x2000xf32, #tpu.memory_space<hbm>>
      %dma_wait3A_87 = tpu.memref_squeeze %dma_wait3A_86 : memref<1x1x1x2000xf32, #tpu.memory_space<hbm>> -> memref<2000xf32, #tpu.memory_space<hbm>>
      %dma_wait3A_88 = arith.constant 0 : i32
      %dma_wait3A_89 = tpu.memref_slice %arg12[%dma_wait3A_88] : memref<10000xf32, #tpu.memory_space<vmem>> -> memref<2000xf32, #tpu.memory_space<vmem>>
      tpu.wait_dma2 semaphore(%run_scoped3A_69 : memref<!tpu.dma_semaphore, #tpu.memory_space<semaphore_mem>>) src(%dma_wait3A_89 : memref<2000xf32, #tpu.memory_space<vmem>>) dst(%dma_wait3A_87 : memref<2000xf32, #tpu.memory_space<hbm>>)
      tpu.yield
    }) : () -> ()
    %run_scoped3A_61 = arith.constant 1 : i32
    %run_scoped3A_62 = arith.constant 0 : i32
    "tpu.region"() ({
      %run_scoped3A_69 = tpu.sem_alloc : memref<!tpu.dma_semaphore, #tpu.memory_space<semaphore_mem>>
      %dma_start3A_70 = arith.constant 2000 : i32
      %dma_start3A_71 = tpu.memref_slice %arg12[%dma_start3A_70] : memref<10000xf32, #tpu.memory_space<vmem>> -> memref<2000xf32, #tpu.memory_space<vmem>>
      %dma_start3A_72 = arith.constant 0 : i32
      %dma_start3A_73 = tpu.memref_slice %arg10[%add3A, %run_scoped3A_61, %run_scoped3A_62, %dma_start3A_72] : memref<32x5x1x2000xf32, #tpu.memory_space<hbm>> -> memref<1x1x1x2000xf32, #tpu.memory_space<hbm>>
      %dma_start3A_74 = tpu.memref_squeeze %dma_start3A_73 : memref<1x1x1x2000xf32, #tpu.memory_space<hbm>> -> memref<2000xf32, #tpu.memory_space<hbm>>
      %dma_start3A_75 = arith.constant 0 : i32
      %dma_start3A_76 = tpu.memref_slice %arg10[%add3A, %run_scoped3A_61, %run_scoped3A_62, %dma_start3A_75] : memref<32x5x1x2000xf32, #tpu.memory_space<hbm>> -> memref<1x1x1x2000xf32, #tpu.memory_space<hbm>>
      %dma_start3A_77 = tpu.memref_squeeze %dma_start3A_76 : memref<1x1x1x2000xf32, #tpu.memory_space<hbm>> -> memref<2000xf32, #tpu.memory_space<hbm>>
      %dma_start3A_78 = arith.constant 2000 : i32
      %dma_start3A_79 = tpu.memref_slice %arg12[%dma_start3A_78] : memref<10000xf32, #tpu.memory_space<vmem>> -> memref<2000xf32, #tpu.memory_space<vmem>>
      tpu.enqueue_dma source(%dma_start3A_79 : memref<2000xf32, #tpu.memory_space<vmem>>) target(%dma_start3A_77 : memref<2000xf32, #tpu.memory_space<hbm>>) target_semaphore(%run_scoped3A_69 : memref<!tpu.dma_semaphore, #tpu.memory_space<semaphore_mem>>)
      %dma_wait3A_80 = arith.constant 2000 : i32
      %dma_wait3A_81 = tpu.memref_slice %arg12[%dma_wait3A_80] : memref<10000xf32, #tpu.memory_space<vmem>> -> memref<2000xf32, #tpu.memory_space<vmem>>
      %dma_wait3A_82 = arith.constant 0 : i32
      %dma_wait3A_83 = tpu.memref_slice %arg10[%add3A, %run_scoped3A_61, %run_scoped3A_62, %dma_wait3A_82] : memref<32x5x1x2000xf32, #tpu.memory_space<hbm>> -> memref<1x1x1x2000xf32, #tpu.memory_space<hbm>>
      %dma_wait3A_84 = tpu.memref_squeeze %dma_wait3A_83 : memref<1x1x1x2000xf32, #tpu.memory_space<hbm>> -> memref<2000xf32, #tpu.memory_space<hbm>>
      %dma_wait3A_85 = arith.constant 0 : i32
      %dma_wait3A_86 = tpu.memref_slice %arg10[%add3A, %run_scoped3A_61, %run_scoped3A_62, %dma_wait3A_85] : memref<32x5x1x2000xf32, #tpu.memory_space<hbm>> -> memref<1x1x1x2000xf32, #tpu.memory_space<hbm>>
      %dma_wait3A_87 = tpu.memref_squeeze %dma_wait3A_86 : memref<1x1x1x2000xf32, #tpu.memory_space<hbm>> -> memref<2000xf32, #tpu.memory_space<hbm>>
      %dma_wait3A_88 = arith.constant 2000 : i32
      %dma_wait3A_89 = tpu.memref_slice %arg12[%dma_wait3A_88] : memref<10000xf32, #tpu.memory_space<vmem>> -> memref<2000xf32, #tpu.memory_space<vmem>>
      tpu.wait_dma2 semaphore(%run_scoped3A_69 : memref<!tpu.dma_semaphore, #tpu.memory_space<semaphore_mem>>) src(%dma_wait3A_89 : memref<2000xf32, #tpu.memory_space<vmem>>) dst(%dma_wait3A_87 : memref<2000xf32, #tpu.memory_space<hbm>>)
      tpu.yield
    }) : () -> ()
    %run_scoped3A_63 = arith.constant 2 : i32
    %run_scoped3A_64 = arith.constant 0 : i32
    "tpu.region"() ({
      %run_scoped3A_69 = tpu.sem_alloc : memref<!tpu.dma_semaphore, #tpu.memory_space<semaphore_mem>>
      %dma_start3A_70 = arith.constant 4000 : i32
      %dma_start3A_71 = tpu.memref_slice %arg12[%dma_start3A_70] : memref<10000xf32, #tpu.memory_space<vmem>> -> memref<2000xf32, #tpu.memory_space<vmem>>
      %dma_start3A_72 = arith.constant 0 : i32
      %dma_start3A_73 = tpu.memref_slice %arg10[%add3A, %run_scoped3A_63, %run_scoped3A_64, %dma_start3A_72] : memref<32x5x1x2000xf32, #tpu.memory_space<hbm>> -> memref<1x1x1x2000xf32, #tpu.memory_space<hbm>>
      %dma_start3A_74 = tpu.memref_squeeze %dma_start3A_73 : memref<1x1x1x2000xf32, #tpu.memory_space<hbm>> -> memref<2000xf32, #tpu.memory_space<hbm>>
      %dma_start3A_75 = arith.constant 0 : i32
      %dma_start3A_76 = tpu.memref_slice %arg10[%add3A, %run_scoped3A_63, %run_scoped3A_64, %dma_start3A_75] : memref<32x5x1x2000xf32, #tpu.memory_space<hbm>> -> memref<1x1x1x2000xf32, #tpu.memory_space<hbm>>
      %dma_start3A_77 = tpu.memref_squeeze %dma_start3A_76 : memref<1x1x1x2000xf32, #tpu.memory_space<hbm>> -> memref<2000xf32, #tpu.memory_space<hbm>>
      %dma_start3A_78 = arith.constant 4000 : i32
      %dma_start3A_79 = tpu.memref_slice %arg12[%dma_start3A_78] : memref<10000xf32, #tpu.memory_space<vmem>> -> memref<2000xf32, #tpu.memory_space<vmem>>
      tpu.enqueue_dma source(%dma_start3A_79 : memref<2000xf32, #tpu.memory_space<vmem>>) target(%dma_start3A_77 : memref<2000xf32, #tpu.memory_space<hbm>>) target_semaphore(%run_scoped3A_69 : memref<!tpu.dma_semaphore, #tpu.memory_space<semaphore_mem>>)
      %dma_wait3A_80 = arith.constant 4000 : i32
      %dma_wait3A_81 = tpu.memref_slice %arg12[%dma_wait3A_80] : memref<10000xf32, #tpu.memory_space<vmem>> -> memref<2000xf32, #tpu.memory_space<vmem>>
      %dma_wait3A_82 = arith.constant 0 : i32
      %dma_wait3A_83 = tpu.memref_slice %arg10[%add3A, %run_scoped3A_63, %run_scoped3A_64, %dma_wait3A_82] : memref<32x5x1x2000xf32, #tpu.memory_space<hbm>> -> memref<1x1x1x2000xf32, #tpu.memory_space<hbm>>
      %dma_wait3A_84 = tpu.memref_squeeze %dma_wait3A_83 : memref<1x1x1x2000xf32, #tpu.memory_space<hbm>> -> memref<2000xf32, #tpu.memory_space<hbm>>
      %dma_wait3A_85 = arith.constant 0 : i32
      %dma_wait3A_86 = tpu.memref_slice %arg10[%add3A, %run_scoped3A_63, %run_scoped3A_64, %dma_wait3A_85] : memref<32x5x1x2000xf32, #tpu.memory_space<hbm>> -> memref<1x1x1x2000xf32, #tpu.memory_space<hbm>>
      %dma_wait3A_87 = tpu.memref_squeeze %dma_wait3A_86 : memref<1x1x1x2000xf32, #tpu.memory_space<hbm>> -> memref<2000xf32, #tpu.memory_space<hbm>>
      %dma_wait3A_88 = arith.constant 4000 : i32
      %dma_wait3A_89 = tpu.memref_slice %arg12[%dma_wait3A_88] : memref<10000xf32, #tpu.memory_space<vmem>> -> memref<2000xf32, #tpu.memory_space<vmem>>
      tpu.wait_dma2 semaphore(%run_scoped3A_69 : memref<!tpu.dma_semaphore, #tpu.memory_space<semaphore_mem>>) src(%dma_wait3A_89 : memref<2000xf32, #tpu.memory_space<vmem>>) dst(%dma_wait3A_87 : memref<2000xf32, #tpu.memory_space<hbm>>)
      tpu.yield
    }) : () -> ()
    %run_scoped3A_65 = arith.constant 3 : i32
    %run_scoped3A_66 = arith.constant 0 : i32
    "tpu.region"() ({
      %run_scoped3A_69 = tpu.sem_alloc : memref<!tpu.dma_semaphore, #tpu.memory_space<semaphore_mem>>
      %dma_start3A_70 = arith.constant 6000 : i32
      %dma_start3A_71 = tpu.memref_slice %arg12[%dma_start3A_70] : memref<10000xf32, #tpu.memory_space<vmem>> -> memref<2000xf32, #tpu.memory_space<vmem>>
      %dma_start3A_72 = arith.constant 0 : i32
      %dma_start3A_73 = tpu.memref_slice %arg10[%add3A, %run_scoped3A_65, %run_scoped3A_66, %dma_start3A_72] : memref<32x5x1x2000xf32, #tpu.memory_space<hbm>> -> memref<1x1x1x2000xf32, #tpu.memory_space<hbm>>
      %dma_start3A_74 = tpu.memref_squeeze %dma_start3A_73 : memref<1x1x1x2000xf32, #tpu.memory_space<hbm>> -> memref<2000xf32, #tpu.memory_space<hbm>>
      %dma_start3A_75 = arith.constant 0 : i32
      %dma_start3A_76 = tpu.memref_slice %arg10[%add3A, %run_scoped3A_65, %run_scoped3A_66, %dma_start3A_75] : memref<32x5x1x2000xf32, #tpu.memory_space<hbm>> -> memref<1x1x1x2000xf32, #tpu.memory_space<hbm>>
      %dma_start3A_77 = tpu.memref_squeeze %dma_start3A_76 : memref<1x1x1x2000xf32, #tpu.memory_space<hbm>> -> memref<2000xf32, #tpu.memory_space<hbm>>
      %dma_start3A_78 = arith.constant 6000 : i32
      %dma_start3A_79 = tpu.memref_slice %arg12[%dma_start3A_78] : memref<10000xf32, #tpu.memory_space<vmem>> -> memref<2000xf32, #tpu.memory_space<vmem>>
      tpu.enqueue_dma source(%dma_start3A_79 : memref<2000xf32, #tpu.memory_space<vmem>>) target(%dma_start3A_77 : memref<2000xf32, #tpu.memory_space<hbm>>) target_semaphore(%run_scoped3A_69 : memref<!tpu.dma_semaphore, #tpu.memory_space<semaphore_mem>>)
      %dma_wait3A_80 = arith.constant 6000 : i32
      %dma_wait3A_81 = tpu.memref_slice %arg12[%dma_wait3A_80] : memref<10000xf32, #tpu.memory_space<vmem>> -> memref<2000xf32, #tpu.memory_space<vmem>>
      %dma_wait3A_82 = arith.constant 0 : i32
      %dma_wait3A_83 = tpu.memref_slice %arg10[%add3A, %run_scoped3A_65, %run_scoped3A_66, %dma_wait3A_82] : memref<32x5x1x2000xf32, #tpu.memory_space<hbm>> -> memref<1x1x1x2000xf32, #tpu.memory_space<hbm>>
      %dma_wait3A_84 = tpu.memref_squeeze %dma_wait3A_83 : memref<1x1x1x2000xf32, #tpu.memory_space<hbm>> -> memref<2000xf32, #tpu.memory_space<hbm>>
      %dma_wait3A_85 = arith.constant 0 : i32
      %dma_wait3A_86 = tpu.memref_slice %arg10[%add3A, %run_scoped3A_65, %run_scoped3A_66, %dma_wait3A_85] : memref<32x5x1x2000xf32, #tpu.memory_space<hbm>> -> memref<1x1x1x2000xf32, #tpu.memory_space<hbm>>
      %dma_wait3A_87 = tpu.memref_squeeze %dma_wait3A_86 : memref<1x1x1x2000xf32, #tpu.memory_space<hbm>> -> memref<2000xf32, #tpu.memory_space<hbm>>
      %dma_wait3A_88 = arith.constant 6000 : i32
      %dma_wait3A_89 = tpu.memref_slice %arg12[%dma_wait3A_88] : memref<10000xf32, #tpu.memory_space<vmem>> -> memref<2000xf32, #tpu.memory_space<vmem>>
      tpu.wait_dma2 semaphore(%run_scoped3A_69 : memref<!tpu.dma_semaphore, #tpu.memory_space<semaphore_mem>>) src(%dma_wait3A_89 : memref<2000xf32, #tpu.memory_space<vmem>>) dst(%dma_wait3A_87 : memref<2000xf32, #tpu.memory_space<hbm>>)
      tpu.yield
    }) : () -> ()
    %run_scoped3A_67 = arith.constant 4 : i32
    %run_scoped3A_68 = arith.constant 0 : i32
    "tpu.region"() ({
      %run_scoped3A_69 = tpu.sem_alloc : memref<!tpu.dma_semaphore, #tpu.memory_space<semaphore_mem>>
      %dma_start3A_70 = arith.constant 8000 : i32
      %dma_start3A_71 = tpu.memref_slice %arg12[%dma_start3A_70] : memref<10000xf32, #tpu.memory_space<vmem>> -> memref<2000xf32, #tpu.memory_space<vmem>>
      %dma_start3A_72 = arith.constant 0 : i32
      %dma_start3A_73 = tpu.memref_slice %arg10[%add3A, %run_scoped3A_67, %run_scoped3A_68, %dma_start3A_72] : memref<32x5x1x2000xf32, #tpu.memory_space<hbm>> -> memref<1x1x1x2000xf32, #tpu.memory_space<hbm>>
      %dma_start3A_74 = tpu.memref_squeeze %dma_start3A_73 : memref<1x1x1x2000xf32, #tpu.memory_space<hbm>> -> memref<2000xf32, #tpu.memory_space<hbm>>
      %dma_start3A_75 = arith.constant 0 : i32
      %dma_start3A_76 = tpu.memref_slice %arg10[%add3A, %run_scoped3A_67, %run_scoped3A_68, %dma_start3A_75] : memref<32x5x1x2000xf32, #tpu.memory_space<hbm>> -> memref<1x1x1x2000xf32, #tpu.memory_space<hbm>>
      %dma_start3A_77 = tpu.memref_squeeze %dma_start3A_76 : memref<1x1x1x2000xf32, #tpu.memory_space<hbm>> -> memref<2000xf32, #tpu.memory_space<hbm>>
      %dma_start3A_78 = arith.constant 8000 : i32
      %dma_start3A_79 = tpu.memref_slice %arg12[%dma_start3A_78] : memref<10000xf32, #tpu.memory_space<vmem>> -> memref<2000xf32, #tpu.memory_space<vmem>>
      tpu.enqueue_dma source(%dma_start3A_79 : memref<2000xf32, #tpu.memory_space<vmem>>) target(%dma_start3A_77 : memref<2000xf32, #tpu.memory_space<hbm>>) target_semaphore(%run_scoped3A_69 : memref<!tpu.dma_semaphore, #tpu.memory_space<semaphore_mem>>)
      %dma_wait3A_80 = arith.constant 8000 : i32
      %dma_wait3A_81 = tpu.memref_slice %arg12[%dma_wait3A_80] : memref<10000xf32, #tpu.memory_space<vmem>> -> memref<2000xf32, #tpu.memory_space<vmem>>
      %dma_wait3A_82 = arith.constant 0 : i32
      %dma_wait3A_83 = tpu.memref_slice %arg10[%add3A, %run_scoped3A_67, %run_scoped3A_68, %dma_wait3A_82] : memref<32x5x1x2000xf32, #tpu.memory_space<hbm>> -> memref<1x1x1x2000xf32, #tpu.memory_space<hbm>>
      %dma_wait3A_84 = tpu.memref_squeeze %dma_wait3A_83 : memref<1x1x1x2000xf32, #tpu.memory_space<hbm>> -> memref<2000xf32, #tpu.memory_space<hbm>>
      %dma_wait3A_85 = arith.constant 0 : i32
      %dma_wait3A_86 = tpu.memref_slice %arg10[%add3A, %run_scoped3A_67, %run_scoped3A_68, %dma_wait3A_85] : memref<32x5x1x2000xf32, #tpu.memory_space<hbm>> -> memref<1x1x1x2000xf32, #tpu.memory_space<hbm>>
      %dma_wait3A_87 = tpu.memref_squeeze %dma_wait3A_86 : memref<1x1x1x2000xf32, #tpu.memory_space<hbm>> -> memref<2000xf32, #tpu.memory_space<hbm>>
      %dma_wait3A_88 = arith.constant 8000 : i32
      %dma_wait3A_89 = tpu.memref_slice %arg12[%dma_wait3A_88] : memref<10000xf32, #tpu.memory_space<vmem>> -> memref<2000xf32, #tpu.memory_space<vmem>>
      tpu.wait_dma2 semaphore(%run_scoped3A_69 : memref<!tpu.dma_semaphore, #tpu.memory_space<semaphore_mem>>) src(%dma_wait3A_89 : memref<2000xf32, #tpu.memory_space<vmem>>) dst(%dma_wait3A_87 : memref<2000xf32, #tpu.memory_space<hbm>>)
      tpu.yield
    }) : () -> ()
    return
  }
}

module attributes {stable_mosaic.version = 14 : i64} {
  func.func @body(%arg0: memref<10000x128xf32, #tpu.memory_space<vmem>>, %arg1: memref<128x1xf32, #tpu.memory_space<vmem>>, %arg2: memref<128x128xf32, #tpu.memory_space<vmem>>, %arg3: memref<128x128xf32, #tpu.memory_space<vmem>>, %arg4: memref<1x1xf32, #tpu.memory_space<vmem>>, %arg5: memref<10000x128xi32, #tpu.memory_space<vmem>>, %arg6: memref<10000x1xf32, #tpu.memory_space<vmem>>) attributes {dimension_semantics = [], scalar_prefetch = 0 : i64, scratch_operands = 0 : i64, tpu.core_type = #tpu.core_type<tc>} {
    %get3A = arith.constant 0 : index
    %get3A_0 = arith.constant 0 : index
    %get3A_1 = vector.load %arg0[%get3A, %get3A_0] : memref<10000x128xf32, #tpu.memory_space<vmem>>, vector<10000x128xf32>
    %get3A_2 = arith.constant 0 : index
    %get3A_3 = arith.constant 0 : index
    %get3A_4 = vector.load %arg1[%get3A_2, %get3A_3] : memref<128x1xf32, #tpu.memory_space<vmem>>, vector<128x1xf32>
    %dot_general3A = arith.constant dense<0.000000e+00> : vector<10000x1xf32>
    %dot_general3A_5 = tpu.matmul %get3A_1, %get3A_4, %dot_general3A {dimension_numbers = #tpu.dot_dimension_numbers<[1], [0], [0], [1], [0, 0, 1, 1], [], []>, transpose_lhs_hint = false} : vector<10000x128xf32>, vector<128x1xf32>, vector<10000x1xf32> -> vector<10000x1xf32>
    %reduce_max3A = vector.shape_cast %dot_general3A_5 : vector<10000x1xf32> to vector<1x10000x1xf32>
    %reduce_max3A_6 = arith.constant dense<0xFF800000> : vector<1xf32>
    %reduce_max3A_7 = vector.multi_reduction <maximumf>, %reduce_max3A, %reduce_max3A_6 [1, 2] : vector<1x10000x1xf32> to vector<1xf32>
    %reduce_max3A_8 = vector.shape_cast %reduce_max3A_7 : vector<1xf32> to vector<1x1x1xf32>
    %reduce_max3A_9 = vector.extract %reduce_max3A_8[0, 0, 0] : f32 from vector<1x1x1xf32>
    %sub3A = vector.broadcast %reduce_max3A_9 : f32 to vector<10000x1xf32>
    %sub3A_10 = arith.subf %dot_general3A_5, %sub3A : vector<10000x1xf32>
    %exp3A = math.exp %sub3A_10 : vector<10000x1xf32>
    %get3A_11 = arith.constant 0 : index
    %get3A_12 = arith.constant 0 : index
    %get3A_13 = vector.load %arg4[%get3A_11, %get3A_12] : memref<1x1xf32, #tpu.memory_space<vmem>>, vector<1x1xf32>
    %logistic3A = arith.negf %get3A_13 : vector<1x1xf32>
    %logistic3A_14 = math.exp %logistic3A : vector<1x1xf32>
    %logistic3A_15 = arith.constant 1.000000e+00 : f32
    %logistic3A_16 = vector.broadcast %logistic3A_15 : f32 to vector<1x1xf32>
    %logistic3A_17 = arith.addf %logistic3A_16, %logistic3A_14 : vector<1x1xf32>
    %logistic3A_18 = arith.divf %logistic3A_16, %logistic3A_17 : vector<1x1xf32>
    %convert_element_type3A = arith.truncf %get3A_1 : vector<10000x128xf32> to vector<10000x128xbf16>
    %get3A_19 = arith.constant 0 : index
    %get3A_20 = arith.constant 0 : index
    %get3A_21 = vector.load %arg2[%get3A_19, %get3A_20] : memref<128x128xf32, #tpu.memory_space<vmem>>, vector<128x128xf32>
    %convert_element_type3A_22 = arith.truncf %get3A_21 : vector<128x128xf32> to vector<128x128xbf16>
    %dot_general3A_23 = arith.constant dense<0.000000e+00> : vector<10000x128xf32>
    %dot_general3A_24 = tpu.matmul %convert_element_type3A, %convert_element_type3A_22, %dot_general3A_23 {dimension_numbers = #tpu.dot_dimension_numbers<[1], [0], [0], [1], [0, 0, 1, 1], [], []>, transpose_lhs_hint = false} : vector<10000x128xbf16>, vector<128x128xbf16>, vector<10000x128xf32> -> vector<10000x128xf32>
    %get3A_25 = arith.constant 0 : index
    %get3A_26 = arith.constant 0 : index
    %get3A_27 = vector.load %arg3[%get3A_25, %get3A_26] : memref<128x128xf32, #tpu.memory_space<vmem>>, vector<128x128xf32>
    %convert_element_type3A_28 = arith.truncf %get3A_27 : vector<128x128xf32> to vector<128x128xbf16>
    %dot_general3A_29 = arith.constant dense<0.000000e+00> : vector<10000x128xf32>
    %dot_general3A_30 = tpu.matmul %convert_element_type3A, %convert_element_type3A_28, %dot_general3A_29 {dimension_numbers = #tpu.dot_dimension_numbers<[1], [0], [0], [1], [0, 0, 1, 1], [], []>, transpose_lhs_hint = false} : vector<10000x128xbf16>, vector<128x128xbf16>, vector<10000x128xf32> -> vector<10000x128xf32>
    %mul3A = vector.broadcast %logistic3A_18 : vector<1x1xf32> to vector<10000x1xf32>
    %mul3A_31 = arith.mulf %mul3A, %exp3A : vector<10000x1xf32>
    %mul3A_32 = vector.broadcast %mul3A_31 : vector<10000x1xf32> to vector<10000x128xf32>
    %mul3A_33 = arith.mulf %mul3A_32, %dot_general3A_24 : vector<10000x128xf32>
    %slice3A = vector.extract_strided_slice %mul3A_33 {offsets = [0, 0], sizes = [10000, 64], strides = [1, 1]} : vector<10000x128xf32> to vector<10000x64xf32>
    %bitcast_convert_type3A = tpu.bitcast %slice3A : vector<10000x64xf32> -> vector<10000x64xi32>
    %add3A = arith.constant 32767 : i32
    %add3A_34 = vector.broadcast %add3A : i32 to vector<10000x64xi32>
    %add3A_35 = arith.addi %bitcast_convert_type3A, %add3A_34 : vector<10000x64xi32>
    %shift_right_logical3A = arith.constant 16 : i32
    %shift_right_logical3A_36 = vector.broadcast %shift_right_logical3A : i32 to vector<10000x64xi32>
    %shift_right_logical3A_37 = arith.shrui %bitcast_convert_type3A, %shift_right_logical3A_36 : vector<10000x64xi32>
    %and3A = arith.constant 1 : i32
    %and3A_38 = vector.broadcast %and3A : i32 to vector<10000x64xi32>
    %and3A_39 = arith.andi %shift_right_logical3A_37, %and3A_38 : vector<10000x64xi32>
    %add3A_40 = arith.addi %add3A_35, %and3A_39 : vector<10000x64xi32>
    %shift_right_logical3A_41 = arith.constant 16 : i32
    %shift_right_logical3A_42 = vector.broadcast %shift_right_logical3A_41 : i32 to vector<10000x64xi32>
    %shift_right_logical3A_43 = arith.shrui %add3A_40, %shift_right_logical3A_42 : vector<10000x64xi32>
    %slice3A_44 = vector.extract_strided_slice %mul3A_33 {offsets = [0, 64], sizes = [10000, 64], strides = [1, 1]} : vector<10000x128xf32> to vector<10000x64xf32>
    %bitcast_convert_type3A_45 = tpu.bitcast %slice3A_44 : vector<10000x64xf32> -> vector<10000x64xi32>
    %add3A_46 = arith.constant 32767 : i32
    %add3A_47 = vector.broadcast %add3A_46 : i32 to vector<10000x64xi32>
    %add3A_48 = arith.addi %bitcast_convert_type3A_45, %add3A_47 : vector<10000x64xi32>
    %shift_right_logical3A_49 = arith.constant 16 : i32
    %shift_right_logical3A_50 = vector.broadcast %shift_right_logical3A_49 : i32 to vector<10000x64xi32>
    %shift_right_logical3A_51 = arith.shrui %bitcast_convert_type3A_45, %shift_right_logical3A_50 : vector<10000x64xi32>
    %and3A_52 = arith.constant 1 : i32
    %and3A_53 = vector.broadcast %and3A_52 : i32 to vector<10000x64xi32>
    %and3A_54 = arith.andi %shift_right_logical3A_51, %and3A_53 : vector<10000x64xi32>
    %add3A_55 = arith.addi %add3A_48, %and3A_54 : vector<10000x64xi32>
    %shift_right_logical3A_56 = arith.constant 16 : i32
    %shift_right_logical3A_57 = vector.broadcast %shift_right_logical3A_56 : i32 to vector<10000x64xi32>
    %shift_right_logical3A_58 = arith.shrui %add3A_55, %shift_right_logical3A_57 : vector<10000x64xi32>
    %shift_left3A = arith.constant 16 : i32
    %shift_left3A_59 = vector.broadcast %shift_left3A : i32 to vector<10000x64xi32>
    %shift_left3A_60 = arith.shli %shift_right_logical3A_58, %shift_left3A_59 : vector<10000x64xi32>
    %or3A = arith.ori %shift_right_logical3A_43, %shift_left3A_60 : vector<10000x64xi32>
    %swap3A = arith.constant 0 : index
    %swap3A_61 = arith.constant 0 : index
    %swap3A_62 = vector.load %arg5[%swap3A, %swap3A_61] : memref<10000x128xi32, #tpu.memory_space<vmem>>, vector<10000x64xi32>
    tpu.vector_store %arg5[%swap3A, %swap3A_61], %or3A {strides = array<i32>} : memref<10000x128xi32, #tpu.memory_space<vmem>>, vector<10000x64xi32>,
    %sub3A_63 = arith.constant 1.000000e+00 : f32
    %sub3A_64 = vector.broadcast %sub3A_63 : f32 to vector<1x1xf32>
    %sub3A_65 = arith.subf %sub3A_64, %logistic3A_18 : vector<1x1xf32>
    %mul3A_66 = vector.broadcast %sub3A_65 : vector<1x1xf32> to vector<10000x1xf32>
    %mul3A_67 = arith.mulf %mul3A_66, %exp3A : vector<10000x1xf32>
    %mul3A_68 = vector.broadcast %mul3A_67 : vector<10000x1xf32> to vector<10000x128xf32>
    %mul3A_69 = arith.mulf %mul3A_68, %dot_general3A_30 : vector<10000x128xf32>
    %slice3A_70 = vector.extract_strided_slice %mul3A_69 {offsets = [0, 0], sizes = [10000, 64], strides = [1, 1]} : vector<10000x128xf32> to vector<10000x64xf32>
    %bitcast_convert_type3A_71 = tpu.bitcast %slice3A_70 : vector<10000x64xf32> -> vector<10000x64xi32>
    %add3A_72 = arith.constant 32767 : i32
    %add3A_73 = vector.broadcast %add3A_72 : i32 to vector<10000x64xi32>
    %add3A_74 = arith.addi %bitcast_convert_type3A_71, %add3A_73 : vector<10000x64xi32>
    %shift_right_logical3A_75 = arith.constant 16 : i32
    %shift_right_logical3A_76 = vector.broadcast %shift_right_logical3A_75 : i32 to vector<10000x64xi32>
    %shift_right_logical3A_77 = arith.shrui %bitcast_convert_type3A_71, %shift_right_logical3A_76 : vector<10000x64xi32>
    %and3A_78 = arith.constant 1 : i32
    %and3A_79 = vector.broadcast %and3A_78 : i32 to vector<10000x64xi32>
    %and3A_80 = arith.andi %shift_right_logical3A_77, %and3A_79 : vector<10000x64xi32>
    %add3A_81 = arith.addi %add3A_74, %and3A_80 : vector<10000x64xi32>
    %shift_right_logical3A_82 = arith.constant 16 : i32
    %shift_right_logical3A_83 = vector.broadcast %shift_right_logical3A_82 : i32 to vector<10000x64xi32>
    %shift_right_logical3A_84 = arith.shrui %add3A_81, %shift_right_logical3A_83 : vector<10000x64xi32>
    %slice3A_85 = vector.extract_strided_slice %mul3A_69 {offsets = [0, 64], sizes = [10000, 64], strides = [1, 1]} : vector<10000x128xf32> to vector<10000x64xf32>
    %bitcast_convert_type3A_86 = tpu.bitcast %slice3A_85 : vector<10000x64xf32> -> vector<10000x64xi32>
    %add3A_87 = arith.constant 32767 : i32
    %add3A_88 = vector.broadcast %add3A_87 : i32 to vector<10000x64xi32>
    %add3A_89 = arith.addi %bitcast_convert_type3A_86, %add3A_88 : vector<10000x64xi32>
    %shift_right_logical3A_90 = arith.constant 16 : i32
    %shift_right_logical3A_91 = vector.broadcast %shift_right_logical3A_90 : i32 to vector<10000x64xi32>
    %shift_right_logical3A_92 = arith.shrui %bitcast_convert_type3A_86, %shift_right_logical3A_91 : vector<10000x64xi32>
    %and3A_93 = arith.constant 1 : i32
    %and3A_94 = vector.broadcast %and3A_93 : i32 to vector<10000x64xi32>
    %and3A_95 = arith.andi %shift_right_logical3A_92, %and3A_94 : vector<10000x64xi32>
    %add3A_96 = arith.addi %add3A_89, %and3A_95 : vector<10000x64xi32>
    %shift_right_logical3A_97 = arith.constant 16 : i32
    %shift_right_logical3A_98 = vector.broadcast %shift_right_logical3A_97 : i32 to vector<10000x64xi32>
    %shift_right_logical3A_99 = arith.shrui %add3A_96, %shift_right_logical3A_98 : vector<10000x64xi32>
    %shift_left3A_100 = arith.constant 16 : i32
    %shift_left3A_101 = vector.broadcast %shift_left3A_100 : i32 to vector<10000x64xi32>
    %shift_left3A_102 = arith.shli %shift_right_logical3A_99, %shift_left3A_101 : vector<10000x64xi32>
    %or3A_103 = arith.ori %shift_right_logical3A_84, %shift_left3A_102 : vector<10000x64xi32>
    %swap3A_104 = arith.constant 0 : index
    %swap3A_105 = arith.constant 64 : index
    %swap3A_106 = vector.load %arg5[%swap3A_104, %swap3A_105] : memref<10000x128xi32, #tpu.memory_space<vmem>>, vector<10000x64xi32>
    tpu.vector_store %arg5[%swap3A_104, %swap3A_105], %or3A_103 {strides = array<i32>} : memref<10000x128xi32, #tpu.memory_space<vmem>>, vector<10000x64xi32>,
    %swap3A_107 = arith.constant 0 : index
    %swap3A_108 = arith.constant 0 : index
    %swap3A_109 = vector.load %arg6[%swap3A_107, %swap3A_108] : memref<10000x1xf32, #tpu.memory_space<vmem>>, vector<10000x1xf32>
    tpu.vector_store %arg6[%swap3A_107, %swap3A_108], %exp3A {strides = array<i32>} : memref<10000x1xf32, #tpu.memory_space<vmem>>, vector<10000x1xf32>,
    return
  }
}

module attributes {stable_mosaic.version = 14 : i64} {
  func.func @body(%arg0: i32, %arg1: memref<2x2000x128xf32, #tpu.memory_space<vmem>>, %arg2: memref<32x1x1x2000xf32, #tpu.memory_space<vmem>>, %arg3: memref<2000x128xf32, #tpu.memory_space<vmem>>, %arg4: memref<128x256xf32, #tpu.memory_space<vmem>>, %arg5: memref<256xf32, #tpu.memory_space<vmem>>, %arg6: memref<256x128xf32, #tpu.memory_space<vmem>>, %arg7: memref<128xf32, #tpu.memory_space<vmem>>, %arg8: memref<128xf32, #tpu.memory_space<vmem>>, %arg9: memref<128xf32, #tpu.memory_space<vmem>>, %arg10: memref<128xf32, #tpu.memory_space<vmem>>, %arg11: memref<128xf32, #tpu.memory_space<vmem>>, %arg12: memref<2000x128xf32, #tpu.memory_space<vmem>>) attributes {dimension_semantics = [#tpu.dimension_semantics<arbitrary>], iteration_bounds = array<i64: 5>, scalar_prefetch = 0 : i64, scratch_operands = 0 : i64, tpu.core_type = #tpu.core_type<tc>, window_params = [{transform_indices = @transform_0, window_bounds = array<i64: 2, 2000, 128>}, {transform_indices = @transform_1, window_bounds = array<i64: 32, 1, 1, 2000>}, {transform_indices = @transform_2, window_bounds = array<i64: 2000, 128>}, {pipeline_mode = #tpu.pipeline_mode<synchronous>, transform_indices = @transform_3, window_bounds = array<i64: 128, 256>}, {pipeline_mode = #tpu.pipeline_mode<synchronous>, transform_indices = @transform_4, window_bounds = array<i64: 256>}, {pipeline_mode = #tpu.pipeline_mode<synchronous>, transform_indices = @transform_5, window_bounds = array<i64: 256, 128>}, {pipeline_mode = #tpu.pipeline_mode<synchronous>, transform_indices = @transform_6, window_bounds = array<i64: 128>}, {pipeline_mode = #tpu.pipeline_mode<synchronous>, transform_indices = @transform_7, window_bounds = array<i64: 128>}, {pipeline_mode = #tpu.pipeline_mode<synchronous>, transform_indices = @transform_8, window_bounds = array<i64: 128>}, {pipeline_mode = #tpu.pipeline_mode<synchronous>, transform_indices = @transform_9, window_bounds = array<i64: 128>}, {pipeline_mode = #tpu.pipeline_mode<synchronous>, transform_indices = @transform_10, window_bounds = array<i64: 128>}, {transform_indices = @transform_11, window_bounds = array<i64: 2000, 128>}]} {
    %get3A = arith.constant 0 : index
    %get3A_0 = arith.constant 0 : index
    %get3A_1 = arith.constant 0 : index
    %get3A_2 = arith.constant 0 : index
    %get3A_3 = vector.load %arg2[%get3A, %get3A_0, %get3A_1, %get3A_2] : memref<32x1x1x2000xf32, #tpu.memory_space<vmem>>, vector<32x1x1x2000xf32>
    %reshape3A = vector.shape_cast %get3A_3 : vector<32x1x1x2000xf32> to vector<32x2000xf32>
    %reduce_sum3A = arith.constant dense<0.000000e+00> : vector<2000xf32>
    %reduce_sum3A_4 = vector.multi_reduction <add>, %reshape3A, %reduce_sum3A [0] : vector<32x2000xf32> to vector<2000xf32>
    %get3A_5 = arith.constant 0 : index
    %get3A_6 = arith.constant 0 : index
    %get3A_7 = arith.constant 0 : index
    %get3A_8 = vector.load %arg1[%get3A_5, %get3A_6, %get3A_7] : memref<2x2000x128xf32, #tpu.memory_space<vmem>>, vector<1x2000x128xf32>
    %get3A_9 = vector.shape_cast %get3A_8 : vector<1x2000x128xf32> to vector<2000x128xf32>
    %get3A_10 = arith.constant 1 : index
    %get3A_11 = arith.constant 0 : index
    %get3A_12 = arith.constant 0 : index
    %get3A_13 = vector.load %arg1[%get3A_10, %get3A_11, %get3A_12] : memref<2x2000x128xf32, #tpu.memory_space<vmem>>, vector<1x2000x128xf32>
    %get3A_14 = vector.shape_cast %get3A_13 : vector<1x2000x128xf32> to vector<2000x128xf32>
    %add3A = arith.addf %get3A_9, %get3A_14 : vector<2000x128xf32>
    %gt3A = arith.constant 0.000000e+00 : f32
    %gt3A_15 = vector.broadcast %gt3A : f32 to vector<2000xf32>
    %gt3A_16 = arith.cmpf ogt, %reduce_sum3A_4, %gt3A_15 : vector<2000xf32>
    %div3A = arith.constant 1.000000e+00 : f32
    %div3A_17 = vector.broadcast %div3A : f32 to vector<2000xf32>
    %div3A_18 = arith.divf %div3A_17, %reduce_sum3A_4 : vector<2000xf32>
    %jit3A = arith.constant 0.000000e+00 : f32
    %broadcast_in_dim3A = vector.broadcast %jit3A : f32 to vector<2000xf32>
    %select_n3A = arith.select %gt3A_16, %div3A_18, %broadcast_in_dim3A : vector<2000xi1>, vector<2000xf32>
    %broadcast_in_dim3A_19 = vector.shape_cast %select_n3A : vector<2000xf32> to vector<2000x1xf32>
    %mul3A = vector.broadcast %broadcast_in_dim3A_19 : vector<2000x1xf32> to vector<2000x128xf32>
    %mul3A_20 = arith.mulf %add3A, %mul3A : vector<2000x128xf32>
    %mul3A_21 = arith.constant 5.000000e-01 : f32
    %mul3A_22 = vector.broadcast %mul3A_21 : f32 to vector<2000x128xf32>
    %mul3A_23 = arith.mulf %mul3A_22, %mul3A_20 : vector<2000x128xf32>
    %mul3A_24 = arith.constant 0.707106769 : f32
    %mul3A_25 = vector.broadcast %mul3A_24 : f32 to vector<2000x128xf32>
    %mul3A_26 = arith.mulf %mul3A_20, %mul3A_25 : vector<2000x128xf32>
    %erf3A = math.erf %mul3A_26 : vector<2000x128xf32>
    %add3A_27 = arith.constant 1.000000e+00 : f32
    %add3A_28 = vector.broadcast %add3A_27 : f32 to vector<2000x128xf32>
    %add3A_29 = arith.addf %add3A_28, %erf3A : vector<2000x128xf32>
    %mul3A_30 = arith.mulf %mul3A_23, %add3A_29 : vector<2000x128xf32>
    %get3A_31 = arith.constant 0 : index
    %get3A_32 = arith.constant 0 : index
    %get3A_33 = vector.load %arg3[%get3A_31, %get3A_32] : memref<2000x128xf32, #tpu.memory_space<vmem>>, vector<2000x128xf32>
    %add3A_34 = arith.addf %mul3A_30, %get3A_33 : vector<2000x128xf32>
    %get3A_35 = arith.constant 0 : index
    %get3A_36 = vector.load %arg8[%get3A_35] : memref<128xf32, #tpu.memory_space<vmem>>, vector<128xf32>
    %get3A_37 = arith.constant 0 : index
    %get3A_38 = vector.load %arg9[%get3A_37] : memref<128xf32, #tpu.memory_space<vmem>>, vector<128xf32>
    %reduce_sum3A_39 = arith.constant dense<0.000000e+00> : vector<2000xf32>
    %reduce_sum3A_40 = vector.multi_reduction <add>, %add3A_34, %reduce_sum3A_39 [1] : vector<2000x128xf32> to vector<2000xf32>
    %broadcast_in_dim3A_41 = vector.shape_cast %reduce_sum3A_40 : vector<2000xf32> to vector<2000x1xf32>
    %div3A_42 = arith.constant 1.280000e+02 : f32
    %div3A_43 = vector.broadcast %div3A_42 : f32 to vector<2000x1xf32>
    %div3A_44 = arith.divf %broadcast_in_dim3A_41, %div3A_43 : vector<2000x1xf32>
    %sub3A = vector.broadcast %div3A_44 : vector<2000x1xf32> to vector<2000x128xf32>
    %sub3A_45 = arith.subf %add3A_34, %sub3A : vector<2000x128xf32>
    %integer_pow3A = arith.mulf %sub3A_45, %sub3A_45 : vector<2000x128xf32>
    %reduce_sum3A_46 = arith.constant dense<0.000000e+00> : vector<2000xf32>
    %reduce_sum3A_47 = vector.multi_reduction <add>, %integer_pow3A, %reduce_sum3A_46 [1] : vector<2000x128xf32> to vector<2000xf32>
    %broadcast_in_dim3A_48 = vector.shape_cast %reduce_sum3A_47 : vector<2000xf32> to vector<2000x1xf32>
    %div3A_49 = arith.constant 1.280000e+02 : f32
    %div3A_50 = vector.broadcast %div3A_49 : f32 to vector<2000x1xf32>
    %div3A_51 = arith.divf %broadcast_in_dim3A_48, %div3A_50 : vector<2000x1xf32>
    %sub3A_52 = vector.broadcast %div3A_44 : vector<2000x1xf32> to vector<2000x128xf32>
    %sub3A_53 = arith.subf %add3A_34, %sub3A_52 : vector<2000x128xf32>
    %add3A_54 = arith.constant 9.99999974E-6 : f32
    %add3A_55 = vector.broadcast %add3A_54 : f32 to vector<2000x1xf32>
    %add3A_56 = arith.addf %div3A_51, %add3A_55 : vector<2000x1xf32>
    %sqrt3A = math.sqrt %add3A_56 : vector<2000x1xf32>
    %div3A_57 = vector.broadcast %sqrt3A : vector<2000x1xf32> to vector<2000x128xf32>
    %div3A_58 = arith.divf %sub3A_53, %div3A_57 : vector<2000x128xf32>
    %broadcast_in_dim3A_59 = vector.shape_cast %get3A_36 : vector<128xf32> to vector<1x128xf32>
    %mul3A_60 = vector.broadcast %broadcast_in_dim3A_59 : vector<1x128xf32> to vector<2000x128xf32>
    %mul3A_61 = arith.mulf %div3A_58, %mul3A_60 : vector<2000x128xf32>
    %broadcast_in_dim3A_62 = vector.shape_cast %get3A_38 : vector<128xf32> to vector<1x128xf32>
    %add3A_63 = vector.broadcast %broadcast_in_dim3A_62 : vector<1x128xf32> to vector<2000x128xf32>
    %add3A_64 = arith.addf %mul3A_61, %add3A_63 : vector<2000x128xf32>
    %get3A_65 = arith.constant 0 : index
    %get3A_66 = arith.constant 0 : index
    %get3A_67 = vector.load %arg4[%get3A_65, %get3A_66] : memref<128x256xf32, #tpu.memory_space<vmem>>, vector<128x256xf32>
    %dot_general3A = arith.constant dense<0.000000e+00> : vector<2000x256xf32>
    %dot_general3A_68 = tpu.matmul %add3A_64, %get3A_67, %dot_general3A {dimension_numbers = #tpu.dot_dimension_numbers<[1], [0], [0], [1], [0, 0, 1, 1], [], []>, transpose_lhs_hint = false} : vector<2000x128xf32>, vector<128x256xf32>, vector<2000x256xf32> -> vector<2000x256xf32>
    %get3A_69 = arith.constant 0 : index
    %get3A_70 = vector.load %arg5[%get3A_69] : memref<256xf32, #tpu.memory_space<vmem>>, vector<256xf32>
    %broadcast_in_dim3A_71 = vector.shape_cast %get3A_70 : vector<256xf32> to vector<1x256xf32>
    %add3A_72 = vector.broadcast %broadcast_in_dim3A_71 : vector<1x256xf32> to vector<2000x256xf32>
    %add3A_73 = arith.addf %dot_general3A_68, %add3A_72 : vector<2000x256xf32>
    %mul3A_74 = arith.constant 5.000000e-01 : f32
    %mul3A_75 = vector.broadcast %mul3A_74 : f32 to vector<2000x256xf32>
    %mul3A_76 = arith.mulf %mul3A_75, %add3A_73 : vector<2000x256xf32>
    %mul3A_77 = arith.constant 0.707106769 : f32
    %mul3A_78 = vector.broadcast %mul3A_77 : f32 to vector<2000x256xf32>
    %mul3A_79 = arith.mulf %add3A_73, %mul3A_78 : vector<2000x256xf32>
    %erf3A_80 = math.erf %mul3A_79 : vector<2000x256xf32>
    %add3A_81 = arith.constant 1.000000e+00 : f32
    %add3A_82 = vector.broadcast %add3A_81 : f32 to vector<2000x256xf32>
    %add3A_83 = arith.addf %add3A_82, %erf3A_80 : vector<2000x256xf32>
    %mul3A_84 = arith.mulf %mul3A_76, %add3A_83 : vector<2000x256xf32>
    %get3A_85 = arith.constant 0 : index
    %get3A_86 = arith.constant 0 : index
    %get3A_87 = vector.load %arg6[%get3A_85, %get3A_86] : memref<256x128xf32, #tpu.memory_space<vmem>>, vector<256x128xf32>
    %dot_general3A_88 = arith.constant dense<0.000000e+00> : vector<2000x128xf32>
    %dot_general3A_89 = tpu.matmul %mul3A_84, %get3A_87, %dot_general3A_88 {dimension_numbers = #tpu.dot_dimension_numbers<[1], [0], [0], [1], [0, 0, 1, 1], [], []>, transpose_lhs_hint = false} : vector<2000x256xf32>, vector<256x128xf32>, vector<2000x128xf32> -> vector<2000x128xf32>
    %get3A_90 = arith.constant 0 : index
    %get3A_91 = vector.load %arg7[%get3A_90] : memref<128xf32, #tpu.memory_space<vmem>>, vector<128xf32>
    %broadcast_in_dim3A_92 = vector.shape_cast %get3A_91 : vector<128xf32> to vector<1x128xf32>
    %add3A_93 = vector.broadcast %broadcast_in_dim3A_92 : vector<1x128xf32> to vector<2000x128xf32>
    %add3A_94 = arith.addf %dot_general3A_89, %add3A_93 : vector<2000x128xf32>
    %add3A_95 = arith.addf %add3A_94, %add3A_64 : vector<2000x128xf32>
    %get3A_96 = arith.constant 0 : index
    %get3A_97 = vector.load %arg10[%get3A_96] : memref<128xf32, #tpu.memory_space<vmem>>, vector<128xf32>
    %get3A_98 = arith.constant 0 : index
    %get3A_99 = vector.load %arg11[%get3A_98] : memref<128xf32, #tpu.memory_space<vmem>>, vector<128xf32>
    %reduce_sum3A_100 = arith.constant dense<0.000000e+00> : vector<2000xf32>
    %reduce_sum3A_101 = vector.multi_reduction <add>, %add3A_95, %reduce_sum3A_100 [1] : vector<2000x128xf32> to vector<2000xf32>
    %broadcast_in_dim3A_102 = vector.shape_cast %reduce_sum3A_101 : vector<2000xf32> to vector<2000x1xf32>
    %div3A_103 = arith.constant 1.280000e+02 : f32
    %div3A_104 = vector.broadcast %div3A_103 : f32 to vector<2000x1xf32>
    %div3A_105 = arith.divf %broadcast_in_dim3A_102, %div3A_104 : vector<2000x1xf32>
    %sub3A_106 = vector.broadcast %div3A_105 : vector<2000x1xf32> to vector<2000x128xf32>
    %sub3A_107 = arith.subf %add3A_95, %sub3A_106 : vector<2000x128xf32>
    %integer_pow3A_108 = arith.mulf %sub3A_107, %sub3A_107 : vector<2000x128xf32>
    %reduce_sum3A_109 = arith.constant dense<0.000000e+00> : vector<2000xf32>
    %reduce_sum3A_110 = vector.multi_reduction <add>, %integer_pow3A_108, %reduce_sum3A_109 [1] : vector<2000x128xf32> to vector<2000xf32>
    %broadcast_in_dim3A_111 = vector.shape_cast %reduce_sum3A_110 : vector<2000xf32> to vector<2000x1xf32>
    %div3A_112 = arith.constant 1.280000e+02 : f32
    %div3A_113 = vector.broadcast %div3A_112 : f32 to vector<2000x1xf32>
    %div3A_114 = arith.divf %broadcast_in_dim3A_111, %div3A_113 : vector<2000x1xf32>
    %sub3A_115 = vector.broadcast %div3A_105 : vector<2000x1xf32> to vector<2000x128xf32>
    %sub3A_116 = arith.subf %add3A_95, %sub3A_115 : vector<2000x128xf32>
    %add3A_117 = arith.constant 9.99999974E-6 : f32
    %add3A_118 = vector.broadcast %add3A_117 : f32 to vector<2000x1xf32>
    %add3A_119 = arith.addf %div3A_114, %add3A_118 : vector<2000x1xf32>
    %sqrt3A_120 = math.sqrt %add3A_119 : vector<2000x1xf32>
    %div3A_121 = vector.broadcast %sqrt3A_120 : vector<2000x1xf32> to vector<2000x128xf32>
    %div3A_122 = arith.divf %sub3A_116, %div3A_121 : vector<2000x128xf32>
    %broadcast_in_dim3A_123 = vector.shape_cast %get3A_97 : vector<128xf32> to vector<1x128xf32>
    %mul3A_124 = vector.broadcast %broadcast_in_dim3A_123 : vector<1x128xf32> to vector<2000x128xf32>
    %mul3A_125 = arith.mulf %div3A_122, %mul3A_124 : vector<2000x128xf32>
    %broadcast_in_dim3A_126 = vector.shape_cast %get3A_99 : vector<128xf32> to vector<1x128xf32>
    %add3A_127 = vector.broadcast %broadcast_in_dim3A_126 : vector<1x128xf32> to vector<2000x128xf32>
    %add3A_128 = arith.addf %mul3A_125, %add3A_127 : vector<2000x128xf32>
    %swap3A = arith.constant 0 : index
    %swap3A_129 = arith.constant 0 : index
    %swap3A_130 = vector.load %arg12[%swap3A, %swap3A_129] : memref<2000x128xf32, #tpu.memory_space<vmem>>, vector<2000x128xf32>
    tpu.vector_store %arg12[%swap3A, %swap3A_129], %add3A_128 {strides = array<i32>} : memref<2000x128xf32, #tpu.memory_space<vmem>>, vector<2000x128xf32>,
    return
  }
  func.func @transform_0(%arg0: i32) -> (i32, i32, i32) {
    %c0_i32 = arith.constant 0 : i32
    %c0_i32_0 = arith.constant 0 : i32
    %c0_i32_1 = arith.constant 0 : i32
    return %c0_i32, %arg0, %c0_i32_0 : i32, i32, i32
  }
  func.func @transform_1(%arg0: i32) -> (i32, i32, i32, i32) {
    %c0_i32 = arith.constant 0 : i32
    %c0_i32_0 = arith.constant 0 : i32
    %c0_i32_1 = arith.constant 0 : i32
    %c0_i32_2 = arith.constant 0 : i32
    return %c0_i32, %arg0, %c0_i32_0, %c0_i32_1 : i32, i32, i32, i32
  }
  func.func @transform_2(%arg0: i32) -> (i32, i32) {
    %c0_i32 = arith.constant 0 : i32
    %c0_i32_0 = arith.constant 0 : i32
    return %arg0, %c0_i32 : i32, i32
  }
  func.func @transform_3(%arg0: i32) -> (i32, i32) {
    %c0_i32 = arith.constant 0 : i32
    %c0_i32_0 = arith.constant 0 : i32
    %c0_i32_1 = arith.constant 0 : i32
    return %c0_i32, %c0_i32_0 : i32, i32
  }
  func.func @transform_4(%arg0: i32) -> i32 {
    %c0_i32 = arith.constant 0 : i32
    %c0_i32_0 = arith.constant 0 : i32
    return %c0_i32 : i32
  }
  func.func @transform_5(%arg0: i32) -> (i32, i32) {
    %c0_i32 = arith.constant 0 : i32
    %c0_i32_0 = arith.constant 0 : i32
    %c0_i32_1 = arith.constant 0 : i32
    return %c0_i32, %c0_i32_0 : i32, i32
  }
  func.func @transform_6(%arg0: i32) -> i32 {
    %c0_i32 = arith.constant 0 : i32
    %c0_i32_0 = arith.constant 0 : i32
    return %c0_i32 : i32
  }
  func.func @transform_7(%arg0: i32) -> i32 {
    %c0_i32 = arith.constant 0 : i32
    %c0_i32_0 = arith.constant 0 : i32
    return %c0_i32 : i32
  }
  func.func @transform_8(%arg0: i32) -> i32 {
    %c0_i32 = arith.constant 0 : i32
    %c0_i32_0 = arith.constant 0 : i32
    return %c0_i32 : i32
  }
  func.func @transform_9(%arg0: i32) -> i32 {
    %c0_i32 = arith.constant 0 : i32
    %c0_i32_0 = arith.constant 0 : i32
    return %c0_i32 : i32
  }
  func.func @transform_10(%arg0: i32) -> i32 {
    %c0_i32 = arith.constant 0 : i32
    %c0_i32_0 = arith.constant 0 : i32
    return %c0_i32 : i32
  }
  func.func @transform_11(%arg0: i32) -> (i32, i32) {
    %c0_i32 = arith.constant 0 : i32
    %c0_i32_0 = arith.constant 0 : i32
    return %arg0, %c0_i32 : i32, i32
  }
}

</mosaic_0001>

<sc_bundles>
// kernel: kernel.5.cloned.1.call-start
scs
__scs_entry_jumppad:
0x0: {  	(pc) =	sbr.rel $0x88, $3  }
0x1: {  	(tag) =	ssettag $0x0;
	lr =	simm.s32 $0x1  }
0x2: {  	[smem:$0x3F92] =	sst lr;
	_ =	strace $0xD0000000  }
0x3: {  	_ = 	snop  }
0x4: {  	_ = 	snop  }
0x5: {  	_ = 	snop  }
0x6: {  	_ = 	snop  }
0x7: {  	_ = 	snop  }
__scs_overlays_trampoline_lowered:
0x8: {  	[smem:$0x3FA1] =	sst s0  }
0x9: {  	[smem:$0x3FA2] =	sst s1  }
0xa: {  	[smem:$0x3FA3] =	sst s2  }
0xb: {  	[smem:$0x3FA4] =	sst s3  }
0xc: {  	[smem:$0x3FA5] =	sst s4  }
0xd: {  	[smem:$0x3FA6] =	sst s5  }
0xe: {  	[smem:$0x3FA7] =	sst s6  }
0xf: {  	[smem:$0x3FA8] =	sst s7  }
0x10: {  	[smem:$0x3FA9] =	sst s8  }
0x11: {  	[smem:$0x3FAA] =	sst s9;
	s0 =	simm.s32 @!p0 $0x0  }
0x12: {  	s1 =	sld [smem:$0x3F90];
	s0 =	simm.s32 @p0 $0x1  }
0x13: {  	[smem:$0x3FAB] =	sst s0;
	s0 =	simm.s32 @!p1 $0x0  }
0x14: {  	s2 =	sld [smem:$0x3F8F];
	s0 =	simm.s32 @p1 $0x1  }
0x15: {  	[smem:$0x3FAC] =	sst s0;
	s0 =	simm.s32 @!p2 $0x0  }
0x16: {  	s3 =	sld [smem:$0x3FDB];
	s0 =	simm.s32 @p2 $0x1  }
0x17: {  	s4 =	simm.s32 $0x1BF5;
	[smem:$0x3FAE] =	sst s0  }
0x18: {  	s0 =	sld [smem:$0x3F91];
	_ =	swait.ge [sflag:s4], $0x0  }
0x19: {  	s7 =	sld [smem:$0x3F92]  }
0x1a: {  	s8 =	sadd.s32 $0xFFFFE003, lr  }
0x1b: {  	s9 =	sadd.s32 $0xFFFFFEF7, lr;
	s5 =	simm.s32 $0xFFFFFFFF;
	p2 =	slt.u32 s8, $0xFFFFF086  }
0x1c: {  	p1 =	slt.u32 s9, $0xF7A;
	s5 =	simm.s32 @!p2 $0x0  }
0x1d: {  	s5 =	simm.s32 @p1 $0x1;
	p0 =	seq.s32 s7, s2  }
0x1e: {  	s7 =	smul.u32 @!p0 $0xF7A, s2;
	p2 =	seq.s32 @!p0 s5, $0x0  }
0x1f: {  	s9 =	smul.u32 $0xF7A, s1;
	s8 =	simm.s32 @!p0 $0x1BF5;
	p2 =	por !p2, p0  }
0x20: {  	[sflag:s8] =	ssyncset.s32 @!p0 $0xFFFFF086;
	s6 =	sadd.s32 @!p0 s3, s7;
	s7 =	simm.s32 @!p0 $0x108  }
0x21: {  	s3 =	sadd.s32 s3, s9;
	s6 =	sadd.s32 @!p0 $0x88, s6;
	s7 =	simm.s32 @p2 $0x1082  }
0x22: {  	[simem:s7], [sflag:s8] =	dma.local @!p0 [hbm:s6], $0xF7A  }
0x23: {  	s9 =	sor.u32 $0xD0000000, s2;
	s6 =	simm.s32 $0x108;
	_ =	swait.ge @!p0 [sflag:s8], $0x0  }
0x24: {  	s3 =	sadd.s32 $0x88, s3;
	s6 =	simm.s32 @!p1 $0x1082;
	[sflag:s4] =	ssyncset.s32 $0xFFFFF086  }
0x25: {  	[simem:s6], [sflag:s4] =	dma.local [hbm:s3], $0xF7A  }
0x26: {  	[smem:$0x3F92] =	sst s1;
	(tag) =	ssettag s2;
	_ =	strace s9  }
0x27: {  	s1 =	sld [smem:$0x3FA2]  }
0x28: {  	s2 =	sld [smem:$0x3FA3]  }
0x29: {  	s4 =	sld [smem:$0x3FA5]  }
0x2a: {  	p0 =	seq.s32 s5, $0x0;
	s5 =	sld [smem:$0x3FA6]  }
0x2b: {  	s6 =	sld [smem:$0x3FA7]  }
0x2c: {  	s7 =	sld [smem:$0x3FA8]  }
0x2d: {  	s3 =	simm.s32 $0x108;
	s8 =	sld [smem:$0x3FA9]  }
0x2e: {  	s3 =	simm.s32 @!p0 $0x1082;
	s9 =	sld [smem:$0x3FAA]  }
0x2f: {  	lr =	sadd.s32 s0, s3;
	s0 =	sld [smem:$0x3FA1]  }
0x30: {  	s3 =	sld [smem:$0x3FA4]  }
0x31: {  	[smem:$0x3FAD] =	sst s10  }
0x32: {  	s10 =	sld [smem:$0x3FAB];
	_ =	sdelay $0x3  }
0x33: {  	p0 =	seq.s32 s10, $0x1;
	s10 =	sld [smem:$0x3FAD];
	_ =	sdelay $0x3  }
0x34: {  	[smem:$0x3FAD] =	sst s10  }
0x35: {  	s10 =	sld [smem:$0x3FAC];
	_ =	sdelay $0x3  }
0x36: {  	p1 =	seq.s32 s10, $0x1;
	s10 =	sld [smem:$0x3FAD];
	_ =	sdelay $0x3  }
0x37: {  	[smem:$0x3FAD] =	sst s10  }
0x38: {  	s10 =	sld [smem:$0x3FAE]  }
0x39: {  	_ = 	snop;
	(pc) =	sbr.ind lr, $3  }
0x3a: {  	_ = 	snop  }
0x3b: {  	_ = 	snop  }
0x3c: {  	p2 =	seq.s32 s10, $0x1;
	s10 =	sld [smem:$0x3FAD]  }
0x3d: {  	_ =	shalt  }
0x3e: {  	_ =	shalt  }
0x3f: {  	_ =	shalt  }
0x40: {  	_ =	shalt  }
0x41: {  	_ =	shalt  }
0x42: {  	_ =	shalt  }
0x43: {  	_ =	shalt  }
0x44: {  	_ =	shalt  }
0x45: {  	_ =	shalt  }
0x46: {  	_ =	shalt  }
0x47: {  	_ =	shalt  }
0x48: {  	_ =	shalt  }
0x49: {  	_ =	shalt  }
0x4a: {  	_ =	shalt  }
0x4b: {  	_ =	shalt  }
0x4c: {  	_ =	shalt  }
0x4d: {  	_ =	shalt  }
0x4e: {  	_ =	shalt  }
0x4f: {  	_ =	shalt  }
0x50: {  	_ =	shalt  }
0x51: {  	_ =	shalt  }
0x52: {  	_ =	shalt  }
0x53: {  	_ =	shalt  }
0x54: {  	_ =	shalt  }
0x55: {  	_ =	shalt  }
0x56: {  	_ =	shalt  }
0x57: {  	_ =	shalt  }
0x58: {  	_ =	shalt  }
0x59: {  	_ =	shalt  }
0x5a: {  	_ =	shalt  }
0x5b: {  	_ =	shalt  }
0x5c: {  	_ =	shalt  }
0x5d: {  	_ =	shalt  }
0x5e: {  	_ =	shalt  }
0x5f: {  	_ =	shalt  }
0x60: {  	_ =	shalt  }
0x61: {  	_ =	shalt  }
0x62: {  	_ =	shalt  }
0x63: {  	_ =	shalt  }
0x64: {  	_ =	shalt  }
0x65: {  	_ =	shalt  }
0x66: {  	_ =	shalt  }
0x67: {  	_ =	shalt  }
0x68: {  	_ =	shalt  }
0x69: {  	_ =	shalt  }
0x6a: {  	_ =	shalt  }
0x6b: {  	_ =	shalt  }
0x6c: {  	_ =	shalt  }
0x6d: {  	_ =	shalt  }
0x6e: {  	_ =	shalt  }
0x6f: {  	_ =	shalt  }
0x70: {  	_ =	shalt  }
0x71: {  	_ =	shalt  }
0x72: {  	_ =	shalt  }
0x73: {  	_ =	shalt  }
0x74: {  	_ =	shalt  }
0x75: {  	_ =	shalt  }
0x76: {  	_ =	shalt  }
0x77: {  	_ =	shalt  }
0x78: {  	_ =	shalt  }
0x79: {  	_ =	shalt  }
0x7a: {  	_ =	shalt  }
0x7b: {  	_ =	shalt  }
0x7c: {  	_ =	shalt  }
0x7d: {  	_ =	shalt  }
0x7e: {  	_ =	shalt  }
0x7f: {  	_ =	shalt  }
0x80: {  	_ =	shalt  }
0x81: {  	_ =	shalt  }
0x82: {  	_ =	shalt  }
0x83: {  	_ =	shalt  }
0x84: {  	_ =	shalt  }
0x85: {  	_ =	shalt  }
0x86: {  	_ =	shalt  }
0x87: {  	_ =	shalt  }
.Lfunc_end0:
.L_simem_size_0:
called_computation_lowered:
.L_overlay_start_0:
0x88: {  	s2 =	sld [smem:$0x3FD9]  }
0x89: {  	s3 =	sld [smem:$0x3FFE];
	_ =	sdelay $0x1  }
0x8a: {  	s1 =	srdreg.scid  }
0x8b: {  	s0 =	sand.u32 $0x1, s1  }
0x8c: {  	s17 =	sshll.u32 s0, $0xA;
	s2 =	sadd.s32 s3, s2  }
0x8d: {  	s2 =	sadd.s32 s2, s17  }
0x8e: {  	[smem:$0x3FB9] =	sst s2  }
0x8f: {  	_ = 	snop  }
0x90: {  	s2 =	sld [smem:$0x3FC3]  }
0x91: {  	s18 =	sld [smem:$0x3FD0];
	(tm) =	ssettm $0x1  }
0x92: {  	s4 =	sld [smem:$0x3FFB];
	_ =	sdelay $0x3  }
0x93: {  	_ =	strace s4  }
0x94: {  	s4 =	sld [smem:$0x3FFC];
	_ =	sdelay $0x3  }
0x95: {  	_ =	strace s4  }
0x96: {  	s4 =	sld [smem:$0x3FFD];
	_ =	sdelay $0x3  }
0x97: {  	_ =	strace s4  }
0x98: {  	_ =	strace $0x8FFFFFFF  }
0x99: {  	s19 =	sld [smem:$0x3FDB];
	_ =	sdelay $0x1  }
0x9a: {  	s5 =	simm.s32 $_scs_section_size  }
0x9b: {  	s6 =	simm.s32 $_size__tile_overlayer_lowered;
	s7 =	simm.s32 $_tile_overlayer_lowered  }
0x9c: {  	s22 =	simm.s32 $0x1BFF;
	s21 =	sshll.u32 s7, $0x1;
	s4 =	sadd.s32 s5, s19  }
0x9d: {  	s8 =	simm.s32 $0x0;
	s20 =	sshll.u32 s6, $0x1;
	s6 =	sadd.s32 s21, s4  }
0x9e: {  	[timem:s8], [sflag:s22] =	dma.local [hbm:s6], s20  }
0x9f: {  	_ =	swait.ge [sflag:s22], s20  }
0xa0: {  	s5 =	ssub.s32 $0x0, s20;
	[sflag:s22] =	ssyncset.done $0x0  }
0xa1: {  	[sflag:s22] =	ssyncadd.s32 s5;
	_ =	sdelay $0x1  }
0xa2: {  	s23 =	simm.s32 $0x1B8B  }
0xa3: {  	_ =	swait.ge [sflag:s23], $0x1  }
0xa4: {  	[sflag:s23] =	ssyncset.done $0x0  }
0xa5: {  	s25 =	simm.s32 $0x1B8E;
	s24 =	sld [smem:$0x3FFE];
	[sflag:s23] =	ssyncadd.s32 $0xFFFFFFFF  }
0xa6: {  	s26 =	simm.s32 $execute0_lowered;
	[smem:$0x3FD2] =	sst s25  }
0xa7: {  	s6 =	sshll.u32 s26, $0x1;
	_ =	strace $0x80000046;
	[dreg:$0x1] =	wrdreg $0xFFFFFFFF  }
0xa8: {  	s28 =	simm.s32 $_size_execute0_lowered;
	s4 =	sadd.s32 s4, s6;
	[dreg:$0x0] =	wrdreg $0x0  }
0xa9: {  	s6 =	sshll.u32 s28, $0x1;
	[dreg:$0x2] =	wrdreg s4  }
0xaa: {  	[dreg:$0x3] =	wrdreg s6  }
0xab: {  	[dreg:$0x4] =	wrdreg $0xC0  }
0xac: {  	_ =	task [dreg:s8], $0x5FFFF  }
0xad: {  	[dreg:$0x1] =	wrdreg $0xFFFFFFFF  }
0xae: {  	[dreg:$0x0] =	wrdreg $0x60  }
0xaf: {  	[dreg:$0x2] =	wrdreg s18  }
0xb0: {  	[dreg:$0x3] =	wrdreg s24  }
0xb1: {  	[dreg:$0x4] =	wrdreg s2  }
0xb2: {  	[dreg:$0x5] =	wrdreg $0xB5800  }
0xb3: {  	[dreg:$0x6] =	wrdreg $0x9  }
0xb4: {  	_ =	task.clear_ibuf [dreg:s8], $0x7FFFF;
	_ =	strace $0x90000046  }
0xb5: {  	s29 =	simm.s32 $0x9;
	_ =	strace $0x80000048  }
0xb6: {  	_ =	swait.ge [sflag:s29], $0x1  }
0xb7: {  	[sflag:s29] =	ssyncadd.s32 $0xFFFFFFFF  }
0xb8: {  	_ =	strace $0x90000048  }
0xb9: {  	_ =	sfence  }
0xba: {  	s30 =	sld [smem:$0x0];
	_ =	sdelay $0x2  }
0xbb: {  	s31 =	sshll.u32 s1, $0xD;
	s1 =	sshrl.u32 s1, $0x2  }
0xbc: {  	s3 =	sand.u32 $0x4000, s31;
	s1 =	sadd.s32 s1, s30  }
0xbd: {  	s0 =	sor.u32 s3, s0;
	s1 =	sshll.u32 s1, $0x11  }
0xbe: {  	s0 =	sor.u32 s1, s0  }
0xbf: {  	s0 =	sadd.s32 $0x8F2B, s0  }
0xc0: {  	[sflag:s0] =	ssyncadd.remote.s32 $0x1  }
0xc1: {  	_ =	sfence.sel $0xFFFF  }
0xc2: {  	[dreg:$0x0] =	wrdreg $0xFFFFFFFF;
	(pc) =	sbr.abs _section_cstart, $3  }
0xc3: {  	[dreg:$0x1] =	wrdreg $0xFFFFFFFF  }
0xc4: {  	_ =	task.clear_ibuf [dreg:s8], $0x2FFFF;
	_ =	strace $0x9FFFFFFF  }
0xc5: {  	(tm) =	ssettm $0x7FFFFFFF  }
tec
execute0_lowered:
.L_overlay_start_1:
0x0: {  	(tag) =	ssettag $0x1  }
0x1: {  	s1 =	rddreg [dreg:$0x0]  }
0x2: {  	s0 =	rddreg [dreg:$0x1]  }
0x3: {  	s2 =	rddreg [dreg:$0x2]  }
0x4: {  	s3 =	rddreg [dreg:$0x3]  }
0x5: {  	s5 =	srdreg.scid;
	s4 =	simm.s32 $0x0;
	s14 =	stileid.u32  }
0x6: {  	s5 =	sand.u32 $0x1, s5;
	[smem:$0x7FF] =	sst s4;
	s7 =	sadd.s32 $0x15000, s0  }
0x7: {  	s8 =	sadd.s32 $0x1400, s0;
	s10 =	sadd.s32 $0x15C00, s0;
	s15 =	smul.u32 $0x13800, s14  }
0x8: {  	s25 =	sadd.s32 $0x15600, s0;
	s26 =	sadd.s32 $0x3CE00, s0;
	s21 =	smul.u32 $0x4E000, s14  }
0x9: {  	p0 =	sne.s32 s14, $0x0;
	s6 =	sshll.u32 s5, $0x4;
	_ =	strace $0x80000047  }
0xa: {  	[dreg:$0x5] =	wrdreg s7;
	s28 =	ssub.s32 $0x2, s5;
	s5 =	smul.u32 $0x138800, s5  }
0xb: {  	p1 =	sne.s32 s14, $0xF;
	[dreg:$0x6] =	wrdreg s10;
	s6 =	sor.u32 s14, s6  }
0xc: {  	s11 =	smul.u32 $0x2710, s6;
	s20 =	sadd.s32 s15, s5;
	s5 =	sshrl.u32 s5, $0x3  }
0xd: {  	s7 =	sadd.s32 $0xB200, s0;
	[dreg:$0x7] =	wrdreg s25;
	s5 =	sadd.s32 s26, s5  }
0xe: {  	s29 =	sshrl.u32 s28, $0x1;
	s12 =	sshrl.u32 s11, $0x3;
	s5 =	sadd.s32 $0x27000, s5  }
0xf: {  	s24 =	sshrl.u32 s21, $0x2;
	s16 =	sadd.s32 s7, s12;
	[dreg:$0x12] =	wrdreg s5  }
0x10: {  	s14 =	simm.s32 $0x9400;
	s17 =	sadd.s32 s8, s12;
	[dreg:$0xb] =	wrdreg s16  }
0x11: {  	s30 =	sadd.s32 $0x4E0, s12;
	s18 =	sadd.s32 s2, s12;
	[dreg:$0xc] =	wrdreg s17  }
0x12: {  	s21 =	simm.s32 $0x5300;
	s13 =	sadd.s32 s7, s30;
	[dreg:$0xd] =	wrdreg s18  }
0x13: {  	s9 =	smul.u32 $0x2800, s6;
	s31 =	sadd.s32 s8, s30;
	[dreg:$0x8] =	wrdreg s13  }
0x14: {  	s19 =	sadd.s32 $0x8, s12;
	s10 =	sadd.s32 s2, s30;
	[dreg:$0x9] =	wrdreg s31  }
0x15: {  	s12 =	sshrl.u32 s20, $0x3;
	s15 =	sadd.s32 s7, s19;
	[dreg:$0xa] =	wrdreg s10  }
0x16: {  	s6 =	sadd.s32 s24, s3;
	s12 =	sadd.s32 s26, s12;
	[dreg:$0xe] =	wrdreg s15  }
0x17: {  	s9 =	sshrl.u32 s9, $0x3;
	s22 =	sadd.s32 s8, s19;
	[dreg:$0xf] =	wrdreg s12  }
0x18: {  	s0 =	sadd.s32 s9, s0;
	s23 =	sadd.s32 s2, s19;
	[dreg:$0x10] =	wrdreg s22  }
0x19: {  	s9 =	ssub.s32 s28, s29;
	s25 =	sadd.s32 $0x8B000, s0;
	[dreg:$0x11] =	wrdreg s23  }
0x1a: {  	s5 =	simm.s32 $0x6;
	s26 =	sadd.s32 $0x8B100, s0;
	[dreg:$0x13] =	wrdreg s25  }
0x1b: {  	s20 =	simm.s32 $0x5380;
	s28 =	sadd.s32 $0x8B200, s0;
	[dreg:$0x14] =	wrdreg s26  }
0x1c: {  	s29 =	sadd.s32 $0x8B300, s0;
	s0 =	sadd.s32 $0x8B400, s0;
	[dreg:$0x15] =	wrdreg s28  }
0x1d: {  	s30 =	smax.u32 s9, $0x1;
	s16 =	simm.s32 $0x5180;
	[dreg:$0x16] =	wrdreg s29  }
0x1e: {  	s17 =	simm.s32 $0x7400;
	s9 =	simm.s32 $0x5080;
	[dreg:$0x17] =	wrdreg s0  }
0x1f: {  	s18 =	simm.s32 $0x4;
	s19 =	simm.s32 $0x5;
	[dreg:$0x18] =	wrdreg s30  }
0x20: {  	s31 =	sshrl.u32 s6, $0x3;
	s0 =	sadd.s32 $0x138000, s3;
	s10 =	simm.s32 $0xB500  }
0x21: {  	s6 =	simm.s32 $0x3;
	s15 =	simm.s32 $0x40;
	s12 =	simm.s32 $0x2  }
0x22: {  	s13 =	simm.s32 $0x5100;
	[dreg:$0x19] =	wrdreg s31;
	s0 =	sshrl.u32 @!p1 s0, $0x3  }
0x23: {  	s23 =	simm.s32 $0x0;
	[dreg:$0x1a] =	wrdreg s0;
	s0 =	simm.s32 $0x2780  }
.LBB2_1:
0x24: {  	[dreg:$0x1b] =	wrdreg s23  }
0x25: {  	s22 =	sshrl.u32 @!p0 s3, $0x3;
	s23 =	simm.s32 @!p0 $0x1C06;
	s24 =	rddreg [dreg:$0x6]  }
0x26: {  	[spmem:s22], [sflag:s23] =	dma.local @!p0 [hbm:s24], $0x27100  }
0x27: {  	s22 =	simm.s32 @!p0 $0x6  }
0x28: {  	_ =	swait.ge @!p0 [sflag:s22], $0x27100  }
0x29: {  	[sflag:s22] =	ssyncset.done @!p0 $0x0  }
0x2a: {  	s26 =	rddreg [dreg:$0x7];
	[sflag:s22] =	ssyncadd.s32 @!p0 $0xFFFD8F00  }
0x2b: {  	[tilespmem:s0], [sflag:$0x6] =	stream.linear.gather [hbm4b:s26+s4], $0x2780, $0x38;
	[tilespmem:$0x1EE00] =	vst v63  }
0x2c: {  	_ =	swait.ge [sflag:s5], $0x2780  }
0x2d: {  	[sflag:s5] =	ssyncset.done $0x0  }
0x2e: {  	s29 =	rddreg [dreg:$0x5];
	[sflag:s5] =	ssyncadd.s32 $0xFFFFD880  }
0x2f: {  	[tilespmem:s4], [sflag:$0x6] =	stream.linear.gather [hbm4b:s29+s4], $0x2780, $0x38;
	[tilespmem:$0x1EE00] =	vst v63  }
0x30: {  	_ =	swait.ge [sflag:s5], $0x2780  }
0x31: {  	[sflag:s5] =	ssyncset.done $0x0  }
0x32: {  	[sflag:s5] =	ssyncadd.s32 $0xFFFFD880  }
0x33: {  	[bflag:$0x0] =	sbarrier.arrive $0xFFFF  }
0x34: {  	s31 =	simm.s32 $0xB400;
	s30 =	rddreg [dreg:$0x8]  }
0x35: {  	[tilespmem:s31], [sflag:$0x6] =	stream.linear.gather [hbm4b:s30+s4], $0x10, $0x38;
	[tilespmem:$0x1EE00] =	vst v63  }
0x36: {  	_ =	swait.ge [sflag:s5], $0x10  }
0x37: {  	[sflag:s5] =	ssyncset.done $0x0  }
0x38: {  	s25 =	simm.s32 $0xB480;
	s24 =	rddreg [dreg:$0x9];
	[sflag:s5] =	ssyncadd.s32 $0xFFFFFFF0  }
0x39: {  	[tilespmem:s25], [sflag:$0x6] =	stream.linear.gather [hbm4b:s24+s4], $0x10, $0x38;
	[tilespmem:$0x1EE00] =	vst v63  }
0x3a: {  	_ =	swait.ge [sflag:s5], $0x10  }
0x3b: {  	[sflag:s5] =	ssyncset.done $0x0  }
0x3c: {  	s26 =	rddreg [dreg:$0xa];
	[sflag:s5] =	ssyncadd.s32 $0xFFFFFFF0  }
0x3d: {  	[tilespmem:s10], [sflag:$0x6] =	stream.linear.gather [hbm4b:s26+s4], $0x10, $0x38;
	[tilespmem:$0x1EE00] =	vst v63  }
0x3e: {  	_ =	swait.ge [sflag:s5], $0x10  }
0x3f: {  	[sflag:s5] =	ssyncset.done $0x0  }
0x40: {  	s29 =	simm.s32 $0x10;
	s30 =	simm.s32 $0x5400;
	[sflag:s5] =	ssyncadd.s32 $0xFFFFFFF0  }
0x41: {  	[tilespmem:s30], [sflag:$0x3] =	stream.indirect.gather [hbm4b:s1+s29], $0x80, s31, s29, $0xb8;
	[tilespmem:$0x1EE00] =	vst v63  }
0x42: {  	v0 =	vld [tilespmem:$0xB400];
	_ =	sdelay $0x4  }
0x43: {  	v1 =	vld [tilespmem:$0xB480];
	_ =	sdelay $0x2  }
0x44: {  	v0 =	vld.idx.msk [tilespmem:v0+s4+$0x0], $0xffff;
	_ =	sdelay $0x1  }
0x45: {  	v2 =	vmov s4  }
0x46: {  	v2 =	vand.u32 $0xFFFFFFFE, v2  }
0x47: {  	v2 =	vbroadcast v2, $0x0  }
0x48: {  	[tilespmem:v1+s0+$0x0] =	vst.idx.add.f32.msk $0xffff, v0  }
0x49: {  	_ =	swait.ge [sflag:s6], $0x800  }
0x4a: {  	[sflag:s6] =	ssyncset.done $0x0  }
0x4b: {  	s31 =	simm.s32 $0x5480;
	[sflag:s6] =	ssyncadd.s32 $0xFFFFF800  }
0x4c: {  	s24 =	simm.s32 $0x1;
	v0 =	vld [tilespmem:s31+$0xFFFFFF80]  }
0x4d: {  	v1 =	vmov s24;
	v4 =	vld.idx.msk [tilespmem:v2+s10+$0x0], $0xffff  }
0x4e: {  	v3 =	vld [tilespmem:s31+$0xFFFFFFC0];
	_ =	sdelay $0x2  }
0x4f: {  	v5 =	vld [tilespmem:s31+$0x0];
	v6 =	vshll.u32 v0, $0x10  }
0x50: {  	v2 =	vld.idx.msk [tilespmem:v1+s10+$0x0], $0xffff;
	v0 =	vand.u32 $0xFFFF0000, v0;
	v1 =	vmul.f32 v6, v4  }
0x51: {  	v7 =	vshll.u32 v3, $0x10;
	v6 =	vld [tilespmem:s31+$0x40];
	v0 =	vmul.f32 v0, v4  }
0x52: {  	v3 =	vand.u32 $0xFFFF0000, v3;
	v1 =	vadd.f32 v7, v1  }
0x53: {  	s23 =	simm.s32 $0x9480;
	v0 =	vadd.f32 v3, v0  }
0x54: {  	[tilespmem:s23+$0xFFFFFF80] =	vst v1;
	v1 =	vshll.u32 v5, $0x10  }
0x55: {  	[tilespmem:s23+$0xFFFFFF90] =	vst v0;
	v0 =	vand.u32 $0xFFFF0000, v5;
	v1 =	vmul.f32 v1, v2  }
0x56: {  	v3 =	vld [tilespmem:s31+$0xFFFFFF90];
	v5 =	vshll.u32 v6, $0x10;
	v0 =	vmul.f32 v0, v2  }
0x57: {  	s25 =	simm.s32 $0x2;
	v6 =	vand.u32 $0xFFFF0000, v6;
	v1 =	vadd.f32 v5, v1  }
0x58: {  	v5 =	vld [tilespmem:s31+$0xFFFFFFD0];
	v0 =	vadd.f32 v6, v0;
	v6 =	vmov s25  }
0x59: {  	[tilespmem:s23+$0x0] =	vst v1;
	v1 =	vand.u32 $0xFFFFFFFE, v6  }
0x5a: {  	[tilespmem:s23+$0x10] =	vst v0;
	v0 =	vbroadcast v1, $0x0  }
0x5b: {  	v1 =	vshll.u32 v3, $0x10;
	v6 =	vld [tilespmem:s31+$0x10]  }
0x5c: {  	v3 =	vand.u32 $0xFFFF0000, v3;
	v1 =	vmul.f32 v1, v4  }
0x5d: {  	v7 =	vld [tilespmem:s31+$0x50];
	v3 =	vmul.f32 v3, v4;
	v8 =	vshll.u32 v5, $0x10  }
0x5e: {  	s25 =	simm.s32 $0x5580;
	v5 =	vand.u32 $0xFFFF0000, v5;
	v1 =	vadd.f32 v8, v1  }
0x5f: {  	s26 =	simm.s32 $0x3;
	v3 =	vadd.f32 v5, v3;
	v5 =	vld [tilespmem:s25+$0xFFFFFF80]  }
0x60: {  	v8 =	vmov s26;
	[tilespmem:s23+$0xFFFFFFA0] =	vst v1;
	v9 =	vshll.u32 v6, $0x10;
	v1 =	vld.idx.msk [tilespmem:v0+s10+$0x0], $0xffff  }
0x61: {  	[tilespmem:s23+$0xFFFFFFB0] =	vst v3;
	v0 =	vand.u32 $0xFFFF0000, v6;
	v3 =	vmul.f32 v9, v2;
	v6 =	vld [tilespmem:s25+$0xFFFFFFC0]  }
0x62: {  	v9 =	vshll.u32 v7, $0x10;
	v10 =	vld [tilespmem:s31+$0xFFFFFFA0];
	v0 =	vmul.f32 v0, v2  }
0x63: {  	v7 =	vand.u32 $0xFFFF0000, v7;
	v3 =	vadd.f32 v9, v3;
	v9 =	vld [tilespmem:s31+$0xFFFFFFE0]  }
0x64: {  	v11 =	vld [tilespmem:s25+$0x0];
	v12 =	vshll.u32 v5, $0x10;
	v7 =	vadd.f32 v7, v0  }
0x65: {  	v0 =	vld.idx.msk [tilespmem:v8+s10+$0x0], $0xffff;
	[tilespmem:s23+$0x20] =	vst v3;
	v3 =	vand.u32 $0xFFFF0000, v5;
	v5 =	vmul.f32 v12, v1  }
0x66: {  	v8 =	vld [tilespmem:s25+$0x40];
	[tilespmem:s23+$0x30] =	vst v7;
	v7 =	vshll.u32 v6, $0x10;
	v6 =	vand.u32 $0xFFFF0000, v6;
	v3 =	vmul.f32 v3, v1  }
0x67: {  	v13 =	vshll.u32 v10, $0x10;
	v12 =	vld [tilespmem:s31+$0x20];
	v5 =	vadd.f32 v7, v5;
	v7 =	vand.u32 $0xFFFF0000, v10  }
0x68: {  	s24 =	simm.s32 $0x9580;
	v10 =	vmul.f32 v13, v4;
	v3 =	vadd.f32 v6, v3;
	v6 =	vshll.u32 v9, $0x10  }
0x69: {  	v13 =	vld [tilespmem:s31+$0x60];
	v9 =	vand.u32 $0xFFFF0000, v9;
	v7 =	vmul.f32 v7, v4;
	[tilespmem:s24+$0xFFFFFF80] =	vst v5;
	v5 =	vshll.u32 v11, $0x10  }
0x6a: {  	v6 =	vadd.f32 v6, v10;
	[tilespmem:s24+$0xFFFFFF90] =	vst v3;
	v3 =	vand.u32 $0xFFFF0000, v11;
	v5 =	vmul.f32 v5, v0  }
0x6b: {  	v10 =	vshll.u32 v8, $0x10;
	v7 =	vadd.f32 v9, v7;
	v9 =	vld [tilespmem:s25+$0xFFFFFF90];
	v3 =	vmul.f32 v3, v0  }
0x6c: {  	v8 =	vand.u32 $0xFFFF0000, v8;
	[tilespmem:s23+$0xFFFFFFC0] =	vst v6;
	v6 =	vshll.u32 v12, $0x10;
	v5 =	vadd.f32 v10, v5  }
0x6d: {  	s26 =	simm.s32 $0x4;
	v10 =	vld [tilespmem:s25+$0xFFFFFFD0];
	[tilespmem:s23+$0xFFFFFFD0] =	vst v7;
	v7 =	vand.u32 $0xFFFF0000, v12;
	v3 =	vadd.f32 v8, v3;
	v6 =	vmul.f32 v6, v2  }
0x6e: {  	v11 =	vmov s26;
	v8 =	vld [tilespmem:s31+$0xFFFFFFB0];
	v7 =	vmul.f32 v7, v2;
	[tilespmem:s24+$0x0] =	vst v5;
	v5 =	vshll.u32 v13, $0x10  }
0x6f: {  	v11 =	vand.u32 $0xFFFFFFFE, v11;
	v12 =	vand.u32 $0xFFFF0000, v13;
	[tilespmem:s24+$0x10] =	vst v3;
	v13 =	vld [tilespmem:s31+$0xFFFFFFF0];
	v3 =	vadd.f32 v5, v6  }
0x70: {  	v5 =	vadd.f32 v12, v7;
	v6 =	vbroadcast v11, $0x0;
	v7 =	vshll.u32 v9, $0x10;
	v11 =	vld [tilespmem:s25+$0x10]  }
0x71: {  	s29 =	simm.s32 $0x5;
	v9 =	vand.u32 $0xFFFF0000, v9;
	v14 =	vld [tilespmem:s25+$0x50];
	v7 =	vmul.f32 v7, v1  }
0x72: {  	s26 =	simm.s32 $0x5680;
	v12 =	vmov s29;
	v9 =	vmul.f32 v9, v1;
	[tilespmem:s23+$0x40] =	vst v3;
	v3 =	vshll.u32 v10, $0x10  }
0x73: {  	v16 =	vld [tilespmem:s26+$0xFFFFFF80];
	[tilespmem:s23+$0x50] =	vst v5;
	v10 =	vand.u32 $0xFFFF0000, v10;
	v5 =	vand.u32 $0xFFFF0000, v8;
	v3 =	vadd.f32 v3, v7  }
0x74: {  	v7 =	vld [tilespmem:s31+$0x30];
	v9 =	vadd.f32 v10, v9;
	v8 =	vshll.u32 v8, $0x10;
	v5 =	vmul.f32 v5, v4  }
0x75: {  	v10 =	vld [tilespmem:s31+$0x70];
	v15 =	vand.u32 $0xFFFF0000, v13;
	v13 =	vshll.u32 v13, $0x10;
	v4 =	vmul.f32 v8, v4;
	[tilespmem:s24+$0xFFFFFFA0] =	vst v3  }
0x76: {  	v17 =	vshll.u32 v11, $0x10;
	v11 =	vand.u32 $0xFFFF0000, v11;
	[tilespmem:s24+$0xFFFFFFB0] =	vst v9;
	v9 =	vshll.u32 v14, $0x10;
	v3 =	vld.idx.msk [tilespmem:v6+s10+$0x0], $0xffff  }
0x77: {  	v5 =	vadd.f32 v15, v5;
	v6 =	vmul.f32 v17, v0;
	v11 =	vmul.f32 v11, v0;
	v15 =	vld [tilespmem:s26+$0xFFFFFFC0]  }
0x78: {  	v14 =	vand.u32 $0xFFFF0000, v14;
	v8 =	vld [tilespmem:s25+$0xFFFFFFA0];
	v4 =	vadd.f32 v13, v4;
	v13 =	vshll.u32 v16, $0x10  }
0x79: {  	v6 =	vadd.f32 v9, v6;
	v9 =	vadd.f32 v14, v11;
	v11 =	vshll.u32 v7, $0x10  }
0x7a: {  	v17 =	vld [tilespmem:s25+$0xFFFFFFE0];
	v7 =	vand.u32 $0xFFFF0000, v7;
	v14 =	vshll.u32 v10, $0x10;
	v10 =	vand.u32 $0xFFFF0000, v10  }
0x7b: {  	s30 =	simm.s32 $0x7;
	v18 =	vld [tilespmem:s26+$0x0];
	v11 =	vmul.f32 v11, v2;
	v19 =	vmul.f32 v7, v2;
	[tilespmem:s24+$0x20] =	vst v6;
	v6 =	vand.u32 $0xFFFF0000, v16  }
0x7c: {  	v2 =	vld.idx.msk [tilespmem:v12+s10+$0x0], $0xffff;
	v7 =	vmul.f32 v13, v3;
	v13 =	vmov s30;
	v12 =	vshll.u32 v15, $0x10  }
0x7d: {  	v16 =	vld [tilespmem:s26+$0x40];
	[tilespmem:s24+$0x30] =	vst v9;
	v6 =	vmul.f32 v6, v3;
	v9 =	vshll.u32 v8, $0x10;
	v15 =	vand.u32 $0xFFFF0000, v15  }
0x7e: {  	v8 =	vand.u32 $0xFFFF0000, v8;
	v9 =	vmul.f32 v9, v1;
	v7 =	vadd.f32 v12, v7;
	v12 =	vld [tilespmem:s25+$0x20]  }
0x7f: {  	s28 =	simm.s32 $0x9680;
	[tilespmem:s23+$0xFFFFFFF0] =	vst v5;
	v8 =	vmul.f32 v8, v1;
	v5 =	vadd.f32 v15, v6;
	v6 =	vshll.u32 v17, $0x10  }
0x80: {  	v15 =	vand.u32 $0xFFFF0000, v17;
	v6 =	vadd.f32 v6, v9;
	v9 =	vshll.u32 v18, $0x10;
	[tilespmem:s28+$0xFFFFFF80] =	vst v7;
	v7 =	vld [tilespmem:s25+$0x60]  }
0x81: {  	v8 =	vadd.f32 v15, v8;
	[tilespmem:s28+$0xFFFFFF90] =	vst v5;
	v5 =	vand.u32 $0xFFFF0000, v18;
	v17 =	vmul.f32 v9, v2  }
0x82: {  	v11 =	vadd.f32 v14, v11;
	v15 =	vshll.u32 v16, $0x10;
	v14 =	vld [tilespmem:s26+$0xFFFFFF90];
	v5 =	vmul.f32 v5, v2;
	[tilespmem:s24+$0xFFFFFFC0] =	vst v6  }
0x83: {  	v6 =	vand.u32 $0xFFFF0000, v16;
	v9 =	vld [tilespmem:s26+$0xFFFFFFD0];
	[tilespmem:s24+$0xFFFFFFD0] =	vst v8;
	v15 =	vadd.f32 v15, v17;
	v16 =	vshll.u32 v12, $0x10  }
0x84: {  	s31 =	simm.s32 $0x6;
	[tilespmem:s23+$0xFFFFFFE0] =	vst v4;
	v8 =	vld [tilespmem:s25+$0xFFFFFFB0];
	v4 =	vand.u32 $0xFFFF0000, v12;
	v5 =	vadd.f32 v6, v5;
	v6 =	vmul.f32 v16, v0  }
0x85: {  	v12 =	vmov s31;
	v4 =	vmul.f32 v4, v0;
	[tilespmem:s28+$0x0] =	vst v15;
	v15 =	vshll.u32 v7, $0x10  }
0x86: {  	v12 =	vand.u32 $0xFFFFFFFE, v12;
	v16 =	vand.u32 $0xFFFF0000, v7;
	[tilespmem:s28+$0x10] =	vst v5;
	v7 =	vld [tilespmem:s25+$0xFFFFFFF0];
	v15 =	vadd.f32 v15, v6  }
0x87: {  	[tilespmem:s23+$0x60] =	vst v11;
	v5 =	vbroadcast v12, $0x0;
	v16 =	vadd.f32 v16, v4;
	v4 =	vshll.u32 v14, $0x10;
	v11 =	vld [tilespmem:s26+$0x10]  }
0x88: {  	v6 =	vadd.f32 v10, v19;
	v17 =	vand.u32 $0xFFFF0000, v14;
	v10 =	vld [tilespmem:s26+$0x50];
	v12 =	vmul.f32 v4, v3;
	[tilespmem:s24+$0x40] =	vst v15  }
0x89: {  	s22 =	simm.s32 $0x8;
	v14 =	vshll.u32 v9, $0x10;
	v4 =	vld.idx.msk [tilespmem:v13+s10+$0x0], $0xffff;
	v13 =	vmul.f32 v17, v3;
	v15 =	vand.u32 $0xFFFF0000, v8;
	[tilespmem:s24+$0x50] =	vst v16  }
.LBB2_2:
0x8a: {  	p2 =	slt.u32 s22, $0xE;
	v9 =	vand.u32 $0xFFFF0000, v9;
	v12 =	vadd.f32 v14, v12;
	v14 =	vmul.f32 v15, v1;
	v15 =	vld [tilespmem:s25+$0x30];
	[tilespmem:s23+$0x70] =	vst v6;
	s23 =	smov.u32 s24;
	s24 =	smov.u32 s28  }
0x8b: {  	v8 =	vshll.u32 v8, $0x10;
	v6 =	vadd.f32 v9, v13;
	v9 =	vand.u32 $0xFFFF0000, v7;
	v13 =	vld [tilespmem:s25+$0x70];
	s25 =	smov.u32 s26;
	s26 =	sadd.s32 $0x100, s26  }
0x8c: {  	v16 =	vld [tilespmem:s26+$0xFFFFFF80];
	[tilespmem:s28+$0xFFFFFFA0] =	vst v12;
	v12 =	vshll.u32 v11, $0x10;
	v11 =	vand.u32 $0xFFFF0000, v11;
	v9 =	vadd.f32 v9, v14  }
0x8d: {  	v5 =	vld.idx.msk [tilespmem:v5+s10+$0x0], $0xffff;
	[tilespmem:s28+$0xFFFFFFB0] =	vst v6;
	v6 =	vshll.u32 v10, $0x10;
	v12 =	vmul.f32 v12, v2;
	v11 =	vmul.f32 v11, v2  }
0x8e: {  	v7 =	vshll.u32 v7, $0x10;
	v8 =	vmul.f32 v8, v1;
	v1 =	vmovc v3;
	v10 =	vand.u32 $0xFFFF0000, v10;
	v14 =	vld [tilespmem:s26+$0xFFFFFFC0];
	[tilespmem:s23+$0xFFFFFFF0] =	vst v9  }
0x8f: {  	v9 =	vld [tilespmem:s25+$0xFFFFFFA0];
	v3 =	vadd.f32 v6, v12;
	v6 =	vadd.f32 v10, v11;
	v10 =	vshll.u32 v15, $0x10  }
0x90: {  	v12 =	vand.u32 $0xFFFF0000, v15;
	v11 =	vld [tilespmem:s26+$0x0];
	v15 =	vshll.u32 v13, $0x10;
	v10 =	vmul.f32 v10, v0  }
0x91: {  	s29 =	sadd.s32 $0x1, s22;
	v19 =	vadd.f32 v7, v8;
	v13 =	vand.u32 $0xFFFF0000, v13;
	v12 =	vmul.f32 v12, v0;
	v0 =	vmovc v2;
	v17 =	vld [tilespmem:s25+$0xFFFFFFE0];
	[tilespmem:s28+$0x20] =	vst v3  }
0x92: {  	v18 =	vmov s29;
	v2 =	vmovc v4;
	v7 =	vshll.u32 v16, $0x10;
	v8 =	vld [tilespmem:s26+$0x40];
	[tilespmem:s28+$0x30] =	vst v6;
	v6 =	vadd.f32 v15, v10  }
0x93: {  	v4 =	vand.u32 $0xFFFF0000, v16;
	v7 =	vmul.f32 v7, v5;
	v10 =	vshll.u32 v14, $0x10;
	v15 =	vld [tilespmem:s25+$0x20];
	[tilespmem:s23+$0xFFFFFFE0] =	vst v19;
	v3 =	vmovc v5  }
0x94: {  	v5 =	vand.u32 $0xFFFF0000, v14;
	v4 =	vmul.f32 v4, v3;
	v14 =	vshll.u32 v9, $0x10;
	v16 =	vld [tilespmem:s25+$0x60];
	[tilespmem:s23+$0x60] =	vst v6  }
0x95: {  	v6 =	vadd.f32 v10, v7;
	v7 =	vand.u32 $0xFFFF0000, v9;
	v9 =	vmul.f32 v14, v1  }
0x96: {  	s28 =	sadd.s32 $0x100, s28;
	v7 =	vmul.f32 v7, v1;
	v4 =	vadd.f32 v5, v4;
	v5 =	vshll.u32 v17, $0x10  }
0x97: {  	v10 =	vand.u32 $0xFFFF0000, v17;
	[tilespmem:s28+$0xFFFFFF80] =	vst v6;
	v6 =	vshll.u32 v11, $0x10;
	v5 =	vadd.f32 v5, v9  }
0x98: {  	v7 =	vadd.f32 v10, v7;
	[tilespmem:s28+$0xFFFFFF90] =	vst v4;
	v4 =	vand.u32 $0xFFFF0000, v11;
	v6 =	vmul.f32 v6, v2  }
0x99: {  	v11 =	vshll.u32 v8, $0x10;
	v8 =	vand.u32 $0xFFFF0000, v8;
	v10 =	vld [tilespmem:s26+$0xFFFFFF90];
	v4 =	vmul.f32 v4, v2;
	[tilespmem:s24+$0xFFFFFFC0] =	vst v5  }
0x9a: {  	v9 =	vld [tilespmem:s26+$0xFFFFFFD0];
	v5 =	vadd.f32 v11, v6;
	[tilespmem:s24+$0xFFFFFFD0] =	vst v7;
	v6 =	vshll.u32 v15, $0x10;
	v7 =	vand.u32 $0xFFFF0000, v15  }
0x9b: {  	v4 =	vadd.f32 v8, v4;
	v8 =	vld [tilespmem:s25+$0xFFFFFFB0];
	v6 =	vmul.f32 v6, v0;
	v11 =	vmul.f32 v7, v0  }
.Ltmp0:
0x9c: {  	v14 =	vand.u32 $0xFFFF0000, v16;
	v7 =	vmov s22;
	[tilespmem:s28+$0x0] =	vst v5;
	v5 =	vshll.u32 v16, $0x10;
	(pc) =	sbr.rel @p2 .LBB2_2-.Ltmp0, $4  }
0x9d: {  	v15 =	vand.u32 $0xFFFFFFFE, v7;
	[tilespmem:s28+$0x10] =	vst v4;
	v7 =	vld [tilespmem:s25+$0xFFFFFFF0];
	v4 =	vadd.f32 v5, v6;
	v16 =	vadd.f32 v14, v11  }
0x9e: {  	v5 =	vbroadcast v15, $0x0;
	v6 =	vadd.f32 v13, v12;
	v14 =	vshll.u32 v10, $0x10;
	v11 =	vld [tilespmem:s26+$0x10]  }
0x9f: {  	v13 =	vand.u32 $0xFFFF0000, v10;
	v12 =	vmul.f32 v14, v3;
	v10 =	vld [tilespmem:s26+$0x50];
	[tilespmem:s24+$0x40] =	vst v4  }
0xa0: {  	s22 =	sadd.s32 $0x2, s22;
	v14 =	vshll.u32 v9, $0x10;
	v13 =	vmul.f32 v13, v3;
	v4 =	vld.idx.msk [tilespmem:v18+s10+$0x0], $0xffff;
	v15 =	vand.u32 $0xFFFF0000, v8;
	[tilespmem:s24+$0x50] =	vst v16  }
0xa1: {  	_ =	sdelay $0x3  }
0xa2: {  	s30 =	sadd.s32 $0x100, s26;
	v5 =	vld.idx.msk [tilespmem:v5+s10+$0x0], $0xffff  }
0xa3: {  	v16 =	vld [tilespmem:s30+$0xFFFFFF80]  }
0xa4: {  	v17 =	vld [tilespmem:s30+$0xFFFFFFC0]  }
0xa5: {  	v18 =	vld [tilespmem:s30+$0x0];
	_ =	sdelay $0x1  }
0xa6: {  	v20 =	vld [tilespmem:s30+$0x40]  }
0xa7: {  	v19 =	vshll.u32 v16, $0x10  }
0xa8: {  	v16 =	vand.u32 $0xFFFF0000, v16;
	v21 =	vshll.u32 v17, $0x10;
	v19 =	vmul.f32 v19, v5  }
0xa9: {  	v17 =	vand.u32 $0xFFFF0000, v17;
	v63 =	vshll.u32 v18, $0x10;
	v16 =	vmul.f32 v16, v5  }
0xaa: {  	v23 =	vand.u32 $0xFFFF0000, v18;
	v24 =	vmul.f32 v63, v4;
	v19 =	vadd.f32 v21, v19  }
0xab: {  	s29 =	sadd.s32 $0x100, s28;
	v25 =	vshll.u32 v20, $0x10;
	v16 =	vadd.f32 v17, v16;
	v17 =	vmul.f32 v23, v4  }
0xac: {  	v26 =	vand.u32 $0xFFFF0000, v20;
	v18 =	vadd.f32 v25, v24;
	[tilespmem:s29+$0xFFFFFF80] =	vst v19  }
0xad: {  	v30 =	vshll.u32 v11, $0x10;
	[tilespmem:s29+$0xFFFFFF90] =	vst v16;
	v16 =	vadd.f32 v26, v17  }
0xae: {  	v12 =	vadd.f32 v14, v12;
	v32 =	vand.u32 $0xFFFF0000, v11;
	v35 =	vmul.f32 v30, v2;
	[tilespmem:s29+$0x0] =	vst v18;
	v27 =	vld [tilespmem:s30+$0xFFFFFF90]  }
0xaf: {  	v9 =	vand.u32 $0xFFFF0000, v9;
	v33 =	vshll.u32 v10, $0x10;
	v11 =	vmul.f32 v32, v2;
	v31 =	vld [tilespmem:s30+$0xFFFFFFD0];
	[tilespmem:s29+$0x10] =	vst v16  }
0xb0: {  	v8 =	vshll.u32 v8, $0x10;
	[tilespmem:s28+$0xFFFFFFA0] =	vst v12;
	v36 =	vand.u32 $0xFFFF0000, v10;
	v12 =	vadd.f32 v33, v35;
	v16 =	vld [tilespmem:s30+$0x10]  }
0xb1: {  	v28 =	vmul.f32 v15, v1;
	v38 =	vmul.f32 v8, v1;
	v10 =	vadd.f32 v36, v11  }
0xb2: {  	v9 =	vadd.f32 v9, v13;
	v29 =	vand.u32 $0xFFFF0000, v7;
	v37 =	vshll.u32 v7, $0x10;
	[tilespmem:s28+$0x20] =	vst v12;
	v40 =	vld [tilespmem:s30+$0x50]  }
0xb3: {  	v34 =	vld [tilespmem:s25+$0x30];
	v13 =	vadd.f32 v29, v28;
	v1 =	vadd.f32 v37, v38;
	[tilespmem:s28+$0x30] =	vst v10;
	v39 =	vshll.u32 v27, $0x10  }
0xb4: {  	[tilespmem:s28+$0xFFFFFFB0] =	vst v9;
	v50 =	vld [tilespmem:s26+$0x20];
	v42 =	vand.u32 $0xFFFF0000, v27;
	v43 =	vshll.u32 v31, $0x10;
	v8 =	vmul.f32 v39, v5  }
0xb5: {  	v41 =	vld [tilespmem:s26+$0xFFFFFFA0];
	v45 =	vand.u32 $0xFFFF0000, v31;
	v14 =	vmul.f32 v42, v5;
	v46 =	vshll.u32 v16, $0x10  }
0xb6: {  	v53 =	vld [tilespmem:s26+$0x60];
	v48 =	vand.u32 $0xFFFF0000, v16;
	v8 =	vadd.f32 v43, v8;
	v11 =	vmul.f32 v46, v4  }
0xb7: {  	v51 =	vshll.u32 v40, $0x10;
	v47 =	vadd.f32 v45, v14;
	v12 =	vmul.f32 v48, v4  }
0xb8: {  	v44 =	vld [tilespmem:s26+$0xFFFFFFE0];
	v49 =	vshll.u32 v34, $0x10;
	v9 =	vand.u32 $0xFFFF0000, v40;
	[tilespmem:s29+$0xFFFFFFA0] =	vst v8;
	v8 =	vadd.f32 v51, v11  }
0xb9: {  	v57 =	vand.u32 $0xFFFF0000, v34;
	v63 =	vshll.u32 v50, $0x10;
	[tilespmem:s29+$0xFFFFFFB0] =	vst v47;
	v9 =	vadd.f32 v9, v12  }
0xba: {  	v52 =	vshll.u32 v41, $0x10;
	v20 =	vand.u32 $0xFFFF0000, v50;
	v22 =	vmul.f32 v63, v2;
	v56 =	vld [tilespmem:s30+$0xFFFFFFA0];
	[tilespmem:s29+$0x20] =	vst v8  }
0xbb: {  	v54 =	vand.u32 $0xFFFF0000, v41;
	v24 =	vshll.u32 v53, $0x10;
	v23 =	vmul.f32 v20, v2;
	v61 =	vld [tilespmem:s30+$0xFFFFFFE0];
	[tilespmem:s29+$0x30] =	vst v9  }
0xbc: {  	v55 =	vmul.f32 v52, v3;
	v10 =	vand.u32 $0xFFFF0000, v53;
	v7 =	vadd.f32 v24, v22;
	v21 =	vld [tilespmem:s30+$0x20]  }
0xbd: {  	v58 =	vshll.u32 v44, $0x10;
	v10 =	vadd.f32 v10, v23;
	v11 =	vmul.f32 v54, v3  }
0xbe: {  	v59 =	vmul.f32 v49, v0;
	v60 =	vand.u32 $0xFFFF0000, v44;
	v15 =	vadd.f32 v58, v55;
	[tilespmem:s28+$0x40] =	vst v7;
	v26 =	vld [tilespmem:s30+$0x60]  }
0xbf: {  	v29 =	vld [tilespmem:s25+$0x70];
	v34 =	vmul.f32 v57, v0;
	[tilespmem:s28+$0x50] =	vst v10;
	v62 =	vadd.f32 v60, v11;
	v25 =	vshll.u32 v56, $0x10  }
0xc0: {  	[tilespmem:s28+$0xFFFFFFC0] =	vst v15;
	v35 =	vld [tilespmem:s26+$0x30];
	v28 =	vand.u32 $0xFFFF0000, v56;
	v30 =	vshll.u32 v61, $0x10;
	v14 =	vmul.f32 v25, v5  }
0xc1: {  	v37 =	vld [tilespmem:s26+$0x70];
	[tilespmem:s28+$0xFFFFFFD0] =	vst v62;
	v18 =	vand.u32 $0xFFFF0000, v61;
	v9 =	vmul.f32 v28, v5;
	v32 =	vshll.u32 v21, $0x10  }
0xc2: {  	v27 =	vld [tilespmem:s26+$0xFFFFFFB0];
	v33 =	vand.u32 $0xFFFF0000, v21;
	v11 =	vadd.f32 v30, v14;
	v14 =	vmul.f32 v32, v4  }
0xc3: {  	[tilespmem:s23+$0x70] =	vst v6;
	v36 =	vshll.u32 v26, $0x10;
	v9 =	vadd.f32 v18, v9;
	v10 =	vmul.f32 v33, v4  }
0xc4: {  	v41 =	vshll.u32 v29, $0x10;
	v31 =	vld [tilespmem:s26+$0xFFFFFFF0];
	v40 =	vand.u32 $0xFFFF0000, v26;
	[tilespmem:s29+$0xFFFFFFC0] =	vst v11;
	v38 =	vadd.f32 v36, v14  }
0xc5: {  	v6 =	vadd.f32 v41, v59;
	v43 =	vand.u32 $0xFFFF0000, v29;
	[tilespmem:s29+$0xFFFFFFD0] =	vst v9;
	v10 =	vadd.f32 v40, v10  }
0xc6: {  	v0 =	vadd.f32 v43, v34;
	v48 =	vshll.u32 v35, $0x10;
	v49 =	vand.u32 $0xFFFF0000, v35;
	v42 =	vld [tilespmem:s30+$0xFFFFFFB0];
	[tilespmem:s29+$0x40] =	vst v38  }
0xc7: {  	v50 =	vshll.u32 v37, $0x10;
	v53 =	vand.u32 $0xFFFF0000, v37;
	v39 =	vand.u32 $0xFFFF0000, v27;
	v46 =	vld [tilespmem:s30+$0xFFFFFFF0];
	[tilespmem:s29+$0x50] =	vst v10  }
0xc8: {  	[tilespmem:s24+$0xFFFFFFE0] =	vst v1;
	v1 =	vmul.f32 v49, v2;
	v45 =	vshll.u32 v27, $0x10;
	v11 =	vmul.f32 v39, v3;
	v10 =	vld [tilespmem:s30+$0x30]  }
0xc9: {  	[tilespmem:s24+$0xFFFFFFF0] =	vst v13;
	v44 =	vand.u32 $0xFFFF0000, v31;
	v47 =	vmul.f32 v45, v3;
	v9 =	vmul.f32 v48, v2  }
0xca: {  	[tilespmem:s24+$0x70] =	vst v0;
	v0 =	vadd.f32 v53, v1;
	v7 =	vshll.u32 v31, $0x10;
	v8 =	vadd.f32 v44, v11;
	v52 =	vld [tilespmem:s30+$0x70]  }
0xcb: {  	[tilespmem:s24+$0x60] =	vst v6;
	v3 =	vadd.f32 v7, v47;
	v54 =	vadd.f32 v50, v9;
	v51 =	vand.u32 $0xFFFF0000, v42  }
0xcc: {  	[tilespmem:s28+$0x70] =	vst v0;
	v55 =	vshll.u32 v42, $0x10;
	v56 =	vand.u32 $0xFFFF0000, v46;
	v2 =	vmul.f32 v51, v5  }
0xcd: {  	[tilespmem:s28+$0xFFFFFFF0] =	vst v8;
	v58 =	vshll.u32 v46, $0x10;
	v1 =	vmul.f32 v55, v5;
	v57 =	vshll.u32 v10, $0x10  }
0xce: {  	[tilespmem:s28+$0xFFFFFFE0] =	vst v3;
	v59 =	vand.u32 $0xFFFF0000, v10;
	v2 =	vadd.f32 v56, v2;
	v3 =	vmul.f32 v57, v4  }
0xcf: {  	[tilespmem:s28+$0x60] =	vst v54;
	v60 =	vshll.u32 v52, $0x10;
	v1 =	vadd.f32 v58, v1;
	v61 =	vmul.f32 v59, v4  }
0xd0: {  	v62 =	vand.u32 $0xFFFF0000, v52;
	[tilespmem:s29+$0xFFFFFFF0] =	vst v2;
	v0 =	vadd.f32 v60, v3  }
0xd1: {  	[tilespmem:s29+$0xFFFFFFE0] =	vst v1;
	v63 =	vadd.f32 v62, v61  }
0xd2: {  	[tilespmem:s29+$0x60] =	vst v0  }
0xd3: {  	s22 =	simm.s32 $0xB480;
	s24 =	simm.s32 $0x10;
	[tilespmem:s29+$0x70] =	vst v63  }
0xd4: {  	[spmem:s3] =	stream.indirect.scatter.add.f32 [tilespmem:s14], [sflag:$0x6], $0x80, s22, s24, $0xb8;
	[tilespmem:$0x1EE00] =	vst v63  }
0xd5: {  	_ =	swait.ge [sflag:s5], $0x800  }
0xd6: {  	s23 =	simm.s32 $0x0;
	[sflag:s5] =	ssyncset.done $0x0  }
0xd7: {  	s26 =	simm.s32 $0x4F00;
	s25 =	rddreg [dreg:$0xb];
	[sflag:s5] =	ssyncadd.s32 $0xFFFFF800  }
0xd8: {  	[tilespmem:s26], [sflag:$0x6] =	stream.linear.gather [hbm4b:s25+s23], $0x40, $0x38;
	[tilespmem:$0x1EE00] =	vst v63  }
0xd9: {  	_ =	swait.ge [sflag:s5], $0x40  }
0xda: {  	[sflag:s5] =	ssyncset.done $0x0  }
0xdb: {  	s29 =	simm.s32 $0x4F80;
	s28 =	rddreg [dreg:$0xc];
	[sflag:s5] =	ssyncadd.s32 $0xFFFFFFC0  }
0xdc: {  	[tilespmem:s29], [sflag:$0x6] =	stream.linear.gather [hbm4b:s28+s23], $0x40, $0x38;
	[tilespmem:$0x1EE00] =	vst v63  }
0xdd: {  	_ =	swait.ge [sflag:s5], $0x40  }
0xde: {  	[sflag:s5] =	ssyncset.done $0x0  }
0xdf: {  	s31 =	simm.s32 $0x5000;
	s30 =	rddreg [dreg:$0xd];
	[sflag:s5] =	ssyncadd.s32 $0xFFFFFFC0  }
0xe0: {  	[tilespmem:s31], [sflag:$0x6] =	stream.linear.gather [hbm4b:s30+s23], $0x40, $0x38;
	[tilespmem:$0x1EE00] =	vst v63  }
0xe1: {  	_ =	swait.ge [sflag:s5], $0x40  }
0xe2: {  	[sflag:s5] =	ssyncset.done $0x0  }
0xe3: {  	s25 =	simm.s32 $0x5400;
	[sflag:s5] =	ssyncadd.s32 $0xFFFFFFC0  }
0xe4: {  	[tilespmem:s25], [sflag:$0x3] =	stream.indirect.gather [hbm4b:s1+s15], $0x80, s26, s15, $0xb8;
	[tilespmem:$0x1EE00] =	vst v63  }
0xe5: {  	s26 =	rddreg [dreg:$0xe]  }
0xe6: {  	[tilespmem:s16], [sflag:$0x2] =	stream.linear.gather [hbm4b:s26+s23], $0x40, $0x38;
	[tilespmem:$0x1EE00] =	vst v63  }
0xe7: {  	s29 =	simm.s32 $0x5200;
	s28 =	rddreg [dreg:$0x10]  }
0xe8: {  	[tilespmem:s29], [sflag:$0x2] =	stream.linear.gather [hbm4b:s28+s23], $0x40, $0x38;
	[tilespmem:$0x1EE00] =	vst v63  }
0xe9: {  	s31 =	simm.s32 $0x5280;
	s30 =	rddreg [dreg:$0x11]  }
0xea: {  	[tilespmem:s31], [sflag:$0x2] =	stream.linear.gather [hbm4b:s30+s23], $0x40, $0x38;
	[tilespmem:$0x1EE00] =	vst v63  }
.LBB2_4:
0xeb: {  	_ =	swait.ge [sflag:s12], $0x40  }
0xec: {  	[sflag:s12] =	ssyncset.done $0x0  }
0xed: {  	[sflag:s12] =	ssyncadd.s32 $0xFFFFFFC0  }
0xee: {  	_ =	swait.ge [sflag:s12], $0x40  }
0xef: {  	[sflag:s12] =	ssyncset.done $0x0  }
0xf0: {  	[sflag:s12] =	ssyncadd.s32 $0xFFFFFFC0  }
0xf1: {  	_ =	swait.ge [sflag:s12], $0x40  }
0xf2: {  	[sflag:s12] =	ssyncset.done $0x0  }
0xf3: {  	[sflag:s12] =	ssyncadd.s32 $0xFFFFFFC0  }
0xf4: {  	[tilespmem:s17], [sflag:$0x4] =	stream.indirect.gather [hbm4b:s1+s15], $0x80, s16, s15, $0xb8;
	[tilespmem:$0x1EE00] =	vst v63  }
0xf5: {  	v0 =	vld [tilespmem:$0x4F00];
	_ =	sdelay $0x4  }
0xf6: {  	v1 =	vld [tilespmem:$0x4F80];
	_ =	sdelay $0x2  }
0xf7: {  	v0 =	vld.idx.msk [tilespmem:v0+s4+$0x0], $0xffff;
	_ =	sdelay $0x4  }
0xf8: {  	[tilespmem:v1+s0+$0x0] =	vst.idx.add.f32.msk $0xffff, v0  }
0xf9: {  	v0 =	vld [tilespmem:$0x4F10];
	_ =	sdelay $0x4  }
0xfa: {  	v1 =	vld [tilespmem:$0x4F90];
	_ =	sdelay $0x2  }
0xfb: {  	v0 =	vld.idx.msk [tilespmem:v0+s4+$0x0], $0xffff;
	_ =	sdelay $0x4  }
0xfc: {  	[tilespmem:v1+s0+$0x0] =	vst.idx.add.f32.msk $0xffff, v0  }
0xfd: {  	v0 =	vld [tilespmem:$0x4F20];
	_ =	sdelay $0x4  }
0xfe: {  	v1 =	vld [tilespmem:$0x4FA0];
	_ =	sdelay $0x2  }
0xff: {  	v0 =	vld.idx.msk [tilespmem:v0+s4+$0x0], $0xffff;
	_ =	sdelay $0x4  }
0x100: {  	[tilespmem:v1+s0+$0x0] =	vst.idx.add.f32.msk $0xffff, v0  }
0x101: {  	v0 =	vld [tilespmem:$0x4F30];
	_ =	sdelay $0x4  }
0x102: {  	v1 =	vld [tilespmem:$0x4FB0];
	_ =	sdelay $0x2  }
0x103: {  	v0 =	vld.idx.msk [tilespmem:v0+s4+$0x0], $0xffff;
	_ =	sdelay $0x4  }
0x104: {  	[tilespmem:v1+s0+$0x0] =	vst.idx.add.f32.msk $0xffff, v0  }
0x105: {  	_ =	swait.ge [sflag:s6], $0x2000  }
0x106: {  	[sflag:s6] =	ssyncset.done $0x0  }
0x107: {  	[sflag:s6] =	ssyncadd.s32 $0xFFFFE000  }
0x108: {  	v0 =	vld [tilespmem:$0x4F80]  }
0x109: {  	v1 =	vld [tilespmem:$0x4F90]  }
0x10a: {  	v2 =	vld [tilespmem:$0x4FA0]  }
0x10b: {  	v3 =	vld [tilespmem:$0x4FB0]  }
0x10c: {  	v4 =	vld [tilespmem:$0x5000]  }
0x10d: {  	[tilespmem:$0x5080] =	vst v0;
	v0 =	vld [tilespmem:$0x5010]  }
0x10e: {  	[tilespmem:$0x5090] =	vst v1;
	v1 =	vld [tilespmem:$0x5020]  }
0x10f: {  	[tilespmem:$0x50A0] =	vst v2;
	v2 =	vld [tilespmem:$0x5030]  }
0x110: {  	s22 =	sshll.u32 s23, $0x7;
	[tilespmem:$0x50B0] =	vst v3  }
0x111: {  	p2 =	seq.s32 s23, $0x4D;
	s22 =	sadd.s32 s11, s22;
	[tilespmem:$0x5100] =	vst v4  }
0x112: {  	s24 =	sshrl.u32 @!p2 s22, $0x3;
	[tilespmem:$0x5110] =	vst v0  }
0x113: {  	s22 =	sadd.s32 @!p2 $0x10, s24;
	[tilespmem:$0x5120] =	vst v1  }
0x114: {  	s26 =	simm.s32 @!p2 $0x0;
	s28 =	simm.s32 @!p2 $0x4F00;
	s25 =	sadd.s32 @!p2 s7, s22;
	[tilespmem:$0x5130] =	vst v2  }
0x115: {  	[tilespmem:s28], [sflag:$0x1] =	stream.linear.gather @!p2 [hbm4b:s25+s26], $0x40, $0x38;
	[tilespmem:$0x1EE00] =	vst v63  }
0x116: {  	s25 =	sadd.s32 @!p2 s8, s22;
	s28 =	simm.s32 @!p2 $0x4F80  }
0x117: {  	[tilespmem:s28], [sflag:$0x1] =	stream.linear.gather @!p2 [hbm4b:s25+s26], $0x40, $0x38;
	[tilespmem:$0x1EE00] =	vst v63  }
0x118: {  	s22 =	sadd.s32 @!p2 s2, s22;
	s25 =	simm.s32 @!p2 $0x5000  }
0x119: {  	[tilespmem:s25], [sflag:$0x1] =	stream.linear.gather @!p2 [hbm4b:s22+s26], $0x40, $0x38;
	[tilespmem:$0x1EE00] =	vst v63  }
0x11a: {  	s25 =	simm.s32 $0x0  }
0x11b: {  	v0 =	vmov s25  }
0x11c: {  	v0 =	vand.u32 $0xFFFFFFFE, v0  }
0x11d: {  	p3 =	seq.s32 @!p2 s23, $0x0;
	v0 =	vbroadcast v0, $0x0  }
0x11e: {  	p3 =	por p2, !p3  }
0x11f: {  	_ =	swait.ge @p3 [sflag:s19], $0x2000  }
0x120: {  	[sflag:s19] =	ssyncset.done @p3 $0x0  }
0x121: {  	s22 =	simm.s32 $0x5480;
	[sflag:s19] =	ssyncadd.s32 @p3 $0xFFFFE000  }
0x122: {  	s26 =	simm.s32 $0x1;
	v1 =	vld [tilespmem:s22+$0xFFFFFF80]  }
0x123: {  	v2 =	vmov s26;
	v4 =	vld.idx.msk [tilespmem:v0+s13+$0x0], $0xffff  }
0x124: {  	v0 =	vld [tilespmem:s22+$0xFFFFFFC0];
	_ =	sdelay $0x2  }
0x125: {  	v3 =	vld [tilespmem:s22+$0x0];
	v5 =	vshll.u32 v1, $0x10  }
0x126: {  	v2 =	vld.idx.msk [tilespmem:v2+s13+$0x0], $0xffff;
	v1 =	vand.u32 $0xFFFF0000, v1;
	v5 =	vmul.f32 v5, v4  }
0x127: {  	v6 =	vld [tilespmem:s22+$0x40];
	v7 =	vshll.u32 v0, $0x10;
	v1 =	vmul.f32 v1, v4  }
0x128: {  	v0 =	vand.u32 $0xFFFF0000, v0;
	v5 =	vadd.f32 v7, v5  }
0x129: {  	s25 =	simm.s32 $0x9480;
	v0 =	vadd.f32 v0, v1  }
0x12a: {  	v1 =	vshll.u32 v3, $0x10;
	[tilespmem:s25+$0xFFFFFF80] =	vst v5  }
0x12b: {  	v1 =	vmul.f32 v1, v2;
	[tilespmem:s25+$0xFFFFFF90] =	vst v0;
	v0 =	vand.u32 $0xFFFF0000, v3  }
0x12c: {  	v5 =	vshll.u32 v6, $0x10;
	v3 =	vld [tilespmem:s22+$0xFFFFFF90];
	v0 =	vmul.f32 v0, v2  }
0x12d: {  	s31 =	simm.s32 $0x2;
	v6 =	vand.u32 $0xFFFF0000, v6;
	v1 =	vadd.f32 v5, v1  }
0x12e: {  	v5 =	vld [tilespmem:s22+$0xFFFFFFD0];
	v0 =	vadd.f32 v6, v0;
	v6 =	vmov s31  }
0x12f: {  	[tilespmem:s25+$0x0] =	vst v1;
	v1 =	vand.u32 $0xFFFFFFFE, v6  }
0x130: {  	[tilespmem:s25+$0x10] =	vst v0;
	v0 =	vbroadcast v1, $0x0  }
0x131: {  	v1 =	vshll.u32 v3, $0x10;
	v6 =	vld [tilespmem:s22+$0x10]  }
0x132: {  	v3 =	vand.u32 $0xFFFF0000, v3;
	v1 =	vmul.f32 v1, v4  }
0x133: {  	s28 =	simm.s32 $0x5580;
	v7 =	vld [tilespmem:s22+$0x50];
	v8 =	vshll.u32 v5, $0x10;
	v3 =	vmul.f32 v3, v4  }
0x134: {  	v11 =	vld [tilespmem:s28+$0x0];
	s31 =	simm.s32 $0x3;
	v5 =	vand.u32 $0xFFFF0000, v5;
	v1 =	vadd.f32 v8, v1  }
0x135: {  	v3 =	vadd.f32 v5, v3;
	v5 =	vld [tilespmem:s28+$0xFFFFFF80];
	v8 =	vmov s31  }
0x136: {  	[tilespmem:s25+$0xFFFFFFA0] =	vst v1;
	v9 =	vshll.u32 v6, $0x10;
	v1 =	vld.idx.msk [tilespmem:v0+s13+$0x0], $0xffff  }
0x137: {  	v0 =	vand.u32 $0xFFFF0000, v6;
	[tilespmem:s25+$0xFFFFFFB0] =	vst v3;
	v6 =	vld [tilespmem:s28+$0xFFFFFFC0];
	v3 =	vmul.f32 v9, v2  }
0x138: {  	v9 =	vshll.u32 v7, $0x10;
	v0 =	vmul.f32 v0, v2;
	v10 =	vld [tilespmem:s22+$0xFFFFFFA0]  }
0x139: {  	v7 =	vand.u32 $0xFFFF0000, v7;
	v3 =	vadd.f32 v9, v3;
	v9 =	vld [tilespmem:s22+$0xFFFFFFE0]  }
0x13a: {  	v7 =	vadd.f32 v7, v0;
	v12 =	vshll.u32 v5, $0x10;
	v0 =	vld.idx.msk [tilespmem:v8+s13+$0x0], $0xffff  }
0x13b: {  	v8 =	vld [tilespmem:s28+$0x40];
	[tilespmem:s25+$0x20] =	vst v3;
	v3 =	vand.u32 $0xFFFF0000, v5;
	v5 =	vmul.f32 v12, v1  }
0x13c: {  	[tilespmem:s25+$0x30] =	vst v7;
	v7 =	vshll.u32 v6, $0x10;
	v3 =	vmul.f32 v3, v1  }
0x13d: {  	v6 =	vand.u32 $0xFFFF0000, v6;
	v13 =	vshll.u32 v10, $0x10;
	v5 =	vadd.f32 v7, v5  }
0x13e: {  	v12 =	vld [tilespmem:s22+$0x20];
	v7 =	vand.u32 $0xFFFF0000, v10;
	v10 =	vmul.f32 v13, v4;
	v3 =	vadd.f32 v6, v3  }
0x13f: {  	s26 =	simm.s32 $0x9580;
	v6 =	vshll.u32 v9, $0x10;
	v7 =	vmul.f32 v7, v4;
	v9 =	vand.u32 $0xFFFF0000, v9  }
0x140: {  	v13 =	vld [tilespmem:s22+$0x60];
	[tilespmem:s26+$0xFFFFFF80] =	vst v5;
	v5 =	vshll.u32 v11, $0x10;
	v6 =	vadd.f32 v6, v10;
	v10 =	vshll.u32 v8, $0x10  }
0x141: {  	s29 =	simm.s32 $0x4;
	[tilespmem:s26+$0xFFFFFF90] =	vst v3;
	v3 =	vand.u32 $0xFFFF0000, v11;
	v5 =	vmul.f32 v5, v0;
	v7 =	vadd.f32 v9, v7  }
0x142: {  	v8 =	vand.u32 $0xFFFF0000, v8;
	v11 =	vmov s29;
	v9 =	vld [tilespmem:s28+$0xFFFFFF90];
	v3 =	vmul.f32 v3, v0;
	[tilespmem:s25+$0xFFFFFFC0] =	vst v6  }
0x143: {  	v6 =	vshll.u32 v12, $0x10;
	v5 =	vadd.f32 v10, v5;
	v10 =	vld [tilespmem:s28+$0xFFFFFFD0];
	[tilespmem:s25+$0xFFFFFFD0] =	vst v7;
	v7 =	vand.u32 $0xFFFF0000, v12  }
0x144: {  	v6 =	vmul.f32 v6, v2;
	v3 =	vadd.f32 v8, v3;
	v8 =	vld [tilespmem:s22+$0xFFFFFFB0];
	v7 =	vmul.f32 v7, v2  }
0x145: {  	v11 =	vand.u32 $0xFFFFFFFE, v11;
	v12 =	vand.u32 $0xFFFF0000, v13;
	[tilespmem:s26+$0x0] =	vst v5;
	v5 =	vshll.u32 v13, $0x10  }
0x146: {  	s29 =	simm.s32 $0x5;
	v13 =	vld [tilespmem:s22+$0xFFFFFFF0];
	[tilespmem:s26+$0x10] =	vst v3;
	v3 =	vadd.f32 v5, v6;
	v5 =	vadd.f32 v12, v7;
	v6 =	vbroadcast v11, $0x0  }
0x147: {  	v12 =	vmov s29;
	v7 =	vshll.u32 v9, $0x10;
	v11 =	vld [tilespmem:s28+$0x10];
	v9 =	vand.u32 $0xFFFF0000, v9  }
0x148: {  	s29 =	simm.s32 $0x5680;
	v14 =	vld [tilespmem:s28+$0x50];
	v7 =	vmul.f32 v7, v1;
	[tilespmem:s25+$0x40] =	vst v3;
	v3 =	vshll.u32 v10, $0x10;
	v9 =	vmul.f32 v9, v1  }
0x149: {  	v16 =	vld [tilespmem:s29+$0xFFFFFF80];
	[tilespmem:s25+$0x50] =	vst v5;
	v10 =	vand.u32 $0xFFFF0000, v10;
	v5 =	vand.u32 $0xFFFF0000, v8;
	v8 =	vshll.u32 v8, $0x10  }
0x14a: {  	v3 =	vadd.f32 v3, v7;
	v7 =	vld [tilespmem:s22+$0x30];
	v5 =	vmul.f32 v5, v4;
	v9 =	vadd.f32 v10, v9  }
0x14b: {  	v10 =	vld [tilespmem:s22+$0x70];
	v15 =	vand.u32 $0xFFFF0000, v13;
	v13 =	vshll.u32 v13, $0x10;
	v4 =	vmul.f32 v8, v4  }
0x14c: {  	[tilespmem:s26+$0xFFFFFFA0] =	vst v3;
	v17 =	vshll.u32 v11, $0x10;
	v11 =	vand.u32 $0xFFFF0000, v11;
	v5 =	vadd.f32 v15, v5;
	v3 =	vld.idx.msk [tilespmem:v6+s13+$0x0], $0xffff  }
0x14d: {  	[tilespmem:s26+$0xFFFFFFB0] =	vst v9;
	v9 =	vshll.u32 v14, $0x10;
	v15 =	vld [tilespmem:s29+$0xFFFFFFC0];
	v6 =	vmul.f32 v17, v0;
	v11 =	vmul.f32 v11, v0  }
0x14e: {  	v14 =	vand.u32 $0xFFFF0000, v14;
	v4 =	vadd.f32 v13, v4;
	v13 =	vshll.u32 v16, $0x10;
	v8 =	vld [tilespmem:s28+$0xFFFFFFA0]  }
0x14f: {  	v6 =	vadd.f32 v9, v6;
	v9 =	vadd.f32 v14, v11;
	v11 =	vshll.u32 v7, $0x10  }
0x150: {  	v17 =	vld [tilespmem:s28+$0xFFFFFFE0];
	v7 =	vand.u32 $0xFFFF0000, v7;
	v14 =	vshll.u32 v10, $0x10;
	v11 =	vmul.f32 v11, v2  }
0x151: {  	s31 =	simm.s32 $0x7;
	v18 =	vld [tilespmem:s29+$0x0];
	v10 =	vand.u32 $0xFFFF0000, v10;
	v19 =	vmul.f32 v7, v2;
	v7 =	vmul.f32 v13, v3  }
0x152: {  	v2 =	vld.idx.msk [tilespmem:v12+s13+$0x0], $0xffff;
	[tilespmem:s26+$0x20] =	vst v6;
	v13 =	vmov s31;
	v6 =	vand.u32 $0xFFFF0000, v16;
	v12 =	vshll.u32 v15, $0x10  }
0x153: {  	v16 =	vld [tilespmem:s29+$0x40];
	[tilespmem:s26+$0x30] =	vst v9;
	v15 =	vand.u32 $0xFFFF0000, v15;
	v6 =	vmul.f32 v6, v3;
	v9 =	vshll.u32 v8, $0x10  }
0x154: {  	v8 =	vand.u32 $0xFFFF0000, v8;
	v7 =	vadd.f32 v12, v7;
	v12 =	vld [tilespmem:s28+$0x20];
	v9 =	vmul.f32 v9, v1  }
0x155: {  	s30 =	simm.s32 $0x9680;
	[tilespmem:s25+$0xFFFFFFF0] =	vst v5;
	v8 =	vmul.f32 v8, v1;
	v5 =	vadd.f32 v15, v6;
	v6 =	vshll.u32 v17, $0x10  }
0x156: {  	v15 =	vand.u32 $0xFFFF0000, v17;
	[tilespmem:s30+$0xFFFFFF80] =	vst v7;
	v7 =	vld [tilespmem:s28+$0x60];
	v6 =	vadd.f32 v6, v9;
	v9 =	vshll.u32 v18, $0x10  }
0x157: {  	v8 =	vadd.f32 v15, v8;
	[tilespmem:s30+$0xFFFFFF90] =	vst v5;
	v5 =	vand.u32 $0xFFFF0000, v18;
	v17 =	vmul.f32 v9, v2  }
0x158: {  	v11 =	vadd.f32 v14, v11;
	v15 =	vshll.u32 v16, $0x10;
	v14 =	vld [tilespmem:s29+$0xFFFFFF90];
	v5 =	vmul.f32 v5, v2;
	[tilespmem:s26+$0xFFFFFFC0] =	vst v6  }
0x159: {  	v6 =	vand.u32 $0xFFFF0000, v16;
	v9 =	vld [tilespmem:s29+$0xFFFFFFD0];
	[tilespmem:s26+$0xFFFFFFD0] =	vst v8;
	v15 =	vadd.f32 v15, v17;
	v16 =	vshll.u32 v12, $0x10  }
0x15a: {  	[tilespmem:s25+$0xFFFFFFE0] =	vst v4;
	s31 =	simm.s32 $0x6;
	v4 =	vand.u32 $0xFFFF0000, v12;
	v8 =	vld [tilespmem:s28+$0xFFFFFFB0];
	v5 =	vadd.f32 v6, v5;
	v6 =	vmul.f32 v16, v0  }
0x15b: {  	v12 =	vmov s31;
	v4 =	vmul.f32 v4, v0;
	[tilespmem:s30+$0x0] =	vst v15;
	v15 =	vshll.u32 v7, $0x10  }
0x15c: {  	v12 =	vand.u32 $0xFFFFFFFE, v12;
	v16 =	vand.u32 $0xFFFF0000, v7;
	v7 =	vld [tilespmem:s28+$0xFFFFFFF0];
	[tilespmem:s30+$0x10] =	vst v5;
	v15 =	vadd.f32 v15, v6  }
0x15d: {  	[tilespmem:s25+$0x60] =	vst v11;
	v16 =	vadd.f32 v16, v4;
	v5 =	vbroadcast v12, $0x0;
	v4 =	vshll.u32 v14, $0x10;
	v11 =	vld [tilespmem:s29+$0x10]  }
0x15e: {  	v6 =	vadd.f32 v10, v19;
	v17 =	vand.u32 $0xFFFF0000, v14;
	v10 =	vld [tilespmem:s29+$0x50];
	v12 =	vmul.f32 v4, v3;
	[tilespmem:s26+$0x40] =	vst v15  }
0x15f: {  	s22 =	simm.s32 $0x8;
	v14 =	vshll.u32 v9, $0x10;
	v4 =	vld.idx.msk [tilespmem:v13+s13+$0x0], $0xffff;
	v13 =	vmul.f32 v17, v3;
	v15 =	vand.u32 $0xFFFF0000, v8;
	[tilespmem:s26+$0x50] =	vst v16  }
.LBB2_5:
0x160: {  	p3 =	slt.u32 s22, $0x3E;
	v9 =	vand.u32 $0xFFFF0000, v9;
	v12 =	vadd.f32 v14, v12;
	v14 =	vmul.f32 v15, v1;
	v15 =	vld [tilespmem:s28+$0x30];
	[tilespmem:s25+$0x70] =	vst v6;
	s25 =	smov.u32 s26;
	s26 =	smov.u32 s30  }
0x161: {  	v8 =	vshll.u32 v8, $0x10;
	v6 =	vadd.f32 v9, v13;
	v9 =	vand.u32 $0xFFFF0000, v7;
	v13 =	vld [tilespmem:s28+$0x70];
	s28 =	smov.u32 s29;
	s29 =	sadd.s32 $0x100, s29  }
0x162: {  	v16 =	vld [tilespmem:s29+$0xFFFFFF80];
	[tilespmem:s30+$0xFFFFFFA0] =	vst v12;
	v12 =	vshll.u32 v11, $0x10;
	v11 =	vand.u32 $0xFFFF0000, v11;
	v9 =	vadd.f32 v9, v14  }
0x163: {  	v5 =	vld.idx.msk [tilespmem:v5+s13+$0x0], $0xffff;
	[tilespmem:s30+$0xFFFFFFB0] =	vst v6;
	v6 =	vshll.u32 v10, $0x10;
	v12 =	vmul.f32 v12, v2;
	v11 =	vmul.f32 v11, v2  }
0x164: {  	v7 =	vshll.u32 v7, $0x10;
	v8 =	vmul.f32 v8, v1;
	v1 =	vmovc v3;
	v10 =	vand.u32 $0xFFFF0000, v10;
	v14 =	vld [tilespmem:s29+$0xFFFFFFC0];
	[tilespmem:s25+$0xFFFFFFF0] =	vst v9  }
0x165: {  	v9 =	vld [tilespmem:s28+$0xFFFFFFA0];
	v3 =	vadd.f32 v6, v12;
	v6 =	vadd.f32 v10, v11;
	v10 =	vshll.u32 v15, $0x10  }
0x166: {  	v12 =	vand.u32 $0xFFFF0000, v15;
	v11 =	vld [tilespmem:s29+$0x0];
	v15 =	vshll.u32 v13, $0x10;
	v10 =	vmul.f32 v10, v0  }
0x167: {  	s31 =	sadd.s32 $0x1, s22;
	v19 =	vadd.f32 v7, v8;
	v13 =	vand.u32 $0xFFFF0000, v13;
	v12 =	vmul.f32 v12, v0;
	v0 =	vmovc v2;
	v17 =	vld [tilespmem:s28+$0xFFFFFFE0];
	[tilespmem:s30+$0x20] =	vst v3  }
0x168: {  	v18 =	vmov s31;
	v2 =	vmovc v4;
	v7 =	vshll.u32 v16, $0x10;
	v8 =	vld [tilespmem:s29+$0x40];
	[tilespmem:s30+$0x30] =	vst v6;
	v6 =	vadd.f32 v15, v10  }
0x169: {  	v4 =	vand.u32 $0xFFFF0000, v16;
	v7 =	vmul.f32 v7, v5;
	v10 =	vshll.u32 v14, $0x10;
	v15 =	vld [tilespmem:s28+$0x20];
	[tilespmem:s25+$0xFFFFFFE0] =	vst v19;
	v3 =	vmovc v5  }
0x16a: {  	v5 =	vand.u32 $0xFFFF0000, v14;
	v4 =	vmul.f32 v4, v3;
	v14 =	vshll.u32 v9, $0x10;
	v16 =	vld [tilespmem:s28+$0x60];
	[tilespmem:s25+$0x60] =	vst v6  }
0x16b: {  	v6 =	vadd.f32 v10, v7;
	v7 =	vand.u32 $0xFFFF0000, v9;
	v9 =	vmul.f32 v14, v1  }
0x16c: {  	s30 =	sadd.s32 $0x100, s30;
	v7 =	vmul.f32 v7, v1;
	v4 =	vadd.f32 v5, v4;
	v5 =	vshll.u32 v17, $0x10  }
0x16d: {  	v10 =	vand.u32 $0xFFFF0000, v17;
	[tilespmem:s30+$0xFFFFFF80] =	vst v6;
	v6 =	vshll.u32 v11, $0x10;
	v5 =	vadd.f32 v5, v9  }
0x16e: {  	v7 =	vadd.f32 v10, v7;
	[tilespmem:s30+$0xFFFFFF90] =	vst v4;
	v4 =	vand.u32 $0xFFFF0000, v11;
	v6 =	vmul.f32 v6, v2  }
0x16f: {  	v11 =	vshll.u32 v8, $0x10;
	v8 =	vand.u32 $0xFFFF0000, v8;
	v10 =	vld [tilespmem:s29+$0xFFFFFF90];
	v4 =	vmul.f32 v4, v2;
	[tilespmem:s26+$0xFFFFFFC0] =	vst v5  }
0x170: {  	v9 =	vld [tilespmem:s29+$0xFFFFFFD0];
	v5 =	vadd.f32 v11, v6;
	[tilespmem:s26+$0xFFFFFFD0] =	vst v7;
	v6 =	vshll.u32 v15, $0x10;
	v7 =	vand.u32 $0xFFFF0000, v15  }
0x171: {  	v4 =	vadd.f32 v8, v4;
	v8 =	vld [tilespmem:s28+$0xFFFFFFB0];
	v6 =	vmul.f32 v6, v0;
	v11 =	vmul.f32 v7, v0  }
.Ltmp1:
0x172: {  	v14 =	vand.u32 $0xFFFF0000, v16;
	v7 =	vmov s22;
	[tilespmem:s30+$0x0] =	vst v5;
	v5 =	vshll.u32 v16, $0x10;
	(pc) =	sbr.rel @p3 .LBB2_5-.Ltmp1, $4  }
0x173: {  	v15 =	vand.u32 $0xFFFFFFFE, v7;
	[tilespmem:s30+$0x10] =	vst v4;
	v7 =	vld [tilespmem:s28+$0xFFFFFFF0];
	v4 =	vadd.f32 v5, v6;
	v16 =	vadd.f32 v14, v11  }
0x174: {  	v5 =	vbroadcast v15, $0x0;
	v6 =	vadd.f32 v13, v12;
	v14 =	vshll.u32 v10, $0x10;
	v11 =	vld [tilespmem:s29+$0x10]  }
0x175: {  	v13 =	vand.u32 $0xFFFF0000, v10;
	v12 =	vmul.f32 v14, v3;
	v10 =	vld [tilespmem:s29+$0x50];
	[tilespmem:s26+$0x40] =	vst v4  }
0x176: {  	s22 =	sadd.s32 $0x2, s22;
	v14 =	vshll.u32 v9, $0x10;
	v13 =	vmul.f32 v13, v3;
	v4 =	vld.idx.msk [tilespmem:v18+s13+$0x0], $0xffff;
	v15 =	vand.u32 $0xFFFF0000, v8;
	[tilespmem:s26+$0x50] =	vst v16  }
0x177: {  	_ =	sdelay $0x1  }
0x178: {  	s22 =	sadd.s32 $0x100, s29  }
0x179: {  	v16 =	vld [tilespmem:s22+$0xFFFFFF80]  }
0x17a: {  	v5 =	vld.idx.msk [tilespmem:v5+s13+$0x0], $0xffff  }
0x17b: {  	v17 =	vld [tilespmem:s22+$0xFFFFFFC0]  }
0x17c: {  	v18 =	vld [tilespmem:s22+$0x0];
	_ =	sdelay $0x1  }
0x17d: {  	v20 =	vld [tilespmem:s22+$0x40];
	v19 =	vshll.u32 v16, $0x10  }
0x17e: {  	v16 =	vand.u32 $0xFFFF0000, v16;
	v19 =	vmul.f32 v19, v5  }
0x17f: {  	v21 =	vshll.u32 v17, $0x10;
	v16 =	vmul.f32 v16, v5  }
0x180: {  	v17 =	vand.u32 $0xFFFF0000, v17;
	v49 =	vshll.u32 v18, $0x10;
	v19 =	vadd.f32 v21, v19  }
0x181: {  	s31 =	sadd.s32 $0x100, s30;
	v50 =	vmul.f32 v49, v4;
	v16 =	vadd.f32 v17, v16;
	v17 =	vand.u32 $0xFFFF0000, v18  }
0x182: {  	v12 =	vadd.f32 v14, v12;
	v51 =	vshll.u32 v20, $0x10;
	v17 =	vmul.f32 v17, v4;
	[tilespmem:s31+$0xFFFFFF80] =	vst v19  }
0x183: {  	v18 =	vadd.f32 v51, v50;
	[tilespmem:s31+$0xFFFFFF90] =	vst v16;
	v16 =	vand.u32 $0xFFFF0000, v20  }
0x184: {  	v9 =	vand.u32 $0xFFFF0000, v9;
	[tilespmem:s30+$0xFFFFFFA0] =	vst v12;
	v52 =	vld [tilespmem:s22+$0xFFFFFF90];
	v16 =	vadd.f32 v16, v17  }
0x185: {  	v14 =	vmul.f32 v15, v1;
	v9 =	vadd.f32 v9, v13;
	[tilespmem:s31+$0x0] =	vst v18  }
0x186: {  	v8 =	vshll.u32 v8, $0x10;
	v13 =	vand.u32 $0xFFFF0000, v7;
	v15 =	vshll.u32 v11, $0x10;
	v17 =	vld [tilespmem:s22+$0xFFFFFFD0];
	[tilespmem:s31+$0x10] =	vst v16  }
0x187: {  	v11 =	vand.u32 $0xFFFF0000, v11;
	v13 =	vadd.f32 v13, v14;
	v14 =	vmul.f32 v15, v2;
	[tilespmem:s30+$0xFFFFFFB0] =	vst v9;
	v15 =	vld [tilespmem:s22+$0x10]  }
0x188: {  	v7 =	vshll.u32 v7, $0x10;
	v12 =	vshll.u32 v10, $0x10;
	v11 =	vmul.f32 v11, v2;
	v53 =	vld [tilespmem:s29+$0xFFFFFFA0]  }
0x189: {  	v10 =	vand.u32 $0xFFFF0000, v10;
	v9 =	vadd.f32 v12, v14;
	v14 =	vld [tilespmem:s22+$0x50];
	v12 =	vshll.u32 v52, $0x10  }
0x18a: {  	v10 =	vadd.f32 v10, v11;
	v16 =	vld [tilespmem:s28+$0x30];
	v11 =	vand.u32 $0xFFFF0000, v52;
	v12 =	vmul.f32 v12, v5  }
0x18b: {  	v1 =	vmul.f32 v8, v1;
	[tilespmem:s30+$0x20] =	vst v9;
	v8 =	vshll.u32 v17, $0x10;
	v9 =	vmul.f32 v11, v5  }
0x18c: {  	[tilespmem:s30+$0x30] =	vst v10;
	v10 =	vand.u32 $0xFFFF0000, v17;
	v11 =	vld [tilespmem:s29+$0xFFFFFFE0];
	v8 =	vadd.f32 v8, v12;
	v12 =	vshll.u32 v15, $0x10  }
0x18d: {  	v17 =	vld [tilespmem:s29+$0x20];
	v9 =	vadd.f32 v10, v9;
	v10 =	vand.u32 $0xFFFF0000, v15;
	v12 =	vmul.f32 v12, v4  }
0x18e: {  	v55 =	vshll.u32 v53, $0x10;
	v10 =	vmul.f32 v10, v4;
	[tilespmem:s31+$0xFFFFFFA0] =	vst v8;
	v8 =	vshll.u32 v14, $0x10  }
0x18f: {  	v56 =	vld [tilespmem:s29+$0x60];
	v54 =	vshll.u32 v16, $0x10;
	[tilespmem:s31+$0xFFFFFFB0] =	vst v9;
	v9 =	vand.u32 $0xFFFF0000, v14;
	v8 =	vadd.f32 v8, v12  }
0x190: {  	v14 =	vmul.f32 v55, v3;
	v12 =	vand.u32 $0xFFFF0000, v53;
	v57 =	vld [tilespmem:s22+$0xFFFFFFA0];
	v9 =	vadd.f32 v9, v10  }
0x191: {  	v10 =	vand.u32 $0xFFFF0000, v16;
	v16 =	vshll.u32 v11, $0x10;
	v12 =	vmul.f32 v12, v3;
	[tilespmem:s31+$0x20] =	vst v8  }
0x192: {  	v8 =	vand.u32 $0xFFFF0000, v11;
	v11 =	vadd.f32 v16, v14;
	v14 =	vshll.u32 v17, $0x10;
	v16 =	vld [tilespmem:s22+$0xFFFFFFE0];
	[tilespmem:s31+$0x30] =	vst v9  }
0x193: {  	v1 =	vadd.f32 v7, v1;
	v8 =	vadd.f32 v8, v12;
	v12 =	vmul.f32 v14, v2;
	v14 =	vld [tilespmem:s22+$0x20]  }
0x194: {  	v21 =	vand.u32 $0xFFFF0000, v56;
	[tilespmem:s30+$0xFFFFFFC0] =	vst v11;
	v11 =	vand.u32 $0xFFFF0000, v17;
	v17 =	vshll.u32 v56, $0x10  }
0x195: {  	[tilespmem:s30+$0xFFFFFFD0] =	vst v8;
	v8 =	vmul.f32 v11, v2;
	v11 =	vadd.f32 v17, v12;
	v12 =	vshll.u32 v57, $0x10;
	v17 =	vld [tilespmem:s22+$0x60]  }
0x196: {  	v15 =	vld [tilespmem:s28+$0x70];
	v19 =	vmul.f32 v54, v0;
	v18 =	vand.u32 $0xFFFF0000, v57;
	v12 =	vmul.f32 v12, v5  }
0x197: {  	v58 =	vld [tilespmem:s29+$0xFFFFFFB0];
	v18 =	vmul.f32 v18, v5;
	v8 =	vadd.f32 v21, v8;
	v59 =	vshll.u32 v16, $0x10  }
0x198: {  	[tilespmem:s30+$0x40] =	vst v11;
	v11 =	vld [tilespmem:s29+$0xFFFFFFF0];
	v16 =	vand.u32 $0xFFFF0000, v16;
	v12 =	vadd.f32 v59, v12;
	v60 =	vshll.u32 v14, $0x10  }
0x199: {  	v14 =	vand.u32 $0xFFFF0000, v14;
	[tilespmem:s30+$0x50] =	vst v8;
	v8 =	vadd.f32 v16, v18;
	v16 =	vmul.f32 v60, v4  }
0x19a: {  	v0 =	vmul.f32 v10, v0;
	v7 =	vld [tilespmem:s29+$0x30];
	[tilespmem:s31+$0xFFFFFFC0] =	vst v12;
	v12 =	vmul.f32 v14, v4;
	v14 =	vshll.u32 v17, $0x10  }
0x19b: {  	v9 =	vshll.u32 v15, $0x10;
	v61 =	vld [tilespmem:s29+$0x70];
	[tilespmem:s31+$0xFFFFFFD0] =	vst v8;
	v8 =	vadd.f32 v14, v16;
	v16 =	vand.u32 $0xFFFF0000, v17  }
0x19c: {  	[tilespmem:s25+$0x70] =	vst v6;
	v9 =	vadd.f32 v9, v19;
	v14 =	vand.u32 $0xFFFF0000, v58;
	v10 =	vld [tilespmem:s22+$0xFFFFFFB0];
	v12 =	vadd.f32 v16, v12  }
0x19d: {  	v6 =	vmul.f32 v14, v3;
	v14 =	vand.u32 $0xFFFF0000, v15;
	v15 =	vand.u32 $0xFFFF0000, v11;
	[tilespmem:s31+$0x40] =	vst v8  }
0x19e: {  	v11 =	vshll.u32 v11, $0x10;
	v0 =	vadd.f32 v14, v0;
	v8 =	vshll.u32 v58, $0x10;
	v14 =	vld [tilespmem:s22+$0xFFFFFFF0];
	[tilespmem:s31+$0x50] =	vst v12  }
0x19f: {  	[tilespmem:s26+$0xFFFFFFE0] =	vst v1;
	v6 =	vadd.f32 v15, v6;
	v3 =	vmul.f32 v8, v3;
	v8 =	vshll.u32 v7, $0x10;
	v12 =	vld [tilespmem:s22+$0x30]  }
0x1a0: {  	[tilespmem:s26+$0x60] =	vst v9;
	v1 =	vand.u32 $0xFFFF0000, v7;
	v7 =	vshll.u32 v61, $0x10;
	v8 =	vmul.f32 v8, v2  }
0x1a1: {  	v9 =	vld [tilespmem:s22+$0x70];
	[tilespmem:s26+$0x70] =	vst v0;
	v0 =	vand.u32 $0xFFFF0000, v61;
	v1 =	vmul.f32 v1, v2;
	v2 =	vand.u32 $0xFFFF0000, v10  }
0x1a2: {  	[tilespmem:s26+$0xFFFFFFF0] =	vst v13;
	v3 =	vadd.f32 v11, v3;
	v7 =	vadd.f32 v7, v8;
	v2 =	vmul.f32 v2, v5  }
0x1a3: {  	[tilespmem:s30+$0xFFFFFFF0] =	vst v6;
	v0 =	vadd.f32 v0, v1;
	v1 =	vshll.u32 v10, $0x10;
	v6 =	vand.u32 $0xFFFF0000, v14  }
0x1a4: {  	[tilespmem:s30+$0xFFFFFFE0] =	vst v3;
	v1 =	vmul.f32 v1, v5;
	v5 =	vshll.u32 v14, $0x10;
	v3 =	vshll.u32 v12, $0x10  }
0x1a5: {  	v2 =	vadd.f32 v6, v2;
	[tilespmem:s30+$0x60] =	vst v7;
	v6 =	vand.u32 $0xFFFF0000, v12;
	v3 =	vmul.f32 v3, v4  }
0x1a6: {  	[tilespmem:s30+$0x70] =	vst v0;
	v0 =	vshll.u32 v9, $0x10;
	v1 =	vadd.f32 v5, v1;
	v4 =	vmul.f32 v6, v4  }
0x1a7: {  	[tilespmem:s31+$0xFFFFFFF0] =	vst v2;
	v2 =	vand.u32 $0xFFFF0000, v9;
	v0 =	vadd.f32 v0, v3  }
0x1a8: {  	[tilespmem:s31+$0xFFFFFFE0] =	vst v1;
	v1 =	vadd.f32 v2, v4  }
0x1a9: {  	[tilespmem:s31+$0x60] =	vst v0  }
0x1aa: {  	s22 =	simm.s32 @!p2 $0x1;
	[tilespmem:s31+$0x70] =	vst v1  }
0x1ab: {  	[spmem:s3] =	stream.indirect.scatter.add.f32 [tilespmem:s14], [sflag:$0x5], $0x80, s9, s15, $0xb8;
	[tilespmem:$0x1EE00] =	vst v63  }
0x1ac: {  	_ =	swait.ge @!p2 [sflag:s22], $0x40  }
0x1ad: {  	[sflag:s22] =	ssyncset.done @!p2 $0x0  }
0x1ae: {  	[sflag:s22] =	ssyncadd.s32 @!p2 $0xFFFFFFC0  }
0x1af: {  	_ =	swait.ge @!p2 [sflag:s22], $0x40  }
0x1b0: {  	[sflag:s22] =	ssyncset.done @!p2 $0x0  }
0x1b1: {  	[sflag:s22] =	ssyncadd.s32 @!p2 $0xFFFFFFC0  }
0x1b2: {  	_ =	swait.ge @!p2 [sflag:s22], $0x40  }
0x1b3: {  	s25 =	simm.s32 @!p2 $0x4F00;
	[sflag:s22] =	ssyncset.done @!p2 $0x0  }
0x1b4: {  	s26 =	simm.s32 @!p2 $0x5400;
	[sflag:s22] =	ssyncadd.s32 @!p2 $0xFFFFFFC0;
	s22 =	simm.s32 @!p2 $0x40  }
0x1b5: {  	[tilespmem:s26], [sflag:$0x3] =	stream.indirect.gather @!p2 [hbm4b:s1+s22], $0x80, s25, s22, $0xb8;
	[tilespmem:$0x1EE00] =	vst v63  }
0x1b6: {  	v0 =	vld [tilespmem:$0x5180];
	_ =	sdelay $0x4  }
0x1b7: {  	v1 =	vld [tilespmem:$0x5200];
	_ =	sdelay $0x2  }
0x1b8: {  	v0 =	vld.idx.msk [tilespmem:v0+s4+$0x0], $0xffff;
	_ =	sdelay $0x4  }
0x1b9: {  	[tilespmem:v1+s0+$0x0] =	vst.idx.add.f32.msk $0xffff, v0  }
0x1ba: {  	v0 =	vld [tilespmem:$0x5190];
	_ =	sdelay $0x4  }
0x1bb: {  	v1 =	vld [tilespmem:$0x5210];
	_ =	sdelay $0x2  }
0x1bc: {  	v0 =	vld.idx.msk [tilespmem:v0+s4+$0x0], $0xffff;
	_ =	sdelay $0x4  }
0x1bd: {  	[tilespmem:v1+s0+$0x0] =	vst.idx.add.f32.msk $0xffff, v0  }
0x1be: {  	v0 =	vld [tilespmem:$0x51A0];
	_ =	sdelay $0x4  }
0x1bf: {  	v1 =	vld [tilespmem:$0x5220];
	_ =	sdelay $0x2  }
0x1c0: {  	v0 =	vld.idx.msk [tilespmem:v0+s4+$0x0], $0xffff;
	_ =	sdelay $0x4  }
0x1c1: {  	[tilespmem:v1+s0+$0x0] =	vst.idx.add.f32.msk $0xffff, v0  }
0x1c2: {  	v0 =	vld [tilespmem:$0x51B0];
	_ =	sdelay $0x4  }
0x1c3: {  	v1 =	vld [tilespmem:$0x5230];
	_ =	sdelay $0x2  }
0x1c4: {  	v0 =	vld.idx.msk [tilespmem:v0+s4+$0x0], $0xffff;
	_ =	sdelay $0x4  }
0x1c5: {  	[tilespmem:v1+s0+$0x0] =	vst.idx.add.f32.msk $0xffff, v0  }
0x1c6: {  	_ =	swait.ge [sflag:s18], $0x2000  }
0x1c7: {  	[sflag:s18] =	ssyncset.done $0x0  }
0x1c8: {  	[sflag:s18] =	ssyncadd.s32 $0xFFFFE000  }
0x1c9: {  	v0 =	vld [tilespmem:$0x5200]  }
0x1ca: {  	v1 =	vld [tilespmem:$0x5210]  }
0x1cb: {  	v2 =	vld [tilespmem:$0x5220]  }
0x1cc: {  	v3 =	vld [tilespmem:$0x5230]  }
0x1cd: {  	v4 =	vld [tilespmem:$0x5280]  }
0x1ce: {  	[tilespmem:$0x5300] =	vst v0;
	v0 =	vld [tilespmem:$0x5290]  }
0x1cf: {  	[tilespmem:$0x5310] =	vst v1;
	v1 =	vld [tilespmem:$0x52A0]  }
0x1d0: {  	[tilespmem:$0x5320] =	vst v2;
	v2 =	vld [tilespmem:$0x52B0]  }
0x1d1: {  	[tilespmem:$0x5330] =	vst v3  }
0x1d2: {  	[tilespmem:$0x5380] =	vst v4  }
0x1d3: {  	[tilespmem:$0x5390] =	vst v0  }
0x1d4: {  	s31 =	simm.s32 $0x0;
	s22 =	sadd.s32 @!p2 $0x18, s24;
	[tilespmem:$0x53A0] =	vst v1  }
0x1d5: {  	s25 =	simm.s32 @!p2 $0x0;
	s26 =	simm.s32 @!p2 $0x5180;
	s24 =	sadd.s32 @!p2 s7, s22;
	[tilespmem:$0x53B0] =	vst v2  }
0x1d6: {  	[tilespmem:s26], [sflag:$0x2] =	stream.linear.gather @!p2 [hbm4b:s24+s25], $0x40, $0x38;
	[tilespmem:$0x1EE00] =	vst v63  }
0x1d7: {  	s28 =	simm.s32 @!p2 $0x5200;
	v0 =	vmov s31;
	s26 =	sadd.s32 @!p2 s8, s22  }
0x1d8: {  	v0 =	vand.u32 $0xFFFFFFFE, v0;
	[tilespmem:s28], [sflag:$0x2] =	stream.linear.gather @!p2 [hbm4b:s26+s25], $0x40, $0x38;
	[tilespmem:$0x1EE00] =	vst v63  }
0x1d9: {  	s22 =	sadd.s32 @!p2 s2, s22;
	s24 =	simm.s32 @!p2 $0x5280;
	v0 =	vbroadcast v0, $0x0  }
0x1da: {  	[tilespmem:s24], [sflag:$0x2] =	stream.linear.gather @!p2 [hbm4b:s22+s25], $0x40, $0x38;
	[tilespmem:$0x1EE00] =	vst v63  }
0x1db: {  	_ =	swait.ge [sflag:s19], $0x2000  }
0x1dc: {  	[sflag:s19] =	ssyncset.done $0x0  }
0x1dd: {  	s22 =	simm.s32 $0x7480;
	[sflag:s19] =	ssyncadd.s32 $0xFFFFE000  }
0x1de: {  	s26 =	simm.s32 $0x1;
	v1 =	vld [tilespmem:s22+$0xFFFFFF80]  }
0x1df: {  	v2 =	vmov s26;
	v4 =	vld.idx.msk [tilespmem:v0+s20+$0x0], $0xffff  }
0x1e0: {  	v0 =	vld [tilespmem:s22+$0xFFFFFFC0];
	_ =	sdelay $0x2  }
0x1e1: {  	v3 =	vld [tilespmem:s22+$0x0];
	v5 =	vshll.u32 v1, $0x10  }
0x1e2: {  	v2 =	vld.idx.msk [tilespmem:v2+s20+$0x0], $0xffff;
	v1 =	vand.u32 $0xFFFF0000, v1;
	v5 =	vmul.f32 v5, v4  }
0x1e3: {  	v6 =	vld [tilespmem:s22+$0x40];
	v7 =	vshll.u32 v0, $0x10;
	v1 =	vmul.f32 v1, v4  }
0x1e4: {  	v0 =	vand.u32 $0xFFFF0000, v0;
	v5 =	vadd.f32 v7, v5  }
0x1e5: {  	s24 =	simm.s32 $0x9480;
	v0 =	vadd.f32 v0, v1  }
0x1e6: {  	v1 =	vshll.u32 v3, $0x10;
	[tilespmem:s24+$0xFFFFFF80] =	vst v5  }
0x1e7: {  	v1 =	vmul.f32 v1, v2;
	[tilespmem:s24+$0xFFFFFF90] =	vst v0;
	v0 =	vand.u32 $0xFFFF0000, v3  }
0x1e8: {  	v5 =	vshll.u32 v6, $0x10;
	v3 =	vld [tilespmem:s22+$0xFFFFFF90];
	v0 =	vmul.f32 v0, v2  }
0x1e9: {  	s30 =	simm.s32 $0x2;
	v6 =	vand.u32 $0xFFFF0000, v6;
	v1 =	vadd.f32 v5, v1  }
0x1ea: {  	v5 =	vld [tilespmem:s22+$0xFFFFFFD0];
	v0 =	vadd.f32 v6, v0;
	v6 =	vmov s30  }
0x1eb: {  	[tilespmem:s24+$0x0] =	vst v1;
	v1 =	vand.u32 $0xFFFFFFFE, v6  }
0x1ec: {  	[tilespmem:s24+$0x10] =	vst v0;
	v0 =	vbroadcast v1, $0x0  }
0x1ed: {  	v1 =	vshll.u32 v3, $0x10;
	v6 =	vld [tilespmem:s22+$0x10]  }
0x1ee: {  	v3 =	vand.u32 $0xFFFF0000, v3;
	v1 =	vmul.f32 v1, v4  }
0x1ef: {  	s26 =	simm.s32 $0x7580;
	v7 =	vld [tilespmem:s22+$0x50];
	v8 =	vshll.u32 v5, $0x10;
	v3 =	vmul.f32 v3, v4  }
0x1f0: {  	s31 =	simm.s32 $0x3;
	v11 =	vld [tilespmem:s26+$0x0];
	v5 =	vand.u32 $0xFFFF0000, v5;
	v1 =	vadd.f32 v8, v1  }
0x1f1: {  	v3 =	vadd.f32 v5, v3;
	v5 =	vld [tilespmem:s26+$0xFFFFFF80];
	v8 =	vmov s31  }
0x1f2: {  	[tilespmem:s24+$0xFFFFFFA0] =	vst v1;
	v9 =	vshll.u32 v6, $0x10;
	v1 =	vld.idx.msk [tilespmem:v0+s20+$0x0], $0xffff  }
0x1f3: {  	v0 =	vand.u32 $0xFFFF0000, v6;
	[tilespmem:s24+$0xFFFFFFB0] =	vst v3;
	v6 =	vld [tilespmem:s26+$0xFFFFFFC0];
	v3 =	vmul.f32 v9, v2  }
0x1f4: {  	v9 =	vshll.u32 v7, $0x10;
	v0 =	vmul.f32 v0, v2;
	v10 =	vld [tilespmem:s22+$0xFFFFFFA0]  }
0x1f5: {  	v7 =	vand.u32 $0xFFFF0000, v7;
	v3 =	vadd.f32 v9, v3;
	v9 =	vld [tilespmem:s22+$0xFFFFFFE0]  }
0x1f6: {  	v7 =	vadd.f32 v7, v0;
	v12 =	vshll.u32 v5, $0x10;
	v0 =	vld.idx.msk [tilespmem:v8+s20+$0x0], $0xffff  }
0x1f7: {  	v8 =	vld [tilespmem:s26+$0x40];
	[tilespmem:s24+$0x20] =	vst v3;
	v3 =	vand.u32 $0xFFFF0000, v5;
	v5 =	vmul.f32 v12, v1  }
0x1f8: {  	[tilespmem:s24+$0x30] =	vst v7;
	v7 =	vshll.u32 v6, $0x10;
	v3 =	vmul.f32 v3, v1  }
0x1f9: {  	v6 =	vand.u32 $0xFFFF0000, v6;
	v13 =	vshll.u32 v10, $0x10;
	v5 =	vadd.f32 v7, v5  }
0x1fa: {  	v12 =	vld [tilespmem:s22+$0x20];
	v7 =	vand.u32 $0xFFFF0000, v10;
	v10 =	vmul.f32 v13, v4;
	v3 =	vadd.f32 v6, v3  }
0x1fb: {  	s25 =	simm.s32 $0x9580;
	v6 =	vshll.u32 v9, $0x10;
	v7 =	vmul.f32 v7, v4;
	v9 =	vand.u32 $0xFFFF0000, v9  }
0x1fc: {  	v13 =	vld [tilespmem:s22+$0x60];
	[tilespmem:s25+$0xFFFFFF80] =	vst v5;
	v5 =	vshll.u32 v11, $0x10;
	v6 =	vadd.f32 v6, v10;
	v10 =	vshll.u32 v8, $0x10  }
0x1fd: {  	s28 =	simm.s32 $0x4;
	[tilespmem:s25+$0xFFFFFF90] =	vst v3;
	v3 =	vand.u32 $0xFFFF0000, v11;
	v5 =	vmul.f32 v5, v0;
	v7 =	vadd.f32 v9, v7  }
0x1fe: {  	v8 =	vand.u32 $0xFFFF0000, v8;
	v11 =	vmov s28;
	v9 =	vld [tilespmem:s26+$0xFFFFFF90];
	v3 =	vmul.f32 v3, v0;
	[tilespmem:s24+$0xFFFFFFC0] =	vst v6  }
0x1ff: {  	v6 =	vshll.u32 v12, $0x10;
	v5 =	vadd.f32 v10, v5;
	v10 =	vld [tilespmem:s26+$0xFFFFFFD0];
	[tilespmem:s24+$0xFFFFFFD0] =	vst v7;
	v7 =	vand.u32 $0xFFFF0000, v12  }
0x200: {  	v6 =	vmul.f32 v6, v2;
	v3 =	vadd.f32 v8, v3;
	v8 =	vld [tilespmem:s22+$0xFFFFFFB0];
	v7 =	vmul.f32 v7, v2  }
0x201: {  	v11 =	vand.u32 $0xFFFFFFFE, v11;
	v12 =	vand.u32 $0xFFFF0000, v13;
	[tilespmem:s25+$0x0] =	vst v5;
	v5 =	vshll.u32 v13, $0x10  }
0x202: {  	s28 =	simm.s32 $0x5;
	v13 =	vld [tilespmem:s22+$0xFFFFFFF0];
	[tilespmem:s25+$0x10] =	vst v3;
	v3 =	vadd.f32 v5, v6;
	v5 =	vadd.f32 v12, v7;
	v6 =	vbroadcast v11, $0x0  }
0x203: {  	v12 =	vmov s28;
	v7 =	vshll.u32 v9, $0x10;
	v11 =	vld [tilespmem:s26+$0x10];
	v9 =	vand.u32 $0xFFFF0000, v9  }
0x204: {  	s28 =	simm.s32 $0x7680;
	v14 =	vld [tilespmem:s26+$0x50];
	v7 =	vmul.f32 v7, v1;
	[tilespmem:s24+$0x40] =	vst v3;
	v3 =	vshll.u32 v10, $0x10;
	v9 =	vmul.f32 v9, v1  }
0x205: {  	v16 =	vld [tilespmem:s28+$0xFFFFFF80];
	[tilespmem:s24+$0x50] =	vst v5;
	v10 =	vand.u32 $0xFFFF0000, v10;
	v5 =	vand.u32 $0xFFFF0000, v8;
	v8 =	vshll.u32 v8, $0x10  }
0x206: {  	v3 =	vadd.f32 v3, v7;
	v7 =	vld [tilespmem:s22+$0x30];
	v5 =	vmul.f32 v5, v4;
	v9 =	vadd.f32 v10, v9  }
0x207: {  	v10 =	vld [tilespmem:s22+$0x70];
	v15 =	vand.u32 $0xFFFF0000, v13;
	v13 =	vshll.u32 v13, $0x10;
	v4 =	vmul.f32 v8, v4  }
0x208: {  	[tilespmem:s25+$0xFFFFFFA0] =	vst v3;
	v17 =	vshll.u32 v11, $0x10;
	v11 =	vand.u32 $0xFFFF0000, v11;
	v5 =	vadd.f32 v15, v5;
	v3 =	vld.idx.msk [tilespmem:v6+s20+$0x0], $0xffff  }
0x209: {  	[tilespmem:s25+$0xFFFFFFB0] =	vst v9;
	v9 =	vshll.u32 v14, $0x10;
	v15 =	vld [tilespmem:s28+$0xFFFFFFC0];
	v6 =	vmul.f32 v17, v0;
	v11 =	vmul.f32 v11, v0  }
0x20a: {  	v14 =	vand.u32 $0xFFFF0000, v14;
	v4 =	vadd.f32 v13, v4;
	v13 =	vshll.u32 v16, $0x10;
	v8 =	vld [tilespmem:s26+$0xFFFFFFA0]  }
0x20b: {  	v6 =	vadd.f32 v9, v6;
	v9 =	vadd.f32 v14, v11;
	v11 =	vshll.u32 v7, $0x10  }
0x20c: {  	v17 =	vld [tilespmem:s26+$0xFFFFFFE0];
	v7 =	vand.u32 $0xFFFF0000, v7;
	v14 =	vshll.u32 v10, $0x10;
	v11 =	vmul.f32 v11, v2  }
0x20d: {  	s30 =	simm.s32 $0x7;
	v62 =	vld [tilespmem:s28+$0x0];
	v10 =	vand.u32 $0xFFFF0000, v10;
	v63 =	vmul.f32 v7, v2;
	v7 =	vmul.f32 v13, v3  }
0x20e: {  	v2 =	vld.idx.msk [tilespmem:v12+s20+$0x0], $0xffff;
	[tilespmem:s25+$0x20] =	vst v6;
	v13 =	vmov s30;
	v6 =	vand.u32 $0xFFFF0000, v16;
	v12 =	vshll.u32 v15, $0x10  }
0x20f: {  	v16 =	vld [tilespmem:s28+$0x40];
	[tilespmem:s25+$0x30] =	vst v9;
	v15 =	vand.u32 $0xFFFF0000, v15;
	v6 =	vmul.f32 v6, v3;
	v9 =	vshll.u32 v8, $0x10  }
0x210: {  	v8 =	vand.u32 $0xFFFF0000, v8;
	v7 =	vadd.f32 v12, v7;
	v12 =	vld [tilespmem:s26+$0x20];
	v9 =	vmul.f32 v9, v1  }
0x211: {  	s29 =	simm.s32 $0x9680;
	[tilespmem:s24+$0xFFFFFFF0] =	vst v5;
	v8 =	vmul.f32 v8, v1;
	v5 =	vadd.f32 v15, v6;
	v6 =	vshll.u32 v17, $0x10  }
0x212: {  	v15 =	vand.u32 $0xFFFF0000, v17;
	[tilespmem:s29+$0xFFFFFF80] =	vst v7;
	v7 =	vld [tilespmem:s26+$0x60];
	v6 =	vadd.f32 v6, v9;
	v9 =	vshll.u32 v62, $0x10  }
0x213: {  	v8 =	vadd.f32 v15, v8;
	[tilespmem:s29+$0xFFFFFF90] =	vst v5;
	v5 =	vand.u32 $0xFFFF0000, v62;
	v17 =	vmul.f32 v9, v2  }
0x214: {  	v11 =	vadd.f32 v14, v11;
	v15 =	vshll.u32 v16, $0x10;
	v14 =	vld [tilespmem:s28+$0xFFFFFF90];
	v5 =	vmul.f32 v5, v2;
	[tilespmem:s25+$0xFFFFFFC0] =	vst v6  }
0x215: {  	v6 =	vand.u32 $0xFFFF0000, v16;
	v9 =	vld [tilespmem:s28+$0xFFFFFFD0];
	[tilespmem:s25+$0xFFFFFFD0] =	vst v8;
	v15 =	vadd.f32 v15, v17;
	v16 =	vshll.u32 v12, $0x10  }
0x216: {  	s31 =	simm.s32 $0x6;
	[tilespmem:s24+$0xFFFFFFE0] =	vst v4;
	v4 =	vand.u32 $0xFFFF0000, v12;
	v8 =	vld [tilespmem:s26+$0xFFFFFFB0];
	v5 =	vadd.f32 v6, v5;
	v6 =	vmul.f32 v16, v0  }
0x217: {  	v12 =	vmov s31;
	v4 =	vmul.f32 v4, v0;
	[tilespmem:s29+$0x0] =	vst v15;
	v15 =	vshll.u32 v7, $0x10  }
0x218: {  	v12 =	vand.u32 $0xFFFFFFFE, v12;
	v16 =	vand.u32 $0xFFFF0000, v7;
	v7 =	vld [tilespmem:s26+$0xFFFFFFF0];
	[tilespmem:s29+$0x10] =	vst v5;
	v15 =	vadd.f32 v15, v6  }
0x219: {  	[tilespmem:s24+$0x60] =	vst v11;
	v16 =	vadd.f32 v16, v4;
	v5 =	vbroadcast v12, $0x0;
	v4 =	vshll.u32 v14, $0x10;
	v11 =	vld [tilespmem:s28+$0x10]  }
0x21a: {  	v6 =	vadd.f32 v10, v63;
	v17 =	vand.u32 $0xFFFF0000, v14;
	v10 =	vld [tilespmem:s28+$0x50];
	v12 =	vmul.f32 v4, v3;
	[tilespmem:s25+$0x40] =	vst v15  }
0x21b: {  	s22 =	simm.s32 $0x8;
	v14 =	vshll.u32 v9, $0x10;
	v4 =	vld.idx.msk [tilespmem:v13+s20+$0x0], $0xffff;
	v13 =	vmul.f32 v17, v3;
	v15 =	vand.u32 $0xFFFF0000, v8;
	[tilespmem:s25+$0x50] =	vst v16  }
.LBB2_7:
0x21c: {  	p2 =	slt.u32 s22, $0x3E;
	v9 =	vand.u32 $0xFFFF0000, v9;
	v12 =	vadd.f32 v14, v12;
	v14 =	vmul.f32 v15, v1;
	v15 =	vld [tilespmem:s26+$0x30];
	[tilespmem:s24+$0x70] =	vst v6;
	s24 =	smov.u32 s25;
	s25 =	smov.u32 s29  }
0x21d: {  	v8 =	vshll.u32 v8, $0x10;
	v6 =	vadd.f32 v9, v13;
	v9 =	vand.u32 $0xFFFF0000, v7;
	v13 =	vld [tilespmem:s26+$0x70];
	s26 =	smov.u32 s28;
	s28 =	sadd.s32 $0x100, s28  }
0x21e: {  	v16 =	vld [tilespmem:s28+$0xFFFFFF80];
	[tilespmem:s29+$0xFFFFFFA0] =	vst v12;
	v12 =	vshll.u32 v11, $0x10;
	v11 =	vand.u32 $0xFFFF0000, v11;
	v9 =	vadd.f32 v9, v14  }
0x21f: {  	v5 =	vld.idx.msk [tilespmem:v5+s20+$0x0], $0xffff;
	[tilespmem:s29+$0xFFFFFFB0] =	vst v6;
	v6 =	vshll.u32 v10, $0x10;
	v12 =	vmul.f32 v12, v2;
	v11 =	vmul.f32 v11, v2  }
0x220: {  	v7 =	vshll.u32 v7, $0x10;
	v8 =	vmul.f32 v8, v1;
	v1 =	vmovc v3;
	v10 =	vand.u32 $0xFFFF0000, v10;
	v14 =	vld [tilespmem:s28+$0xFFFFFFC0];
	[tilespmem:s24+$0xFFFFFFF0] =	vst v9  }
0x221: {  	v9 =	vld [tilespmem:s26+$0xFFFFFFA0];
	v3 =	vadd.f32 v6, v12;
	v6 =	vadd.f32 v10, v11;
	v10 =	vshll.u32 v15, $0x10  }
0x222: {  	v12 =	vand.u32 $0xFFFF0000, v15;
	v11 =	vld [tilespmem:s28+$0x0];
	v15 =	vshll.u32 v13, $0x10;
	v10 =	vmul.f32 v10, v0  }
0x223: {  	s30 =	sadd.s32 $0x1, s22;
	v19 =	vadd.f32 v7, v8;
	v13 =	vand.u32 $0xFFFF0000, v13;
	v12 =	vmul.f32 v12, v0;
	v0 =	vmovc v2;
	v17 =	vld [tilespmem:s26+$0xFFFFFFE0];
	[tilespmem:s29+$0x20] =	vst v3  }
0x224: {  	v18 =	vmov s30;
	v2 =	vmovc v4;
	v7 =	vshll.u32 v16, $0x10;
	v8 =	vld [tilespmem:s28+$0x40];
	[tilespmem:s29+$0x30] =	vst v6;
	v6 =	vadd.f32 v15, v10  }
0x225: {  	v4 =	vand.u32 $0xFFFF0000, v16;
	v7 =	vmul.f32 v7, v5;
	v10 =	vshll.u32 v14, $0x10;
	v15 =	vld [tilespmem:s26+$0x20];
	[tilespmem:s24+$0xFFFFFFE0] =	vst v19;
	v3 =	vmovc v5  }
0x226: {  	v5 =	vand.u32 $0xFFFF0000, v14;
	v4 =	vmul.f32 v4, v3;
	v14 =	vshll.u32 v9, $0x10;
	v16 =	vld [tilespmem:s26+$0x60];
	[tilespmem:s24+$0x60] =	vst v6  }
0x227: {  	v6 =	vadd.f32 v10, v7;
	v7 =	vand.u32 $0xFFFF0000, v9;
	v9 =	vmul.f32 v14, v1  }
0x228: {  	s29 =	sadd.s32 $0x100, s29;
	v7 =	vmul.f32 v7, v1;
	v4 =	vadd.f32 v5, v4;
	v5 =	vshll.u32 v17, $0x10  }
0x229: {  	v10 =	vand.u32 $0xFFFF0000, v17;
	[tilespmem:s29+$0xFFFFFF80] =	vst v6;
	v6 =	vshll.u32 v11, $0x10;
	v5 =	vadd.f32 v5, v9  }
0x22a: {  	v7 =	vadd.f32 v10, v7;
	[tilespmem:s29+$0xFFFFFF90] =	vst v4;
	v4 =	vand.u32 $0xFFFF0000, v11;
	v6 =	vmul.f32 v6, v2  }
0x22b: {  	v11 =	vshll.u32 v8, $0x10;
	v8 =	vand.u32 $0xFFFF0000, v8;
	v10 =	vld [tilespmem:s28+$0xFFFFFF90];
	v4 =	vmul.f32 v4, v2;
	[tilespmem:s25+$0xFFFFFFC0] =	vst v5  }
0x22c: {  	v9 =	vld [tilespmem:s28+$0xFFFFFFD0];
	v5 =	vadd.f32 v11, v6;
	[tilespmem:s25+$0xFFFFFFD0] =	vst v7;
	v6 =	vshll.u32 v15, $0x10;
	v7 =	vand.u32 $0xFFFF0000, v15  }
0x22d: {  	v4 =	vadd.f32 v8, v4;
	v8 =	vld [tilespmem:s26+$0xFFFFFFB0];
	v6 =	vmul.f32 v6, v0;
	v11 =	vmul.f32 v7, v0  }
.Ltmp2:
0x22e: {  	v14 =	vand.u32 $0xFFFF0000, v16;
	v7 =	vmov s22;
	[tilespmem:s29+$0x0] =	vst v5;
	v5 =	vshll.u32 v16, $0x10;
	(pc) =	sbr.rel @p2 .LBB2_7-.Ltmp2, $4  }
0x22f: {  	v15 =	vand.u32 $0xFFFFFFFE, v7;
	[tilespmem:s29+$0x10] =	vst v4;
	v7 =	vld [tilespmem:s26+$0xFFFFFFF0];
	v4 =	vadd.f32 v5, v6;
	v16 =	vadd.f32 v14, v11  }
0x230: {  	v5 =	vbroadcast v15, $0x0;
	v6 =	vadd.f32 v13, v12;
	v14 =	vshll.u32 v10, $0x10;
	v11 =	vld [tilespmem:s28+$0x10]  }
0x231: {  	v13 =	vand.u32 $0xFFFF0000, v10;
	v12 =	vmul.f32 v14, v3;
	v10 =	vld [tilespmem:s28+$0x50];
	[tilespmem:s25+$0x40] =	vst v4  }
0x232: {  	s22 =	sadd.s32 $0x2, s22;
	v14 =	vshll.u32 v9, $0x10;
	v13 =	vmul.f32 v13, v3;
	v4 =	vld.idx.msk [tilespmem:v18+s20+$0x0], $0xffff;
	v15 =	vand.u32 $0xFFFF0000, v8;
	[tilespmem:s25+$0x50] =	vst v16  }
0x233: {  	_ =	sdelay $0x3  }
0x234: {  	s22 =	sadd.s32 $0x100, s28;
	v5 =	vld.idx.msk [tilespmem:v5+s20+$0x0], $0xffff  }
0x235: {  	v16 =	vld [tilespmem:s22+$0xFFFFFF80]  }
0x236: {  	v17 =	vld [tilespmem:s22+$0xFFFFFFC0]  }
0x237: {  	v18 =	vld [tilespmem:s22+$0x0];
	_ =	sdelay $0x1  }
0x238: {  	v20 =	vld [tilespmem:s22+$0x40]  }
0x239: {  	v19 =	vshll.u32 v16, $0x10  }
0x23a: {  	v16 =	vand.u32 $0xFFFF0000, v16;
	v21 =	vshll.u32 v17, $0x10;
	v19 =	vmul.f32 v19, v5  }
0x23b: {  	v17 =	vand.u32 $0xFFFF0000, v17;
	v63 =	vshll.u32 v18, $0x10;
	v16 =	vmul.f32 v16, v5  }
0x23c: {  	v23 =	vand.u32 $0xFFFF0000, v18;
	v24 =	vmul.f32 v63, v4;
	v19 =	vadd.f32 v21, v19  }
0x23d: {  	s30 =	sadd.s32 $0x100, s29;
	v25 =	vshll.u32 v20, $0x10;
	v16 =	vadd.f32 v17, v16;
	v17 =	vmul.f32 v23, v4  }
0x23e: {  	v26 =	vand.u32 $0xFFFF0000, v20;
	v18 =	vadd.f32 v25, v24;
	[tilespmem:s30+$0xFFFFFF80] =	vst v19  }
0x23f: {  	v30 =	vshll.u32 v11, $0x10;
	[tilespmem:s30+$0xFFFFFF90] =	vst v16;
	v16 =	vadd.f32 v26, v17  }
0x240: {  	v12 =	vadd.f32 v14, v12;
	v32 =	vand.u32 $0xFFFF0000, v11;
	v35 =	vmul.f32 v30, v2;
	[tilespmem:s30+$0x0] =	vst v18;
	v27 =	vld [tilespmem:s22+$0xFFFFFF90]  }
0x241: {  	v9 =	vand.u32 $0xFFFF0000, v9;
	v33 =	vshll.u32 v10, $0x10;
	v11 =	vmul.f32 v32, v2;
	v31 =	vld [tilespmem:s22+$0xFFFFFFD0];
	[tilespmem:s30+$0x10] =	vst v16  }
0x242: {  	v8 =	vshll.u32 v8, $0x10;
	[tilespmem:s29+$0xFFFFFFA0] =	vst v12;
	v36 =	vand.u32 $0xFFFF0000, v10;
	v12 =	vadd.f32 v33, v35;
	v16 =	vld [tilespmem:s22+$0x10]  }
0x243: {  	v28 =	vmul.f32 v15, v1;
	v38 =	vmul.f32 v8, v1;
	v10 =	vadd.f32 v36, v11  }
0x244: {  	v9 =	vadd.f32 v9, v13;
	v29 =	vand.u32 $0xFFFF0000, v7;
	v37 =	vshll.u32 v7, $0x10;
	[tilespmem:s29+$0x20] =	vst v12;
	v40 =	vld [tilespmem:s22+$0x50]  }
0x245: {  	v34 =	vld [tilespmem:s26+$0x30];
	v13 =	vadd.f32 v29, v28;
	v1 =	vadd.f32 v37, v38;
	[tilespmem:s29+$0x30] =	vst v10;
	v39 =	vshll.u32 v27, $0x10  }
0x246: {  	[tilespmem:s29+$0xFFFFFFB0] =	vst v9;
	v50 =	vld [tilespmem:s28+$0x20];
	v42 =	vand.u32 $0xFFFF0000, v27;
	v43 =	vshll.u32 v31, $0x10;
	v8 =	vmul.f32 v39, v5  }
0x247: {  	v41 =	vld [tilespmem:s28+$0xFFFFFFA0];
	v45 =	vand.u32 $0xFFFF0000, v31;
	v14 =	vmul.f32 v42, v5;
	v46 =	vshll.u32 v16, $0x10  }
0x248: {  	v53 =	vld [tilespmem:s28+$0x60];
	v48 =	vand.u32 $0xFFFF0000, v16;
	v8 =	vadd.f32 v43, v8;
	v11 =	vmul.f32 v46, v4  }
0x249: {  	v51 =	vshll.u32 v40, $0x10;
	v47 =	vadd.f32 v45, v14;
	v12 =	vmul.f32 v48, v4  }
0x24a: {  	v44 =	vld [tilespmem:s28+$0xFFFFFFE0];
	v49 =	vshll.u32 v34, $0x10;
	v9 =	vand.u32 $0xFFFF0000, v40;
	[tilespmem:s30+$0xFFFFFFA0] =	vst v8;
	v8 =	vadd.f32 v51, v11  }
0x24b: {  	v57 =	vand.u32 $0xFFFF0000, v34;
	v63 =	vshll.u32 v50, $0x10;
	[tilespmem:s30+$0xFFFFFFB0] =	vst v47;
	v9 =	vadd.f32 v9, v12  }
0x24c: {  	v52 =	vshll.u32 v41, $0x10;
	v20 =	vand.u32 $0xFFFF0000, v50;
	v22 =	vmul.f32 v63, v2;
	v56 =	vld [tilespmem:s22+$0xFFFFFFA0];
	[tilespmem:s30+$0x20] =	vst v8  }
0x24d: {  	v54 =	vand.u32 $0xFFFF0000, v41;
	v24 =	vshll.u32 v53, $0x10;
	v23 =	vmul.f32 v20, v2;
	v61 =	vld [tilespmem:s22+$0xFFFFFFE0];
	[tilespmem:s30+$0x30] =	vst v9  }
0x24e: {  	v55 =	vmul.f32 v52, v3;
	v10 =	vand.u32 $0xFFFF0000, v53;
	v7 =	vadd.f32 v24, v22;
	v21 =	vld [tilespmem:s22+$0x20]  }
0x24f: {  	v58 =	vshll.u32 v44, $0x10;
	v10 =	vadd.f32 v10, v23;
	v11 =	vmul.f32 v54, v3  }
0x250: {  	v59 =	vmul.f32 v49, v0;
	v60 =	vand.u32 $0xFFFF0000, v44;
	v15 =	vadd.f32 v58, v55;
	[tilespmem:s29+$0x40] =	vst v7;
	v26 =	vld [tilespmem:s22+$0x60]  }
0x251: {  	v29 =	vld [tilespmem:s26+$0x70];
	v34 =	vmul.f32 v57, v0;
	[tilespmem:s29+$0x50] =	vst v10;
	v62 =	vadd.f32 v60, v11;
	v25 =	vshll.u32 v56, $0x10  }
0x252: {  	[tilespmem:s29+$0xFFFFFFC0] =	vst v15;
	v35 =	vld [tilespmem:s28+$0x30];
	v28 =	vand.u32 $0xFFFF0000, v56;
	v30 =	vshll.u32 v61, $0x10;
	v14 =	vmul.f32 v25, v5  }
0x253: {  	v37 =	vld [tilespmem:s28+$0x70];
	[tilespmem:s29+$0xFFFFFFD0] =	vst v62;
	v18 =	vand.u32 $0xFFFF0000, v61;
	v9 =	vmul.f32 v28, v5;
	v32 =	vshll.u32 v21, $0x10  }
0x254: {  	v27 =	vld [tilespmem:s28+$0xFFFFFFB0];
	v33 =	vand.u32 $0xFFFF0000, v21;
	v11 =	vadd.f32 v30, v14;
	v14 =	vmul.f32 v32, v4  }
0x255: {  	[tilespmem:s24+$0x70] =	vst v6;
	v36 =	vshll.u32 v26, $0x10;
	v9 =	vadd.f32 v18, v9;
	v10 =	vmul.f32 v33, v4  }
0x256: {  	v41 =	vshll.u32 v29, $0x10;
	v31 =	vld [tilespmem:s28+$0xFFFFFFF0];
	v40 =	vand.u32 $0xFFFF0000, v26;
	[tilespmem:s30+$0xFFFFFFC0] =	vst v11;
	v38 =	vadd.f32 v36, v14  }
0x257: {  	v6 =	vadd.f32 v41, v59;
	v43 =	vand.u32 $0xFFFF0000, v29;
	[tilespmem:s30+$0xFFFFFFD0] =	vst v9;
	v10 =	vadd.f32 v40, v10  }
0x258: {  	v0 =	vadd.f32 v43, v34;
	v48 =	vshll.u32 v35, $0x10;
	v49 =	vand.u32 $0xFFFF0000, v35;
	v42 =	vld [tilespmem:s22+$0xFFFFFFB0];
	[tilespmem:s30+$0x40] =	vst v38  }
0x259: {  	v50 =	vshll.u32 v37, $0x10;
	v53 =	vand.u32 $0xFFFF0000, v37;
	v39 =	vand.u32 $0xFFFF0000, v27;
	v46 =	vld [tilespmem:s22+$0xFFFFFFF0];
	[tilespmem:s30+$0x50] =	vst v10  }
0x25a: {  	[tilespmem:s25+$0xFFFFFFE0] =	vst v1;
	v1 =	vmul.f32 v49, v2;
	v45 =	vshll.u32 v27, $0x10;
	v11 =	vmul.f32 v39, v3;
	v10 =	vld [tilespmem:s22+$0x30]  }
0x25b: {  	[tilespmem:s25+$0xFFFFFFF0] =	vst v13;
	v44 =	vand.u32 $0xFFFF0000, v31;
	v47 =	vmul.f32 v45, v3;
	v9 =	vmul.f32 v48, v2  }
0x25c: {  	[tilespmem:s25+$0x70] =	vst v0;
	v0 =	vadd.f32 v53, v1;
	v7 =	vshll.u32 v31, $0x10;
	v8 =	vadd.f32 v44, v11;
	v52 =	vld [tilespmem:s22+$0x70]  }
0x25d: {  	[tilespmem:s25+$0x60] =	vst v6;
	v3 =	vadd.f32 v7, v47;
	v54 =	vadd.f32 v50, v9;
	v51 =	vand.u32 $0xFFFF0000, v42  }
0x25e: {  	[tilespmem:s29+$0x70] =	vst v0;
	v55 =	vshll.u32 v42, $0x10;
	v56 =	vand.u32 $0xFFFF0000, v46;
	v2 =	vmul.f32 v51, v5  }
0x25f: {  	[tilespmem:s29+$0xFFFFFFF0] =	vst v8;
	v58 =	vshll.u32 v46, $0x10;
	v1 =	vmul.f32 v55, v5;
	v57 =	vshll.u32 v10, $0x10  }
0x260: {  	s23 =	sadd.s32 $0x1, s23;
	[tilespmem:s29+$0xFFFFFFE0] =	vst v3;
	v59 =	vand.u32 $0xFFFF0000, v10;
	v2 =	vadd.f32 v56, v2;
	v3 =	vmul.f32 v57, v4  }
0x261: {  	p2 =	sne.s32 s23, $0x4E;
	[tilespmem:s29+$0x60] =	vst v54;
	v60 =	vshll.u32 v52, $0x10;
	v1 =	vadd.f32 v58, v1;
	v61 =	vmul.f32 v59, v4  }
.Ltmp3:
0x262: {  	v62 =	vand.u32 $0xFFFF0000, v52;
	[tilespmem:s30+$0xFFFFFFF0] =	vst v2;
	v0 =	vadd.f32 v60, v3;
	(pc) =	sbr.rel @p2 .LBB2_4-.Ltmp3, $4  }
0x263: {  	[tilespmem:s30+$0xFFFFFFE0] =	vst v1;
	v63 =	vadd.f32 v62, v61  }
0x264: {  	[tilespmem:s30+$0x60] =	vst v0  }
0x265: {  	[tilespmem:s30+$0x70] =	vst v63  }
0x266: {  	[spmem:s3] =	stream.indirect.scatter.add.f32 [tilespmem:s14], [sflag:$0x5], $0x80, s21, s15, $0xb8;
	[tilespmem:$0x1EE00] =	vst v63  }
0x267: {  	_ =	swait.ge [sflag:s19], $0x2000  }
0x268: {  	[sflag:s19] =	ssyncset.done $0x0  }
0x269: {  	[sflag:s19] =	ssyncadd.s32 $0xFFFFE000  }
0x26a: {  	s22 =	stileid.u32;
	[bflag:$0x0] =	sbarrier.arrive $0xFFFF  }
0x26b: {  	s22 =	sshll.u32 s22, $0x6;
	s23 =	rddreg [dreg:$0xf]  }
0x26c: {  	s22 =	sor.u32 $0x1C06, s22;
	s24 =	rddreg [dreg:$0x19]  }
0x26d: {  	[hbm:s23], [sflag:s22] =	dma.local [spmem:s24], $0x2700  }
0x26e: {  	_ =	swait.ge [sflag:s5], $0x2700  }
0x26f: {  	[sflag:s5] =	ssyncset.done $0x0;
	s23 =	rddreg [dreg:$0x12]  }
0x270: {  	s24 =	rddreg [dreg:$0x1a];
	[sflag:s5] =	ssyncadd.s32 $0xFFFFD900  }
0x271: {  	[hbm:s23], [sflag:s22] =	dma.local @!p1 [spmem:s24], $0x100  }
0x272: {  	s22 =	simm.s32 @!p1 $0x6  }
0x273: {  	_ =	swait.ge @!p1 [sflag:s22], $0x100  }
0x274: {  	[sflag:s22] =	ssyncset.done @!p1 $0x0  }
0x275: {  	s29 =	rddreg [dreg:$0x13];
	[sflag:s22] =	ssyncadd.s32 @!p1 $0xFFFFFF00  }
0x276: {  	[hbm4b:s29+s4] =	stream.linear.scatter [tilespmem:s0], [sflag:$0x6], $0x7D0, $0x38;
	[tilespmem:$0x1EE00] =	vst v63  }
0x277: {  	_ =	swait.ge [sflag:s5], $0x7D0  }
0x278: {  	[sflag:s5] =	ssyncset.done $0x0  }
0x279: {  	s31 =	simm.s32 $0x2F50;
	s30 =	rddreg [dreg:$0x14];
	[sflag:s5] =	ssyncadd.s32 $0xFFFFF830  }
0x27a: {  	[hbm4b:s30+s4] =	stream.linear.scatter [tilespmem:s31], [sflag:$0x6], $0x7D0, $0x38;
	[tilespmem:$0x1EE00] =	vst v63  }
0x27b: {  	_ =	swait.ge [sflag:s5], $0x7D0  }
0x27c: {  	[sflag:s5] =	ssyncset.done $0x0  }
0x27d: {  	s24 =	simm.s32 $0x3720;
	s23 =	rddreg [dreg:$0x15];
	[sflag:s5] =	ssyncadd.s32 $0xFFFFF830  }
0x27e: {  	[hbm4b:s23+s4] =	stream.linear.scatter [tilespmem:s24], [sflag:$0x6], $0x7D0, $0x38;
	[tilespmem:$0x1EE00] =	vst v63  }
0x27f: {  	_ =	swait.ge [sflag:s5], $0x7D0  }
0x280: {  	[sflag:s5] =	ssyncset.done $0x0  }
0x281: {  	s26 =	simm.s32 $0x3EF0;
	s25 =	rddreg [dreg:$0x16];
	[sflag:s5] =	ssyncadd.s32 $0xFFFFF830  }
0x282: {  	[hbm4b:s25+s4] =	stream.linear.scatter [tilespmem:s26], [sflag:$0x6], $0x7D0, $0x38;
	[tilespmem:$0x1EE00] =	vst v63  }
0x283: {  	_ =	swait.ge [sflag:s5], $0x7D0  }
0x284: {  	[sflag:s5] =	ssyncset.done $0x0  }
0x285: {  	s29 =	simm.s32 $0x46C0;
	s28 =	rddreg [dreg:$0x17];
	[sflag:s5] =	ssyncadd.s32 $0xFFFFF830  }
0x286: {  	[hbm4b:s28+s4] =	stream.linear.scatter [tilespmem:s29], [sflag:$0x6], $0x7D0, $0x38;
	[tilespmem:$0x1EE00] =	vst v63  }
0x287: {  	_ =	swait.ge [sflag:s5], $0x7D0  }
0x288: {  	s30 =	rddreg [dreg:$0x1b]  }
0x289: {  	s31 =	rddreg [dreg:$0x18];
	s23 =	sadd.s32 $0x1, s30  }
0x28a: {  	p2 =	sne.s32 s23, s31  }
.Ltmp4:
0x28b: {  	_ = 	snop;
	(pc) =	sbr.rel @p2 .LBB2_1-.Ltmp4, $3  }
0x28c: {  	_ =	sdelay $0x1  }
0x28d: {  	[sflag:s5] =	ssyncset.done $0x0  }
0x28e: {  	[sflag:s5] =	ssyncadd.s32 $0xFFFFF830  }
0x28f: {  	_ =	sfence.sel $0x180000  }
0x290: {  	[bflag:$0x0] =	sbarrier.arrive $0xFFFF  }
0x291: {  	_ =	strace $0x90000047  }
0x292: {  	[bflag:$0x2] =	sbarrier.arrive $0xFFFF  }
0x293: {  	s0 =	rddreg [dreg:$0x4]  }
0x294: {  	s0 =	sadd.s32 @!p0 $0x100000, s0  }
0x295: {  	[sflag:s0] =	ssyncadd.tile.s32 @!p0 $0x1;
	_ =	shalt  }
.Lfunc_end2:
_tile_overlayer_lowered:
.L_overlay_start_2:
0x296: {  	(tag) =	ssettag $0x2  }
0x297: {  	s0 =	rddreg [dreg:$0x0];
	s2 =	stileid.u32  }
0x298: {  	s1 =	rddreg [dreg:$0x1];
	p0 =	sne.s32 s2, $0x0  }
0x299: {  	s3 =	rddreg [dreg:$0x2];
	[bflag:$0x3] =	sbarrier.arrive $0xFFFF;
	s2 =	simm.s32 @!p0 $0x1C06  }
0x29a: {  	[timem:s3], [sflag:s2] =	dma.local @!p0 [hbm:s0], s1  }
0x29b: {  	s0 =	simm.s32 @!p0 $0x6  }
0x29c: {  	_ =	swait.ge @!p0 [sflag:s0], s1  }
0x29d: {  	s1 =	ssub.s32 @!p0 $0x0, s1;
	[sflag:s0] =	ssyncset.done @!p0 $0x0  }
0x29e: {  	[sflag:s0] =	ssyncadd.s32 @!p0 s1  }
0x29f: {  	[bflag:$0x3] =	sbarrier.arrive $0xFFFF  }
0x2a0: {  	_ =	shalt  }

</sc_bundles>
